<compile_context>
chip_gen: v7x
topology: tpu7x:2x2x1
jax: 0.10.2.dev20260603
libtpu: 0.0.44.dev20260713+nightly
codegen_flags: <defaults>
</compile_context>

<pallas_src>
import functools

import jax
import jax.numpy as jnp
from jax import lax
from jax.experimental import pallas as pl
from jax.experimental.pallas import tpu as pltpu
from jax.experimental.pallas import tpu_sc as plsc

_N = 10000
_E = 320000
_D = 128
_DE = 16
_NUM_BLOCKS = 2

_NC = 2
_NS = 16
_NW = _NC * _NS
_EPW = _E // _NW
_CH = 80
_NCH = _EPW // _CH
_ZR = 80
_NZC = _N // _ZR


_BE = 8000


def _emsg_body(ea_ref, we_ref, out_ref):
    out_ref[...] = jnp.dot(ea_ref[...], we_ref[...],
                           preferred_element_type=jnp.float32)


def _edge_messages(edge_attr, W_edge):
    return pl.pallas_call(
        _emsg_body,
        grid=(_E // _BE,),
        in_specs=[
            pl.BlockSpec((_BE, _DE), lambda i: (i, 0)),
            pl.BlockSpec((_DE, _D), lambda i: (0, 0)),
        ],
        out_specs=pl.BlockSpec((_BE, _D), lambda i: (i, 0)),
        out_shape=jax.ShapeDtypeStruct((_E, _D), jnp.float32),
    )(edge_attr, W_edge)


def _sc_body(x_hbm, src_hbm, dst_hbm, emsg_hbm, out_hbm,
             idxs0, idxs1, idxd0, idxd1, idxq0, idxq1,
             emsg0, emsg1, xrow0, xrow1,
             agg_sh, seml0, seml1, semg0, semg1, sems0, sems1, sem):
    c = lax.axis_index("c")
    s = lax.axis_index("s")
    wid = c * _NS + s
    idxs = (idxs0, idxs1)
    idxd = (idxd0, idxd1)
    idxq = (idxq0, idxq1)
    emsg = (emsg0, emsg1)
    xrow = (xrow0, xrow1)
    seml = (seml0, seml1)
    semg = (semg0, semg1)
    sems = (sems0, sems1)

    def _zfill(i, _):
        r = i // 8
        col = (i % 8) * 16
        xrow0[r, pl.ds(col, 16)] = jnp.zeros((16,), jnp.float32)
        return 0
    lax.fori_loop(0, _ZR * 8, _zfill, 0)
    my_nz = jnp.where(s < _NZC - (_NZC // _NS) * _NS, _NZC // _NS + 1,
                      _NZC // _NS)

    def _zchunk(i, _):
        r = (s + i * _NS) * _ZR
        pltpu.sync_copy(xrow0, agg_sh.at[pl.ds(r, _ZR)])
        return 0
    lax.fori_loop(0, my_nz, _zchunk, 0)
    plsc.subcore_barrier()

    e0 = wid * _EPW

    def _lin_start(i, b):
        base = e0 + i * _CH
        pltpu.async_copy(src_hbm.at[pl.ds(base, _CH)], idxs[b], seml[b])
        pltpu.async_copy(dst_hbm.at[pl.ds(base, _CH)], idxd[b], seml[b])
        pltpu.async_copy(emsg_hbm.at[pl.ds(base, _CH)], emsg[b], seml[b])

    def _lin_wait(i, b):
        base = e0 + i * _CH
        pltpu.make_async_copy(src_hbm.at[pl.ds(base, _CH)], idxs[b], seml[b]).wait()
        pltpu.make_async_copy(dst_hbm.at[pl.ds(base, _CH)], idxd[b], seml[b]).wait()
        pltpu.make_async_copy(emsg_hbm.at[pl.ds(base, _CH)], emsg[b], seml[b]).wait()

    def _gather_start(b):
        pltpu.async_copy(x_hbm.at[idxs[b]], xrow[b], semg[b])

    def _gather_wait(b):
        pltpu.make_async_copy(x_hbm.at[idxs[b]], xrow[b], semg[b]).wait()

    def _compute(b):
        xr = xrow[b]
        em = emsg[b]

        def _row(r, _):
            for jj in range(_D // 16):
                sl = pl.ds(jj * 16, 16)
                xr[r, sl] = jnp.maximum(xr[r, sl] + em[r, sl], 0.0)
            return 0
        lax.fori_loop(0, _CH, _row, 0)

    def _scat_start(b):
        for k in range(_CH // 16):
            sl = pl.ds(k * 16, 16)
            idxq[b][sl] = idxd[b][sl]
        pltpu.async_copy(xrow[b], agg_sh.at[idxq[b]], sems[b], add=True)

    def _scat_wait(b):
        pltpu.make_async_copy(xrow[b], agg_sh.at[idxq[b]], sems[b]).wait()

    _lin_start(0, 0)
    _lin_wait(0, 0)
    _gather_start(0)
    _lin_start(1, 1)

    def _step(j, _):
        for b in range(2):
            i = 2 * j + b
            _gather_wait(b)

            @pl.when(i > 0)
            def _():
                _scat_wait(1 - b)

            @pl.when(i + 1 < _NCH)
            def _():
                _lin_wait(i + 1, 1 - b)
                _gather_start(1 - b)

            _compute(b)
            _scat_start(b)

            @pl.when(i + 2 < _NCH)
            def _():
                _lin_start(i + 2, b)
        return 0

    lax.fori_loop(0, (_NCH - 1) // 2, _step, 0)

    _gather_wait(0)
    _scat_wait(1)
    _compute(0)
    _scat_start(0)
    _scat_wait(0)

    plsc.subcore_barrier()

    def _wchunk(i, _):
        r = (s + i * _NS) * _ZR
        pltpu.sync_copy(agg_sh.at[pl.ds(r, _ZR)], xrow0)
        pltpu.sync_copy(xrow0, out_hbm.at[c, pl.ds(r, _ZR)])
        return 0
    lax.fori_loop(0, my_nz, _wchunk, 0)


_sc_aggregate = functools.partial(
    pl.kernel,
    out_type=jax.ShapeDtypeStruct((_NC, _N, _D), jnp.float32),
    mesh=plsc.VectorSubcoreMesh(core_axis_name="c", subcore_axis_name="s"),
    scratch_types=[
        pltpu.VMEM((_CH,), jnp.int32),
        pltpu.VMEM((_CH,), jnp.int32),
        pltpu.VMEM((_CH,), jnp.int32),
        pltpu.VMEM((_CH,), jnp.int32),
        pltpu.VMEM((_CH,), jnp.int32),
        pltpu.VMEM((_CH,), jnp.int32),
        pltpu.VMEM((_CH, _D), jnp.float32),
        pltpu.VMEM((_CH, _D), jnp.float32),
        pltpu.VMEM((_CH, _D), jnp.float32),
        pltpu.VMEM((_CH, _D), jnp.float32),
        pltpu.VMEM_SHARED((_N, _D), jnp.float32),
        pltpu.SemaphoreType.DMA,
        pltpu.SemaphoreType.DMA,
        pltpu.SemaphoreType.DMA,
        pltpu.SemaphoreType.DMA,
        pltpu.SemaphoreType.DMA,
        pltpu.SemaphoreType.DMA,
        pltpu.SemaphoreType.DMA,
    ],
)(_sc_body)


_BN = 2000


def _upd_body(s_ref, x_ref, agg_ref, ws_ref, wn_ref, b_ref, out_ref):
    agg = agg_ref[0] + agg_ref[1]
    y = (jnp.dot(x_ref[...], ws_ref[...], preferred_element_type=jnp.float32)
         + jnp.dot(agg, wn_ref[...], preferred_element_type=jnp.float32)
         + b_ref[...])
    out_ref[...] = y * s_ref[0, 0]


def _node_update(x, parts, W_self, W_nbr, b2d, scale):
    return pl.pallas_call(
        _upd_body,
        grid=(_N // _BN,),
        in_specs=[
            pl.BlockSpec(memory_space=pltpu.SMEM),
            pl.BlockSpec((_BN, _D), lambda i: (i, 0)),
            pl.BlockSpec((_NC, _BN, _D), lambda i: (0, i, 0)),
            pl.BlockSpec((_D, _D), lambda i: (0, 0)),
            pl.BlockSpec((_D, _D), lambda i: (0, 0)),
            pl.BlockSpec((1, _D), lambda i: (0, 0)),
        ],
        out_specs=pl.BlockSpec((_BN, _D), lambda i: (i, 0)),
        out_shape=jax.ShapeDtypeStruct((_N, _D), jnp.float32),
    )(scale, x, parts, W_self, W_nbr, b2d)


def kernel(x, edge_index, edge_attr, W_self, W_edge, W_nbr, b, weights_list):
    src = edge_index[0]
    dst = edge_index[1]
    b2d = b.reshape(1, _D)
    sw = jax.nn.softmax(weights_list, axis=-1)[0]

    emsg = _edge_messages(edge_attr, W_edge)
    for i in range(_NUM_BLOCKS):
        parts = _sc_aggregate(x, src, dst, emsg)
        scale = (sw[i, 0] + sw[i, 1]).reshape(1, 1)
        x = _node_update(x, parts, W_self, W_nbr, b2d, scale)
    return x

# --- scband reference (transcript-rebuilt; emitter-appended) ---
"""Pipeline reference for scband-resnet-8598524526927 (READ-ONLY COPY).

The authoritative reference and input builder live on the scoring server;
editing this copy changes nothing except your own understanding.
"""

import jax, jax.numpy as jnp
import numpy as np

N = 10000
E = 320000
D = 128
DE = 16
NUM_BLOCKS = 2


def setup_inputs(seed: int = 0) -> dict:
    key = jax.random.key(seed)
    ks = jax.random.split(key, 8)
    x = jax.random.normal(ks[0], (N, D), dtype=jnp.float32)
    edge_index = jax.random.randint(ks[1], (2, E), 0, N, dtype=jnp.int32)
    edge_attr = jax.random.normal(ks[2], (E, DE), dtype=jnp.float32)
    # parameters of the (shared) major GNN conv, reused across all blocks
    W_self = jax.random.normal(ks[3], (D, D), dtype=jnp.float32) * 0.05
    W_edge = jax.random.normal(ks[4], (DE, D), dtype=jnp.float32) * 0.05
    W_nbr = jax.random.normal(ks[5], (D, D), dtype=jnp.float32) * 0.05
    b = jnp.zeros((D,), dtype=jnp.float32)
    # Resnet blend weights: torch.rand(1, num_blocks, 2)
    weights_list = jax.random.uniform(ks[6], (1, NUM_BLOCKS, 2), dtype=jnp.float32)
    return {"x": x, "edge_index": edge_index, "edge_attr": edge_attr,
            "W_self": W_self, "W_edge": W_edge, "W_nbr": W_nbr, "b": b,
            "weights_list": weights_list}


def _major_conv(x, edge_index, edge_attr, W_self, W_edge, W_nbr, b):
    # GINE-style edge-conditioned message passing
    src = edge_index[0]
    dst = edge_index[1]
    msgs = jax.nn.relu(jnp.take(x, src, axis=0) + edge_attr @ W_edge)
    agg = jax.ops.segment_sum(msgs, dst, num_segments=N)
    return x @ W_self + agg @ W_nbr + b


def reference(x, edge_index, edge_attr, W_self, W_edge, W_nbr, b, weights_list):
    # softmax over the last dim of the learned blend weights
    softmax_weights = jax.nn.softmax(weights_list, axis=-1)
    sw = jnp.squeeze(softmax_weights, axis=0)  # [num_blocks, 2]
    for i in range(NUM_BLOCKS):
        x = _major_conv(x, edge_index, edge_attr, W_self, W_edge, W_nbr, b)
        # minor_neural_network is None -> identity ghost branch
        data_x_ghost = x
        x = x * sw[i, 0] + data_x_ghost * sw[i, 1]
        # final_activation_layer defaults to Identity
    return x

if __name__ == "__main__":
    import jax
    _d = setup_inputs()
    print(jax.jit(kernel)(*tuple(_d.values())))

</pallas_src>

<mosaic_0001>
#map = affine_map<(d0, d1) -> (0, 0)>
#map1 = affine_map<(d0, d1) -> (0)>
#map2 = affine_map<(d0, d1) -> (0, 0, 0)>
module attributes {stable_mosaic.version = 14 : i64} {
  func.func @_sc_body(%arg0: i32, %arg1: i32, %arg2: memref<10000x128xf32, #tpu.memory_space<hbm>>, %arg3: memref<320000xi32, #tpu.memory_space<hbm>>, %arg4: memref<320000xi32, #tpu.memory_space<hbm>>, %arg5: memref<320000x128xf32, #tpu.memory_space<hbm>>, %arg6: memref<2x10000x128xf32, #tpu.memory_space<hbm>>, %arg7: memref<80xi32, #tpu.memory_space<vmem>>, %arg8: memref<80xi32, #tpu.memory_space<vmem>>, %arg9: memref<80xi32, #tpu.memory_space<vmem>>, %arg10: memref<80xi32, #tpu.memory_space<vmem>>, %arg11: memref<80xi32, #tpu.memory_space<vmem>>, %arg12: memref<80xi32, #tpu.memory_space<vmem>>, %arg13: memref<80x128xf32, #tpu.memory_space<vmem>>, %arg14: memref<80x128xf32, #tpu.memory_space<vmem>>, %arg15: memref<80x128xf32, #tpu.memory_space<vmem>>, %arg16: memref<80x128xf32, #tpu.memory_space<vmem>>, %arg17: memref<10000x128xf32, #tpu.memory_space<vmem_shared>>, %arg18: memref<!tpu.dma_semaphore, #tpu.memory_space<semaphore_mem>>, %arg19: memref<!tpu.dma_semaphore, #tpu.memory_space<semaphore_mem>>, %arg20: memref<!tpu.dma_semaphore, #tpu.memory_space<semaphore_mem>>, %arg21: memref<!tpu.dma_semaphore, #tpu.memory_space<semaphore_mem>>, %arg22: memref<!tpu.dma_semaphore, #tpu.memory_space<semaphore_mem>>, %arg23: memref<!tpu.dma_semaphore, #tpu.memory_space<semaphore_mem>>, %arg24: memref<!tpu.dma_semaphore, #tpu.memory_space<semaphore_mem>>) attributes {dimension_semantics = [#tpu.dimension_semantics<core_parallel>, #tpu.dimension_semantics<subcore_parallel>], iteration_bounds = array<i64: 2, 16>, scalar_prefetch = 0 : i64, scratch_operands = 18 : i64, tpu.core_type = #tpu.core_type<sc_vector_subcore>, window_params = [{transform_indices = #map}, {transform_indices = #map1}, {transform_indices = #map1}, {transform_indices = #map}, {transform_indices = #map2}]} {
    %mul3A = arith.constant 16 : i32
    %mul3A_0 = arith.muli %arg0, %mul3A : i32
    %add3A = arith.addi %mul3A_0, %arg1 : i32
    %scan3A = arith.constant 0 : i32
    %scan3A_1 = arith.constant 0 : i32
    %scan3A_2 = arith.constant 640 : i32
    %scan3A_3 = arith.addi %scan3A_1, %scan3A_2 : i32
    %scan3A_4 = arith.constant 1 : i32
    %scan3A_5 = scf.for %scan3A_125 = %scan3A_1 to %scan3A_3 step %scan3A_4 iter_args(%scan3A_126 = %scan3A) -> (i32)  : i32 {
      %jit3A_127 = arith.constant 8 : i32
      %div3A = arith.divsi %scan3A_125, %jit3A_127 : i32
      %sign3A = arith.constant 0 : i32
      %sign3A_128 = arith.cmpi sgt, %scan3A_125, %sign3A : i32
      %sign3A_129 = arith.extui %sign3A_128 : i1 to i32
      %sign3A_130 = arith.constant 0 : i32
      %sign3A_131 = arith.cmpi slt, %scan3A_125, %sign3A_130 : i32
      %sign3A_132 = arith.extui %sign3A_131 : i1 to i32
      %sign3A_133 = arith.subi %sign3A_129, %sign3A_132 : i32
      %sign3A_134 = arith.constant 0 : i32
      %sign3A_135 = arith.cmpi sgt, %jit3A_127, %sign3A_134 : i32
      %sign3A_136 = arith.extui %sign3A_135 : i1 to i32
      %sign3A_137 = arith.constant 0 : i32
      %sign3A_138 = arith.cmpi slt, %jit3A_127, %sign3A_137 : i32
      %sign3A_139 = arith.extui %sign3A_138 : i1 to i32
      %sign3A_140 = arith.subi %sign3A_136, %sign3A_139 : i32
      %ne3A = arith.cmpi ne, %sign3A_133, %sign3A_140 : i32
      %rem3A = arith.remsi %scan3A_125, %jit3A_127 : i32
      %ne3A_141 = arith.constant 0 : i32
      %ne3A_142 = arith.cmpi ne, %rem3A, %ne3A_141 : i32
      %and3A = arith.andi %ne3A, %ne3A_142 : i1
      %sub3A = arith.constant 1 : i32
      %sub3A_143 = arith.subi %div3A, %sub3A : i32
      %select_n3A_144 = arith.select %and3A, %sub3A_143, %div3A : i32
      %jit3A_145 = arith.constant 8 : i32
      %eq3A = arith.constant 0 : i32
      %eq3A_146 = arith.cmpi eq, %jit3A_145, %eq3A : i32
      %jit3A_147 = arith.constant 1 : i32
      %select_n3A_148 = arith.select %eq3A_146, %jit3A_147, %jit3A_145 : i32
      %rem3A_149 = arith.remsi %scan3A_125, %select_n3A_148 : i32
      %ne3A_150 = arith.constant 0 : i32
      %ne3A_151 = arith.cmpi ne, %rem3A_149, %ne3A_150 : i32
      %lt3A_152 = arith.constant 0 : i32
      %lt3A_153 = arith.cmpi slt, %rem3A_149, %lt3A_152 : i32
      %lt3A_154 = arith.constant 0 : i32
      %lt3A_155 = arith.cmpi slt, %select_n3A_148, %lt3A_154 : i32
      %ne3A_156 = arith.xori %lt3A_153, %lt3A_155 : i1
      %and3A_157 = arith.andi %ne3A_156, %ne3A_151 : i1
      %add3A_158 = arith.addi %rem3A_149, %select_n3A_148 : i32
      %select_n3A_159 = arith.select %and3A_157, %add3A_158, %rem3A_149 : i32
      %mul3A_160 = arith.constant 16 : i32
      %mul3A_161 = arith.muli %select_n3A_159, %mul3A_160 : i32
      %broadcast_in_dim3A = arith.constant 0.000000e+00 : f32
      %broadcast_in_dim3A_162 = vector.broadcast %broadcast_in_dim3A : f32 to vector<16xf32>
      %swap3A_163 = arith.index_cast %select_n3A_144 : i32 to index
      %swap3A_164 = arith.index_cast %mul3A_161 : i32 to index
      %swap3A_165 = tpu.vector_load %arg15[%swap3A_163, %swap3A_164] {strides = array<i32>} : memref<80x128xf32, #tpu.memory_space<vmem>>, vector<1x16xf32>,
      %swap3A_166 = vector.shape_cast %swap3A_165 : vector<1x16xf32> to vector<16xf32>
      %swap3A_167 = vector.shape_cast %broadcast_in_dim3A_162 : vector<16xf32> to vector<1x16xf32>
      tpu.vector_store %arg15[%swap3A_163, %swap3A_164], %swap3A_167 {strides = array<i32>} : memref<80x128xf32, #tpu.memory_space<vmem>>, vector<1x16xf32>,
      %scan3A_168 = arith.constant 0 : i32
      scf.yield %scan3A_168 : i32
    }
    %scan3A_6 = arith.constant 640 : i32
    %lt3A = arith.constant 13 : i32
    %lt3A_7 = arith.cmpi slt, %arg1, %lt3A : i32
    %jit3A = arith.constant 8 : i32
    %jit3A_8 = arith.constant 7 : i32
    %select_n3A = arith.select %lt3A_7, %jit3A, %jit3A_8 : i32
    %while3A = arith.constant 0 : i32
    %while3A_9 = arith.constant 0 : i32
    %while3A_10 = arith.subi %select_n3A, %while3A : i32
    %while3A_11 = arith.addi %while3A, %while3A_10 : i32
    %while3A_12 = arith.constant 1 : i32
    %while3A_13 = arith.divsi %while3A_10, %while3A_12 : i32
    %while3A_14 = arith.muli %while3A_13, %while3A_12 : i32
    %while3A_15 = arith.addi %while3A, %while3A_14 : i32
    %while3A_16 = arith.constant 1 : i32
    %while3A_17 = scf.for %while3A_125 = %while3A to %while3A_15 step %while3A_16 iter_args(%while3A_126 = %while3A_9) -> (i32)  : i32 {
      %mul3A_127 = arith.constant 16 : i32
      %mul3A_128 = arith.muli %while3A_125, %mul3A_127 : i32
      %add3A_129 = arith.addi %arg1, %mul3A_128 : i32
      %mul3A_130 = arith.constant 80 : i32
      %mul3A_131 = arith.muli %add3A_129, %mul3A_130 : i32
      "tpu.region"() ({
        %run_scoped3A = tpu.sem_alloc : memref<!tpu.dma_semaphore, #tpu.memory_space<semaphore_mem>>
        %dma_start3A_133 = arith.constant 0 : i32
        %dma_start3A_134 = tpu.memref_slice %arg17[%mul3A_131, %dma_start3A_133] : memref<10000x128xf32, #tpu.memory_space<vmem_shared>> -> memref<80x128xf32, #tpu.memory_space<vmem_shared>>
        %dma_start3A_135 = arith.constant 0 : i32
        %dma_start3A_136 = tpu.memref_slice %arg17[%mul3A_131, %dma_start3A_135] : memref<10000x128xf32, #tpu.memory_space<vmem_shared>> -> memref<80x128xf32, #tpu.memory_space<vmem_shared>>
        tpu.enqueue_dma source(%arg15 : memref<80x128xf32, #tpu.memory_space<vmem>>) target(%dma_start3A_136 : memref<80x128xf32, #tpu.memory_space<vmem_shared>>) target_semaphore(%run_scoped3A : memref<!tpu.dma_semaphore, #tpu.memory_space<semaphore_mem>>)
        %dma_wait3A_137 = arith.constant 0 : i32
        %dma_wait3A_138 = tpu.memref_slice %arg17[%mul3A_131, %dma_wait3A_137] : memref<10000x128xf32, #tpu.memory_space<vmem_shared>> -> memref<80x128xf32, #tpu.memory_space<vmem_shared>>
        %dma_wait3A_139 = arith.constant 0 : i32
        %dma_wait3A_140 = tpu.memref_slice %arg17[%mul3A_131, %dma_wait3A_139] : memref<10000x128xf32, #tpu.memory_space<vmem_shared>> -> memref<80x128xf32, #tpu.memory_space<vmem_shared>>
        tpu.wait_dma2 semaphore(%run_scoped3A : memref<!tpu.dma_semaphore, #tpu.memory_space<semaphore_mem>>) src(%arg15 : memref<80x128xf32, #tpu.memory_space<vmem>>) dst(%dma_wait3A_140 : memref<80x128xf32, #tpu.memory_space<vmem_shared>>)
        tpu.yield
      }) : () -> ()
      %while3A_132 = arith.constant 0 : i32
      scf.yield %while3A_132 : i32
    }
    %while3A_18 = arith.constant 1 : i32
    %while3A_19 = scf.for %while3A_125 = %while3A_15 to %while3A_11 step %while3A_18 iter_args(%while3A_126 = %while3A_17) -> (i32)  : i32 {
      %mul3A_127 = arith.constant 16 : i32
      %mul3A_128 = arith.muli %while3A_125, %mul3A_127 : i32
      %add3A_129 = arith.addi %arg1, %mul3A_128 : i32
      %mul3A_130 = arith.constant 80 : i32
      %mul3A_131 = arith.muli %add3A_129, %mul3A_130 : i32
      "tpu.region"() ({
        %run_scoped3A = tpu.sem_alloc : memref<!tpu.dma_semaphore, #tpu.memory_space<semaphore_mem>>
        %dma_start3A_133 = arith.constant 0 : i32
        %dma_start3A_134 = tpu.memref_slice %arg17[%mul3A_131, %dma_start3A_133] : memref<10000x128xf32, #tpu.memory_space<vmem_shared>> -> memref<80x128xf32, #tpu.memory_space<vmem_shared>>
        %dma_start3A_135 = arith.constant 0 : i32
        %dma_start3A_136 = tpu.memref_slice %arg17[%mul3A_131, %dma_start3A_135] : memref<10000x128xf32, #tpu.memory_space<vmem_shared>> -> memref<80x128xf32, #tpu.memory_space<vmem_shared>>
        tpu.enqueue_dma source(%arg15 : memref<80x128xf32, #tpu.memory_space<vmem>>) target(%dma_start3A_136 : memref<80x128xf32, #tpu.memory_space<vmem_shared>>) target_semaphore(%run_scoped3A : memref<!tpu.dma_semaphore, #tpu.memory_space<semaphore_mem>>)
        %dma_wait3A_137 = arith.constant 0 : i32
        %dma_wait3A_138 = tpu.memref_slice %arg17[%mul3A_131, %dma_wait3A_137] : memref<10000x128xf32, #tpu.memory_space<vmem_shared>> -> memref<80x128xf32, #tpu.memory_space<vmem_shared>>
        %dma_wait3A_139 = arith.constant 0 : i32
        %dma_wait3A_140 = tpu.memref_slice %arg17[%mul3A_131, %dma_wait3A_139] : memref<10000x128xf32, #tpu.memory_space<vmem_shared>> -> memref<80x128xf32, #tpu.memory_space<vmem_shared>>
        tpu.wait_dma2 semaphore(%run_scoped3A : memref<!tpu.dma_semaphore, #tpu.memory_space<semaphore_mem>>) src(%arg15 : memref<80x128xf32, #tpu.memory_space<vmem>>) dst(%dma_wait3A_140 : memref<80x128xf32, #tpu.memory_space<vmem_shared>>)
        tpu.yield
      }) : () -> ()
      %while3A_132 = arith.constant 0 : i32
      scf.yield %while3A_132 : i32
    }
    %barrier3A = arith.constant 0 : index
    tpu.barrier barrier_id(%barrier3A)
    %mul3A_20 = arith.constant 10000 : i32
    %mul3A_21 = arith.muli %add3A, %mul3A_20 : i32
    %add3A_22 = arith.constant 0 : i32
    %add3A_23 = arith.addi %mul3A_21, %add3A_22 : i32
    %dma_start3A = tpu.memref_slice %arg3[%add3A_23] : memref<320000xi32, #tpu.memory_space<hbm>> -> memref<80xi32, #tpu.memory_space<hbm>>
    %dma_start3A_24 = tpu.memref_slice %arg3[%add3A_23] : memref<320000xi32, #tpu.memory_space<hbm>> -> memref<80xi32, #tpu.memory_space<hbm>>
    tpu.enqueue_dma source(%dma_start3A_24 : memref<80xi32, #tpu.memory_space<hbm>>) target(%arg7 : memref<80xi32, #tpu.memory_space<vmem>>) target_semaphore(%arg18 : memref<!tpu.dma_semaphore, #tpu.memory_space<semaphore_mem>>)
    %dma_start3A_25 = tpu.memref_slice %arg4[%add3A_23] : memref<320000xi32, #tpu.memory_space<hbm>> -> memref<80xi32, #tpu.memory_space<hbm>>
    %dma_start3A_26 = tpu.memref_slice %arg4[%add3A_23] : memref<320000xi32, #tpu.memory_space<hbm>> -> memref<80xi32, #tpu.memory_space<hbm>>
    tpu.enqueue_dma source(%dma_start3A_26 : memref<80xi32, #tpu.memory_space<hbm>>) target(%arg9 : memref<80xi32, #tpu.memory_space<vmem>>) target_semaphore(%arg18 : memref<!tpu.dma_semaphore, #tpu.memory_space<semaphore_mem>>)
    %dma_start3A_27 = arith.constant 0 : i32
    %dma_start3A_28 = tpu.memref_slice %arg5[%add3A_23, %dma_start3A_27] : memref<320000x128xf32, #tpu.memory_space<hbm>> -> memref<80x128xf32, #tpu.memory_space<hbm>>
    %dma_start3A_29 = arith.constant 0 : i32
    %dma_start3A_30 = tpu.memref_slice %arg5[%add3A_23, %dma_start3A_29] : memref<320000x128xf32, #tpu.memory_space<hbm>> -> memref<80x128xf32, #tpu.memory_space<hbm>>
    tpu.enqueue_dma source(%dma_start3A_30 : memref<80x128xf32, #tpu.memory_space<hbm>>) target(%arg13 : memref<80x128xf32, #tpu.memory_space<vmem>>) target_semaphore(%arg18 : memref<!tpu.dma_semaphore, #tpu.memory_space<semaphore_mem>>)
    %add3A_31 = arith.constant 0 : i32
    %add3A_32 = arith.addi %mul3A_21, %add3A_31 : i32
    %dma_wait3A = tpu.memref_slice %arg3[%add3A_32] : memref<320000xi32, #tpu.memory_space<hbm>> -> memref<80xi32, #tpu.memory_space<hbm>>
    %dma_wait3A_33 = tpu.memref_slice %arg3[%add3A_32] : memref<320000xi32, #tpu.memory_space<hbm>> -> memref<80xi32, #tpu.memory_space<hbm>>
    tpu.wait_dma2 semaphore(%arg18 : memref<!tpu.dma_semaphore, #tpu.memory_space<semaphore_mem>>) src(%dma_wait3A_33 : memref<80xi32, #tpu.memory_space<hbm>>) dst(%arg7 : memref<80xi32, #tpu.memory_space<vmem>>)
    %dma_wait3A_34 = tpu.memref_slice %arg4[%add3A_32] : memref<320000xi32, #tpu.memory_space<hbm>> -> memref<80xi32, #tpu.memory_space<hbm>>
    %dma_wait3A_35 = tpu.memref_slice %arg4[%add3A_32] : memref<320000xi32, #tpu.memory_space<hbm>> -> memref<80xi32, #tpu.memory_space<hbm>>
    tpu.wait_dma2 semaphore(%arg18 : memref<!tpu.dma_semaphore, #tpu.memory_space<semaphore_mem>>) src(%dma_wait3A_35 : memref<80xi32, #tpu.memory_space<hbm>>) dst(%arg9 : memref<80xi32, #tpu.memory_space<vmem>>)
    %dma_wait3A_36 = arith.constant 0 : i32
    %dma_wait3A_37 = tpu.memref_slice %arg5[%add3A_32, %dma_wait3A_36] : memref<320000x128xf32, #tpu.memory_space<hbm>> -> memref<80x128xf32, #tpu.memory_space<hbm>>
    %dma_wait3A_38 = arith.constant 0 : i32
    %dma_wait3A_39 = tpu.memref_slice %arg5[%add3A_32, %dma_wait3A_38] : memref<320000x128xf32, #tpu.memory_space<hbm>> -> memref<80x128xf32, #tpu.memory_space<hbm>>
    tpu.wait_dma2 semaphore(%arg18 : memref<!tpu.dma_semaphore, #tpu.memory_space<semaphore_mem>>) src(%dma_wait3A_39 : memref<80x128xf32, #tpu.memory_space<hbm>>) dst(%arg13 : memref<80x128xf32, #tpu.memory_space<vmem>>)
    %dma_start3A_40 = arith.constant 0 : i32
    %dma_start3A_41 = arith.constant 0 : i32
    %dma_start3A_42 = tpu.memref_slice %arg2[%dma_start3A_40, %dma_start3A_41] : memref<10000x128xf32, #tpu.memory_space<hbm>> -> memref<10000x128xf32, #tpu.memory_space<hbm>>
    tpu.enqueue_indirect_dma source(%dma_start3A_42 : memref<10000x128xf32, #tpu.memory_space<hbm>>) target(%arg15 : memref<80x128xf32, #tpu.memory_space<vmem>>) offsets(%arg7 : memref<80xi32, #tpu.memory_space<vmem>>) semaphore(%arg20 : memref<!tpu.dma_semaphore, #tpu.memory_space<semaphore_mem>>)
    %add3A_43 = arith.constant 80 : i32
    %add3A_44 = arith.addi %mul3A_21, %add3A_43 : i32
    %dma_start3A_45 = tpu.memref_slice %arg3[%add3A_44] : memref<320000xi32, #tpu.memory_space<hbm>> -> memref<80xi32, #tpu.memory_space<hbm>>
    %dma_start3A_46 = tpu.memref_slice %arg3[%add3A_44] : memref<320000xi32, #tpu.memory_space<hbm>> -> memref<80xi32, #tpu.memory_space<hbm>>
    tpu.enqueue_dma source(%dma_start3A_46 : memref<80xi32, #tpu.memory_space<hbm>>) target(%arg8 : memref<80xi32, #tpu.memory_space<vmem>>) target_semaphore(%arg19 : memref<!tpu.dma_semaphore, #tpu.memory_space<semaphore_mem>>)
    %dma_start3A_47 = tpu.memref_slice %arg4[%add3A_44] : memref<320000xi32, #tpu.memory_space<hbm>> -> memref<80xi32, #tpu.memory_space<hbm>>
    %dma_start3A_48 = tpu.memref_slice %arg4[%add3A_44] : memref<320000xi32, #tpu.memory_space<hbm>> -> memref<80xi32, #tpu.memory_space<hbm>>
    tpu.enqueue_dma source(%dma_start3A_48 : memref<80xi32, #tpu.memory_space<hbm>>) target(%arg10 : memref<80xi32, #tpu.memory_space<vmem>>) target_semaphore(%arg19 : memref<!tpu.dma_semaphore, #tpu.memory_space<semaphore_mem>>)
    %dma_start3A_49 = arith.constant 0 : i32
    %dma_start3A_50 = tpu.memref_slice %arg5[%add3A_44, %dma_start3A_49] : memref<320000x128xf32, #tpu.memory_space<hbm>> -> memref<80x128xf32, #tpu.memory_space<hbm>>
    %dma_start3A_51 = arith.constant 0 : i32
    %dma_start3A_52 = tpu.memref_slice %arg5[%add3A_44, %dma_start3A_51] : memref<320000x128xf32, #tpu.memory_space<hbm>> -> memref<80x128xf32, #tpu.memory_space<hbm>>
    tpu.enqueue_dma source(%dma_start3A_52 : memref<80x128xf32, #tpu.memory_space<hbm>>) target(%arg14 : memref<80x128xf32, #tpu.memory_space<vmem>>) target_semaphore(%arg19 : memref<!tpu.dma_semaphore, #tpu.memory_space<semaphore_mem>>)
    %scan3A_53 = arith.constant 0 : i32
    %scan3A_54 = arith.constant 0 : i32
    %scan3A_55 = arith.constant 62 : i32
    %scan3A_56 = arith.addi %scan3A_54, %scan3A_55 : i32
    %scan3A_57 = arith.constant 1 : i32
    %scan3A_58 = scf.for %scan3A_125 = %scan3A_54 to %scan3A_56 step %scan3A_57 iter_args(%scan3A_126 = %scan3A_53) -> (i32)  : i32 {
      %mul3A_127 = arith.constant 2 : i32
      %mul3A_128 = arith.muli %mul3A_127, %scan3A_125 : i32
      %add3A_129 = arith.constant 0 : i32
      %add3A_130 = arith.addi %mul3A_128, %add3A_129 : i32
      %dma_wait3A_131 = arith.constant 0 : i32
      %dma_wait3A_132 = arith.constant 0 : i32
      %dma_wait3A_133 = tpu.memref_slice %arg2[%dma_wait3A_131, %dma_wait3A_132] : memref<10000x128xf32, #tpu.memory_space<hbm>> -> memref<10000x128xf32, #tpu.memory_space<hbm>>
      tpu.wait_indirect_dma semaphore(%arg20 : memref<!tpu.dma_semaphore, #tpu.memory_space<semaphore_mem>>) src(%dma_wait3A_133 : memref<10000x128xf32, #tpu.memory_space<hbm>>) dst(%arg15 : memref<80x128xf32, #tpu.memory_space<vmem>>)
      %gt3A = arith.constant 0 : i32
      %gt3A_134 = arith.cmpi sgt, %add3A_130, %gt3A : i32
      %convert_element_type3A = arith.extui %gt3A_134 : i1 to i32
      %cond3A = arith.constant 0 : i32
      %cond3A_135 = arith.cmpi ne, %convert_element_type3A, %cond3A : i32
      scf.if %cond3A_135 {
        %dma_wait3A_267 = arith.constant 0 : i32
        %dma_wait3A_268 = arith.constant 0 : i32
        %dma_wait3A_269 = tpu.memref_slice %arg17[%dma_wait3A_267, %dma_wait3A_268] : memref<10000x128xf32, #tpu.memory_space<vmem_shared>> -> memref<10000x128xf32, #tpu.memory_space<vmem_shared>>
        tpu.wait_indirect_dma semaphore(%arg23 : memref<!tpu.dma_semaphore, #tpu.memory_space<semaphore_mem>>) src(%arg16 : memref<80x128xf32, #tpu.memory_space<vmem>>) dst(%dma_wait3A_269 : memref<10000x128xf32, #tpu.memory_space<vmem_shared>>)
      } else {
      }
      %add3A_136 = arith.constant 1 : i32
      %add3A_137 = arith.addi %add3A_130, %add3A_136 : i32
      %lt3A_138 = arith.constant 125 : i32
      %lt3A_139 = arith.cmpi slt, %add3A_137, %lt3A_138 : i32
      %convert_element_type3A_140 = arith.extui %lt3A_139 : i1 to i32
      %cond3A_141 = arith.constant 0 : i32
      %cond3A_142 = arith.cmpi ne, %convert_element_type3A_140, %cond3A_141 : i32
      scf.if %cond3A_142 {
        %add3A_267 = arith.constant 1 : i32
        %add3A_268 = arith.addi %add3A_130, %add3A_267 : i32
        %mul3A_269 = arith.constant 80 : i32
        %mul3A_270 = arith.muli %add3A_268, %mul3A_269 : i32
        %add3A_271 = arith.addi %mul3A_21, %mul3A_270 : i32
        %dma_wait3A_272 = tpu.memref_slice %arg3[%add3A_271] : memref<320000xi32, #tpu.memory_space<hbm>> -> memref<80xi32, #tpu.memory_space<hbm>>
        %dma_wait3A_273 = tpu.memref_slice %arg3[%add3A_271] : memref<320000xi32, #tpu.memory_space<hbm>> -> memref<80xi32, #tpu.memory_space<hbm>>
        tpu.wait_dma2 semaphore(%arg19 : memref<!tpu.dma_semaphore, #tpu.memory_space<semaphore_mem>>) src(%dma_wait3A_273 : memref<80xi32, #tpu.memory_space<hbm>>) dst(%arg8 : memref<80xi32, #tpu.memory_space<vmem>>)
        %dma_wait3A_274 = tpu.memref_slice %arg4[%add3A_271] : memref<320000xi32, #tpu.memory_space<hbm>> -> memref<80xi32, #tpu.memory_space<hbm>>
        %dma_wait3A_275 = tpu.memref_slice %arg4[%add3A_271] : memref<320000xi32, #tpu.memory_space<hbm>> -> memref<80xi32, #tpu.memory_space<hbm>>
        tpu.wait_dma2 semaphore(%arg19 : memref<!tpu.dma_semaphore, #tpu.memory_space<semaphore_mem>>) src(%dma_wait3A_275 : memref<80xi32, #tpu.memory_space<hbm>>) dst(%arg10 : memref<80xi32, #tpu.memory_space<vmem>>)
        %dma_wait3A_276 = arith.constant 0 : i32
        %dma_wait3A_277 = tpu.memref_slice %arg5[%add3A_271, %dma_wait3A_276] : memref<320000x128xf32, #tpu.memory_space<hbm>> -> memref<80x128xf32, #tpu.memory_space<hbm>>
        %dma_wait3A_278 = arith.constant 0 : i32
        %dma_wait3A_279 = tpu.memref_slice %arg5[%add3A_271, %dma_wait3A_278] : memref<320000x128xf32, #tpu.memory_space<hbm>> -> memref<80x128xf32, #tpu.memory_space<hbm>>
        tpu.wait_dma2 semaphore(%arg19 : memref<!tpu.dma_semaphore, #tpu.memory_space<semaphore_mem>>) src(%dma_wait3A_279 : memref<80x128xf32, #tpu.memory_space<hbm>>) dst(%arg14 : memref<80x128xf32, #tpu.memory_space<vmem>>)
        %dma_start3A_280 = arith.constant 0 : i32
        %dma_start3A_281 = arith.constant 0 : i32
        %dma_start3A_282 = tpu.memref_slice %arg2[%dma_start3A_280, %dma_start3A_281] : memref<10000x128xf32, #tpu.memory_space<hbm>> -> memref<10000x128xf32, #tpu.memory_space<hbm>>
        tpu.enqueue_indirect_dma source(%dma_start3A_282 : memref<10000x128xf32, #tpu.memory_space<hbm>>) target(%arg16 : memref<80x128xf32, #tpu.memory_space<vmem>>) offsets(%arg8 : memref<80xi32, #tpu.memory_space<vmem>>) semaphore(%arg21 : memref<!tpu.dma_semaphore, #tpu.memory_space<semaphore_mem>>)
      } else {
      }
      %scan3A_143 = arith.constant 0 : i32
      %scan3A_144 = arith.constant 0 : i32
      %scan3A_145 = arith.constant 80 : i32
      %scan3A_146 = arith.addi %scan3A_144, %scan3A_145 : i32
      %scan3A_147 = arith.constant 1 : i32
      %scan3A_148 = scf.for %scan3A_267 = %scan3A_144 to %scan3A_146 step %scan3A_147 iter_args(%scan3A_268 = %scan3A_143) -> (i32)  : i32 {
        %get3A_269 = arith.index_cast %scan3A_267 : i32 to index
        %get3A_270 = arith.constant 0 : index
        %get3A_271 = tpu.vector_load %arg15[%get3A_269, %get3A_270] {strides = array<i32>} : memref<80x128xf32, #tpu.memory_space<vmem>>, vector<1x16xf32>,
        %get3A_272 = vector.shape_cast %get3A_271 : vector<1x16xf32> to vector<16xf32>
        %get3A_273 = arith.index_cast %scan3A_267 : i32 to index
        %get3A_274 = arith.constant 0 : index
        %get3A_275 = tpu.vector_load %arg13[%get3A_273, %get3A_274] {strides = array<i32>} : memref<80x128xf32, #tpu.memory_space<vmem>>, vector<1x16xf32>,
        %get3A_276 = vector.shape_cast %get3A_275 : vector<1x16xf32> to vector<16xf32>
        %add3A_277 = arith.addf %get3A_272, %get3A_276 : vector<16xf32>
        %max3A = arith.constant 0.000000e+00 : f32
        %max3A_278 = vector.broadcast %max3A : f32 to vector<16xf32>
        %max3A_279 = arith.maximumf %add3A_277, %max3A_278 : vector<16xf32>
        %swap3A_280 = arith.index_cast %scan3A_267 : i32 to index
        %swap3A_281 = arith.constant 0 : index
        %swap3A_282 = tpu.vector_load %arg15[%swap3A_280, %swap3A_281] {strides = array<i32>} : memref<80x128xf32, #tpu.memory_space<vmem>>, vector<1x16xf32>,
        %swap3A_283 = vector.shape_cast %swap3A_282 : vector<1x16xf32> to vector<16xf32>
        %swap3A_284 = vector.shape_cast %max3A_279 : vector<16xf32> to vector<1x16xf32>
        tpu.vector_store %arg15[%swap3A_280, %swap3A_281], %swap3A_284 {strides = array<i32>} : memref<80x128xf32, #tpu.memory_space<vmem>>, vector<1x16xf32>,
        %get3A_285 = arith.index_cast %scan3A_267 : i32 to index
        %get3A_286 = arith.constant 16 : index
        %get3A_287 = tpu.vector_load %arg15[%get3A_285, %get3A_286] {strides = array<i32>} : memref<80x128xf32, #tpu.memory_space<vmem>>, vector<1x16xf32>,
        %get3A_288 = vector.shape_cast %get3A_287 : vector<1x16xf32> to vector<16xf32>
        %get3A_289 = arith.index_cast %scan3A_267 : i32 to index
        %get3A_290 = arith.constant 16 : index
        %get3A_291 = tpu.vector_load %arg13[%get3A_289, %get3A_290] {strides = array<i32>} : memref<80x128xf32, #tpu.memory_space<vmem>>, vector<1x16xf32>,
        %get3A_292 = vector.shape_cast %get3A_291 : vector<1x16xf32> to vector<16xf32>
        %add3A_293 = arith.addf %get3A_288, %get3A_292 : vector<16xf32>
        %max3A_294 = arith.constant 0.000000e+00 : f32
        %max3A_295 = vector.broadcast %max3A_294 : f32 to vector<16xf32>
        %max3A_296 = arith.maximumf %add3A_293, %max3A_295 : vector<16xf32>
        %swap3A_297 = arith.index_cast %scan3A_267 : i32 to index
        %swap3A_298 = arith.constant 16 : index
        %swap3A_299 = tpu.vector_load %arg15[%swap3A_297, %swap3A_298] {strides = array<i32>} : memref<80x128xf32, #tpu.memory_space<vmem>>, vector<1x16xf32>,
        %swap3A_300 = vector.shape_cast %swap3A_299 : vector<1x16xf32> to vector<16xf32>
        %swap3A_301 = vector.shape_cast %max3A_296 : vector<16xf32> to vector<1x16xf32>
        tpu.vector_store %arg15[%swap3A_297, %swap3A_298], %swap3A_301 {strides = array<i32>} : memref<80x128xf32, #tpu.memory_space<vmem>>, vector<1x16xf32>,
        %get3A_302 = arith.index_cast %scan3A_267 : i32 to index
        %get3A_303 = arith.constant 32 : index
        %get3A_304 = tpu.vector_load %arg15[%get3A_302, %get3A_303] {strides = array<i32>} : memref<80x128xf32, #tpu.memory_space<vmem>>, vector<1x16xf32>,
        %get3A_305 = vector.shape_cast %get3A_304 : vector<1x16xf32> to vector<16xf32>
        %get3A_306 = arith.index_cast %scan3A_267 : i32 to index
        %get3A_307 = arith.constant 32 : index
        %get3A_308 = tpu.vector_load %arg13[%get3A_306, %get3A_307] {strides = array<i32>} : memref<80x128xf32, #tpu.memory_space<vmem>>, vector<1x16xf32>,
        %get3A_309 = vector.shape_cast %get3A_308 : vector<1x16xf32> to vector<16xf32>
        %add3A_310 = arith.addf %get3A_305, %get3A_309 : vector<16xf32>
        %max3A_311 = arith.constant 0.000000e+00 : f32
        %max3A_312 = vector.broadcast %max3A_311 : f32 to vector<16xf32>
        %max3A_313 = arith.maximumf %add3A_310, %max3A_312 : vector<16xf32>
        %swap3A_314 = arith.index_cast %scan3A_267 : i32 to index
        %swap3A_315 = arith.constant 32 : index
        %swap3A_316 = tpu.vector_load %arg15[%swap3A_314, %swap3A_315] {strides = array<i32>} : memref<80x128xf32, #tpu.memory_space<vmem>>, vector<1x16xf32>,
        %swap3A_317 = vector.shape_cast %swap3A_316 : vector<1x16xf32> to vector<16xf32>
        %swap3A_318 = vector.shape_cast %max3A_313 : vector<16xf32> to vector<1x16xf32>
        tpu.vector_store %arg15[%swap3A_314, %swap3A_315], %swap3A_318 {strides = array<i32>} : memref<80x128xf32, #tpu.memory_space<vmem>>, vector<1x16xf32>,
        %get3A_319 = arith.index_cast %scan3A_267 : i32 to index
        %get3A_320 = arith.constant 48 : index
        %get3A_321 = tpu.vector_load %arg15[%get3A_319, %get3A_320] {strides = array<i32>} : memref<80x128xf32, #tpu.memory_space<vmem>>, vector<1x16xf32>,
        %get3A_322 = vector.shape_cast %get3A_321 : vector<1x16xf32> to vector<16xf32>
        %get3A_323 = arith.index_cast %scan3A_267 : i32 to index
        %get3A_324 = arith.constant 48 : index
        %get3A_325 = tpu.vector_load %arg13[%get3A_323, %get3A_324] {strides = array<i32>} : memref<80x128xf32, #tpu.memory_space<vmem>>, vector<1x16xf32>,
        %get3A_326 = vector.shape_cast %get3A_325 : vector<1x16xf32> to vector<16xf32>
        %add3A_327 = arith.addf %get3A_322, %get3A_326 : vector<16xf32>
        %max3A_328 = arith.constant 0.000000e+00 : f32
        %max3A_329 = vector.broadcast %max3A_328 : f32 to vector<16xf32>
        %max3A_330 = arith.maximumf %add3A_327, %max3A_329 : vector<16xf32>
        %swap3A_331 = arith.index_cast %scan3A_267 : i32 to index
        %swap3A_332 = arith.constant 48 : index
        %swap3A_333 = tpu.vector_load %arg15[%swap3A_331, %swap3A_332] {strides = array<i32>} : memref<80x128xf32, #tpu.memory_space<vmem>>, vector<1x16xf32>,
        %swap3A_334 = vector.shape_cast %swap3A_333 : vector<1x16xf32> to vector<16xf32>
        %swap3A_335 = vector.shape_cast %max3A_330 : vector<16xf32> to vector<1x16xf32>
        tpu.vector_store %arg15[%swap3A_331, %swap3A_332], %swap3A_335 {strides = array<i32>} : memref<80x128xf32, #tpu.memory_space<vmem>>, vector<1x16xf32>,
        %get3A_336 = arith.index_cast %scan3A_267 : i32 to index
        %get3A_337 = arith.constant 64 : index
        %get3A_338 = tpu.vector_load %arg15[%get3A_336, %get3A_337] {strides = array<i32>} : memref<80x128xf32, #tpu.memory_space<vmem>>, vector<1x16xf32>,
        %get3A_339 = vector.shape_cast %get3A_338 : vector<1x16xf32> to vector<16xf32>
        %get3A_340 = arith.index_cast %scan3A_267 : i32 to index
        %get3A_341 = arith.constant 64 : index
        %get3A_342 = tpu.vector_load %arg13[%get3A_340, %get3A_341] {strides = array<i32>} : memref<80x128xf32, #tpu.memory_space<vmem>>, vector<1x16xf32>,
        %get3A_343 = vector.shape_cast %get3A_342 : vector<1x16xf32> to vector<16xf32>
        %add3A_344 = arith.addf %get3A_339, %get3A_343 : vector<16xf32>
        %max3A_345 = arith.constant 0.000000e+00 : f32
        %max3A_346 = vector.broadcast %max3A_345 : f32 to vector<16xf32>
        %max3A_347 = arith.maximumf %add3A_344, %max3A_346 : vector<16xf32>
        %swap3A_348 = arith.index_cast %scan3A_267 : i32 to index
        %swap3A_349 = arith.constant 64 : index
        %swap3A_350 = tpu.vector_load %arg15[%swap3A_348, %swap3A_349] {strides = array<i32>} : memref<80x128xf32, #tpu.memory_space<vmem>>, vector<1x16xf32>,
        %swap3A_351 = vector.shape_cast %swap3A_350 : vector<1x16xf32> to vector<16xf32>
        %swap3A_352 = vector.shape_cast %max3A_347 : vector<16xf32> to vector<1x16xf32>
        tpu.vector_store %arg15[%swap3A_348, %swap3A_349], %swap3A_352 {strides = array<i32>} : memref<80x128xf32, #tpu.memory_space<vmem>>, vector<1x16xf32>,
        %get3A_353 = arith.index_cast %scan3A_267 : i32 to index
        %get3A_354 = arith.constant 80 : index
        %get3A_355 = tpu.vector_load %arg15[%get3A_353, %get3A_354] {strides = array<i32>} : memref<80x128xf32, #tpu.memory_space<vmem>>, vector<1x16xf32>,
        %get3A_356 = vector.shape_cast %get3A_355 : vector<1x16xf32> to vector<16xf32>
        %get3A_357 = arith.index_cast %scan3A_267 : i32 to index
        %get3A_358 = arith.constant 80 : index
        %get3A_359 = tpu.vector_load %arg13[%get3A_357, %get3A_358] {strides = array<i32>} : memref<80x128xf32, #tpu.memory_space<vmem>>, vector<1x16xf32>,
        %get3A_360 = vector.shape_cast %get3A_359 : vector<1x16xf32> to vector<16xf32>
        %add3A_361 = arith.addf %get3A_356, %get3A_360 : vector<16xf32>
        %max3A_362 = arith.constant 0.000000e+00 : f32
        %max3A_363 = vector.broadcast %max3A_362 : f32 to vector<16xf32>
        %max3A_364 = arith.maximumf %add3A_361, %max3A_363 : vector<16xf32>
        %swap3A_365 = arith.index_cast %scan3A_267 : i32 to index
        %swap3A_366 = arith.constant 80 : index
        %swap3A_367 = tpu.vector_load %arg15[%swap3A_365, %swap3A_366] {strides = array<i32>} : memref<80x128xf32, #tpu.memory_space<vmem>>, vector<1x16xf32>,
        %swap3A_368 = vector.shape_cast %swap3A_367 : vector<1x16xf32> to vector<16xf32>
        %swap3A_369 = vector.shape_cast %max3A_364 : vector<16xf32> to vector<1x16xf32>
        tpu.vector_store %arg15[%swap3A_365, %swap3A_366], %swap3A_369 {strides = array<i32>} : memref<80x128xf32, #tpu.memory_space<vmem>>, vector<1x16xf32>,
        %get3A_370 = arith.index_cast %scan3A_267 : i32 to index
        %get3A_371 = arith.constant 96 : index
        %get3A_372 = tpu.vector_load %arg15[%get3A_370, %get3A_371] {strides = array<i32>} : memref<80x128xf32, #tpu.memory_space<vmem>>, vector<1x16xf32>,
        %get3A_373 = vector.shape_cast %get3A_372 : vector<1x16xf32> to vector<16xf32>
        %get3A_374 = arith.index_cast %scan3A_267 : i32 to index
        %get3A_375 = arith.constant 96 : index
        %get3A_376 = tpu.vector_load %arg13[%get3A_374, %get3A_375] {strides = array<i32>} : memref<80x128xf32, #tpu.memory_space<vmem>>, vector<1x16xf32>,
        %get3A_377 = vector.shape_cast %get3A_376 : vector<1x16xf32> to vector<16xf32>
        %add3A_378 = arith.addf %get3A_373, %get3A_377 : vector<16xf32>
        %max3A_379 = arith.constant 0.000000e+00 : f32
        %max3A_380 = vector.broadcast %max3A_379 : f32 to vector<16xf32>
        %max3A_381 = arith.maximumf %add3A_378, %max3A_380 : vector<16xf32>
        %swap3A_382 = arith.index_cast %scan3A_267 : i32 to index
        %swap3A_383 = arith.constant 96 : index
        %swap3A_384 = tpu.vector_load %arg15[%swap3A_382, %swap3A_383] {strides = array<i32>} : memref<80x128xf32, #tpu.memory_space<vmem>>, vector<1x16xf32>,
        %swap3A_385 = vector.shape_cast %swap3A_384 : vector<1x16xf32> to vector<16xf32>
        %swap3A_386 = vector.shape_cast %max3A_381 : vector<16xf32> to vector<1x16xf32>
        tpu.vector_store %arg15[%swap3A_382, %swap3A_383], %swap3A_386 {strides = array<i32>} : memref<80x128xf32, #tpu.memory_space<vmem>>, vector<1x16xf32>,
        %get3A_387 = arith.index_cast %scan3A_267 : i32 to index
        %get3A_388 = arith.constant 112 : index
        %get3A_389 = tpu.vector_load %arg15[%get3A_387, %get3A_388] {strides = array<i32>} : memref<80x128xf32, #tpu.memory_space<vmem>>, vector<1x16xf32>,
        %get3A_390 = vector.shape_cast %get3A_389 : vector<1x16xf32> to vector<16xf32>
        %get3A_391 = arith.index_cast %scan3A_267 : i32 to index
        %get3A_392 = arith.constant 112 : index
        %get3A_393 = tpu.vector_load %arg13[%get3A_391, %get3A_392] {strides = array<i32>} : memref<80x128xf32, #tpu.memory_space<vmem>>, vector<1x16xf32>,
        %get3A_394 = vector.shape_cast %get3A_393 : vector<1x16xf32> to vector<16xf32>
        %add3A_395 = arith.addf %get3A_390, %get3A_394 : vector<16xf32>
        %max3A_396 = arith.constant 0.000000e+00 : f32
        %max3A_397 = vector.broadcast %max3A_396 : f32 to vector<16xf32>
        %max3A_398 = arith.maximumf %add3A_395, %max3A_397 : vector<16xf32>
        %swap3A_399 = arith.index_cast %scan3A_267 : i32 to index
        %swap3A_400 = arith.constant 112 : index
        %swap3A_401 = tpu.vector_load %arg15[%swap3A_399, %swap3A_400] {strides = array<i32>} : memref<80x128xf32, #tpu.memory_space<vmem>>, vector<1x16xf32>,
        %swap3A_402 = vector.shape_cast %swap3A_401 : vector<1x16xf32> to vector<16xf32>
        %swap3A_403 = vector.shape_cast %max3A_398 : vector<16xf32> to vector<1x16xf32>
        tpu.vector_store %arg15[%swap3A_399, %swap3A_400], %swap3A_403 {strides = array<i32>} : memref<80x128xf32, #tpu.memory_space<vmem>>, vector<1x16xf32>,
        %scan3A_404 = arith.constant 0 : i32
        scf.yield %scan3A_404 : i32
      }
      %scan3A_149 = arith.constant 80 : i32
      %get3A_150 = arith.constant 0 : index
      %get3A_151 = tpu.vector_load %arg9[%get3A_150] {strides = array<i32>} : memref<80xi32, #tpu.memory_space<vmem>>, vector<16xi32>,
      %get3A_152 = vector.shape_cast %get3A_151 : vector<16xi32> to vector<16xi32>
      %swap3A_153 = arith.constant 0 : index
      %swap3A_154 = tpu.vector_load %arg11[%swap3A_153] {strides = array<i32>} : memref<80xi32, #tpu.memory_space<vmem>>, vector<16xi32>,
      %swap3A_155 = vector.shape_cast %swap3A_154 : vector<16xi32> to vector<16xi32>
      %swap3A_156 = vector.shape_cast %get3A_152 : vector<16xi32> to vector<16xi32>
      tpu.vector_store %arg11[%swap3A_153], %swap3A_156 {strides = array<i32>} : memref<80xi32, #tpu.memory_space<vmem>>, vector<16xi32>,
      %get3A_157 = arith.constant 16 : index
      %get3A_158 = tpu.vector_load %arg9[%get3A_157] {strides = array<i32>} : memref<80xi32, #tpu.memory_space<vmem>>, vector<16xi32>,
      %get3A_159 = vector.shape_cast %get3A_158 : vector<16xi32> to vector<16xi32>
      %swap3A_160 = arith.constant 16 : index
      %swap3A_161 = tpu.vector_load %arg11[%swap3A_160] {strides = array<i32>} : memref<80xi32, #tpu.memory_space<vmem>>, vector<16xi32>,
      %swap3A_162 = vector.shape_cast %swap3A_161 : vector<16xi32> to vector<16xi32>
      %swap3A_163 = vector.shape_cast %get3A_159 : vector<16xi32> to vector<16xi32>
      tpu.vector_store %arg11[%swap3A_160], %swap3A_163 {strides = array<i32>} : memref<80xi32, #tpu.memory_space<vmem>>, vector<16xi32>,
      %get3A_164 = arith.constant 32 : index
      %get3A_165 = tpu.vector_load %arg9[%get3A_164] {strides = array<i32>} : memref<80xi32, #tpu.memory_space<vmem>>, vector<16xi32>,
      %get3A_166 = vector.shape_cast %get3A_165 : vector<16xi32> to vector<16xi32>
      %swap3A_167 = arith.constant 32 : index
      %swap3A_168 = tpu.vector_load %arg11[%swap3A_167] {strides = array<i32>} : memref<80xi32, #tpu.memory_space<vmem>>, vector<16xi32>,
      %swap3A_169 = vector.shape_cast %swap3A_168 : vector<16xi32> to vector<16xi32>
      %swap3A_170 = vector.shape_cast %get3A_166 : vector<16xi32> to vector<16xi32>
      tpu.vector_store %arg11[%swap3A_167], %swap3A_170 {strides = array<i32>} : memref<80xi32, #tpu.memory_space<vmem>>, vector<16xi32>,
      %get3A_171 = arith.constant 48 : index
      %get3A_172 = tpu.vector_load %arg9[%get3A_171] {strides = array<i32>} : memref<80xi32, #tpu.memory_space<vmem>>, vector<16xi32>,
      %get3A_173 = vector.shape_cast %get3A_172 : vector<16xi32> to vector<16xi32>
      %swap3A_174 = arith.constant 48 : index
      %swap3A_175 = tpu.vector_load %arg11[%swap3A_174] {strides = array<i32>} : memref<80xi32, #tpu.memory_space<vmem>>, vector<16xi32>,
      %swap3A_176 = vector.shape_cast %swap3A_175 : vector<16xi32> to vector<16xi32>
      %swap3A_177 = vector.shape_cast %get3A_173 : vector<16xi32> to vector<16xi32>
      tpu.vector_store %arg11[%swap3A_174], %swap3A_177 {strides = array<i32>} : memref<80xi32, #tpu.memory_space<vmem>>, vector<16xi32>,
      %get3A_178 = arith.constant 64 : index
      %get3A_179 = tpu.vector_load %arg9[%get3A_178] {strides = array<i32>} : memref<80xi32, #tpu.memory_space<vmem>>, vector<16xi32>,
      %get3A_180 = vector.shape_cast %get3A_179 : vector<16xi32> to vector<16xi32>
      %swap3A_181 = arith.constant 64 : index
      %swap3A_182 = tpu.vector_load %arg11[%swap3A_181] {strides = array<i32>} : memref<80xi32, #tpu.memory_space<vmem>>, vector<16xi32>,
      %swap3A_183 = vector.shape_cast %swap3A_182 : vector<16xi32> to vector<16xi32>
      %swap3A_184 = vector.shape_cast %get3A_180 : vector<16xi32> to vector<16xi32>
      tpu.vector_store %arg11[%swap3A_181], %swap3A_184 {strides = array<i32>} : memref<80xi32, #tpu.memory_space<vmem>>, vector<16xi32>,
      %dma_start3A_185 = arith.constant 0 : i32
      %dma_start3A_186 = arith.constant 0 : i32
      %dma_start3A_187 = tpu.memref_slice %arg17[%dma_start3A_185, %dma_start3A_186] : memref<10000x128xf32, #tpu.memory_space<vmem_shared>> -> memref<10000x128xf32, #tpu.memory_space<vmem_shared>>
      tpu.enqueue_indirect_dma source(%arg15 : memref<80x128xf32, #tpu.memory_space<vmem>>) target(%dma_start3A_187 : memref<10000x128xf32, #tpu.memory_space<vmem_shared>>) offsets(%arg11 : memref<80xi32, #tpu.memory_space<vmem>>) semaphore(%arg22 : memref<!tpu.dma_semaphore, #tpu.memory_space<semaphore_mem>>) {add = true}
      %add3A_188 = arith.constant 2 : i32
      %add3A_189 = arith.addi %add3A_130, %add3A_188 : i32
      %lt3A_190 = arith.constant 125 : i32
      %lt3A_191 = arith.cmpi slt, %add3A_189, %lt3A_190 : i32
      %convert_element_type3A_192 = arith.extui %lt3A_191 : i1 to i32
      %cond3A_193 = arith.constant 0 : i32
      %cond3A_194 = arith.cmpi ne, %convert_element_type3A_192, %cond3A_193 : i32
      scf.if %cond3A_194 {
        %add3A_267 = arith.constant 2 : i32
        %add3A_268 = arith.addi %add3A_130, %add3A_267 : i32
        %mul3A_269 = arith.constant 80 : i32
        %mul3A_270 = arith.muli %add3A_268, %mul3A_269 : i32
        %add3A_271 = arith.addi %mul3A_21, %mul3A_270 : i32
        %dma_start3A_272 = tpu.memref_slice %arg3[%add3A_271] : memref<320000xi32, #tpu.memory_space<hbm>> -> memref<80xi32, #tpu.memory_space<hbm>>
        %dma_start3A_273 = tpu.memref_slice %arg3[%add3A_271] : memref<320000xi32, #tpu.memory_space<hbm>> -> memref<80xi32, #tpu.memory_space<hbm>>
        tpu.enqueue_dma source(%dma_start3A_273 : memref<80xi32, #tpu.memory_space<hbm>>) target(%arg7 : memref<80xi32, #tpu.memory_space<vmem>>) target_semaphore(%arg18 : memref<!tpu.dma_semaphore, #tpu.memory_space<semaphore_mem>>)
        %dma_start3A_274 = tpu.memref_slice %arg4[%add3A_271] : memref<320000xi32, #tpu.memory_space<hbm>> -> memref<80xi32, #tpu.memory_space<hbm>>
        %dma_start3A_275 = tpu.memref_slice %arg4[%add3A_271] : memref<320000xi32, #tpu.memory_space<hbm>> -> memref<80xi32, #tpu.memory_space<hbm>>
        tpu.enqueue_dma source(%dma_start3A_275 : memref<80xi32, #tpu.memory_space<hbm>>) target(%arg9 : memref<80xi32, #tpu.memory_space<vmem>>) target_semaphore(%arg18 : memref<!tpu.dma_semaphore, #tpu.memory_space<semaphore_mem>>)
        %dma_start3A_276 = arith.constant 0 : i32
        %dma_start3A_277 = tpu.memref_slice %arg5[%add3A_271, %dma_start3A_276] : memref<320000x128xf32, #tpu.memory_space<hbm>> -> memref<80x128xf32, #tpu.memory_space<hbm>>
        %dma_start3A_278 = arith.constant 0 : i32
        %dma_start3A_279 = tpu.memref_slice %arg5[%add3A_271, %dma_start3A_278] : memref<320000x128xf32, #tpu.memory_space<hbm>> -> memref<80x128xf32, #tpu.memory_space<hbm>>
        tpu.enqueue_dma source(%dma_start3A_279 : memref<80x128xf32, #tpu.memory_space<hbm>>) target(%arg13 : memref<80x128xf32, #tpu.memory_space<vmem>>) target_semaphore(%arg18 : memref<!tpu.dma_semaphore, #tpu.memory_space<semaphore_mem>>)
      } else {
      }
      %mul3A_195 = arith.constant 2 : i32
      %mul3A_196 = arith.muli %mul3A_195, %scan3A_125 : i32
      %add3A_197 = arith.constant 1 : i32
      %add3A_198 = arith.addi %mul3A_196, %add3A_197 : i32
      %dma_wait3A_199 = arith.constant 0 : i32
      %dma_wait3A_200 = arith.constant 0 : i32
      %dma_wait3A_201 = tpu.memref_slice %arg2[%dma_wait3A_199, %dma_wait3A_200] : memref<10000x128xf32, #tpu.memory_space<hbm>> -> memref<10000x128xf32, #tpu.memory_space<hbm>>
      tpu.wait_indirect_dma semaphore(%arg21 : memref<!tpu.dma_semaphore, #tpu.memory_space<semaphore_mem>>) src(%dma_wait3A_201 : memref<10000x128xf32, #tpu.memory_space<hbm>>) dst(%arg16 : memref<80x128xf32, #tpu.memory_space<vmem>>)
      %gt3A_202 = arith.constant 0 : i32
      %gt3A_203 = arith.cmpi sgt, %add3A_198, %gt3A_202 : i32
      %convert_element_type3A_204 = arith.extui %gt3A_203 : i1 to i32
      %cond3A_205 = arith.constant 0 : i32
      %cond3A_206 = arith.cmpi ne, %convert_element_type3A_204, %cond3A_205 : i32
      scf.if %cond3A_206 {
        %dma_wait3A_267 = arith.constant 0 : i32
        %dma_wait3A_268 = arith.constant 0 : i32
        %dma_wait3A_269 = tpu.memref_slice %arg17[%dma_wait3A_267, %dma_wait3A_268] : memref<10000x128xf32, #tpu.memory_space<vmem_shared>> -> memref<10000x128xf32, #tpu.memory_space<vmem_shared>>
        tpu.wait_indirect_dma semaphore(%arg22 : memref<!tpu.dma_semaphore, #tpu.memory_space<semaphore_mem>>) src(%arg15 : memref<80x128xf32, #tpu.memory_space<vmem>>) dst(%dma_wait3A_269 : memref<10000x128xf32, #tpu.memory_space<vmem_shared>>)
      } else {
      }
      %add3A_207 = arith.constant 1 : i32
      %add3A_208 = arith.addi %add3A_198, %add3A_207 : i32
      %lt3A_209 = arith.constant 125 : i32
      %lt3A_210 = arith.cmpi slt, %add3A_208, %lt3A_209 : i32
      %convert_element_type3A_211 = arith.extui %lt3A_210 : i1 to i32
      %cond3A_212 = arith.constant 0 : i32
      %cond3A_213 = arith.cmpi ne, %convert_element_type3A_211, %cond3A_212 : i32
      scf.if %cond3A_213 {
        %add3A_267 = arith.constant 1 : i32
        %add3A_268 = arith.addi %add3A_198, %add3A_267 : i32
        %mul3A_269 = arith.constant 80 : i32
        %mul3A_270 = arith.muli %add3A_268, %mul3A_269 : i32
        %add3A_271 = arith.addi %mul3A_21, %mul3A_270 : i32
        %dma_wait3A_272 = tpu.memref_slice %arg3[%add3A_271] : memref<320000xi32, #tpu.memory_space<hbm>> -> memref<80xi32, #tpu.memory_space<hbm>>
        %dma_wait3A_273 = tpu.memref_slice %arg3[%add3A_271] : memref<320000xi32, #tpu.memory_space<hbm>> -> memref<80xi32, #tpu.memory_space<hbm>>
        tpu.wait_dma2 semaphore(%arg18 : memref<!tpu.dma_semaphore, #tpu.memory_space<semaphore_mem>>) src(%dma_wait3A_273 : memref<80xi32, #tpu.memory_space<hbm>>) dst(%arg7 : memref<80xi32, #tpu.memory_space<vmem>>)
        %dma_wait3A_274 = tpu.memref_slice %arg4[%add3A_271] : memref<320000xi32, #tpu.memory_space<hbm>> -> memref<80xi32, #tpu.memory_space<hbm>>
        %dma_wait3A_275 = tpu.memref_slice %arg4[%add3A_271] : memref<320000xi32, #tpu.memory_space<hbm>> -> memref<80xi32, #tpu.memory_space<hbm>>
        tpu.wait_dma2 semaphore(%arg18 : memref<!tpu.dma_semaphore, #tpu.memory_space<semaphore_mem>>) src(%dma_wait3A_275 : memref<80xi32, #tpu.memory_space<hbm>>) dst(%arg9 : memref<80xi32, #tpu.memory_space<vmem>>)
        %dma_wait3A_276 = arith.constant 0 : i32
        %dma_wait3A_277 = tpu.memref_slice %arg5[%add3A_271, %dma_wait3A_276] : memref<320000x128xf32, #tpu.memory_space<hbm>> -> memref<80x128xf32, #tpu.memory_space<hbm>>
        %dma_wait3A_278 = arith.constant 0 : i32
        %dma_wait3A_279 = tpu.memref_slice %arg5[%add3A_271, %dma_wait3A_278] : memref<320000x128xf32, #tpu.memory_space<hbm>> -> memref<80x128xf32, #tpu.memory_space<hbm>>
        tpu.wait_dma2 semaphore(%arg18 : memref<!tpu.dma_semaphore, #tpu.memory_space<semaphore_mem>>) src(%dma_wait3A_279 : memref<80x128xf32, #tpu.memory_space<hbm>>) dst(%arg13 : memref<80x128xf32, #tpu.memory_space<vmem>>)
        %dma_start3A_280 = arith.constant 0 : i32
        %dma_start3A_281 = arith.constant 0 : i32
        %dma_start3A_282 = tpu.memref_slice %arg2[%dma_start3A_280, %dma_start3A_281] : memref<10000x128xf32, #tpu.memory_space<hbm>> -> memref<10000x128xf32, #tpu.memory_space<hbm>>
        tpu.enqueue_indirect_dma source(%dma_start3A_282 : memref<10000x128xf32, #tpu.memory_space<hbm>>) target(%arg15 : memref<80x128xf32, #tpu.memory_space<vmem>>) offsets(%arg7 : memref<80xi32, #tpu.memory_space<vmem>>) semaphore(%arg20 : memref<!tpu.dma_semaphore, #tpu.memory_space<semaphore_mem>>)
      } else {
      }
      %scan3A_214 = arith.constant 0 : i32
      %scan3A_215 = arith.constant 0 : i32
      %scan3A_216 = arith.constant 80 : i32
      %scan3A_217 = arith.addi %scan3A_215, %scan3A_216 : i32
      %scan3A_218 = arith.constant 1 : i32
      %scan3A_219 = scf.for %scan3A_267 = %scan3A_215 to %scan3A_217 step %scan3A_218 iter_args(%scan3A_268 = %scan3A_214) -> (i32)  : i32 {
        %get3A_269 = arith.index_cast %scan3A_267 : i32 to index
        %get3A_270 = arith.constant 0 : index
        %get3A_271 = tpu.vector_load %arg16[%get3A_269, %get3A_270] {strides = array<i32>} : memref<80x128xf32, #tpu.memory_space<vmem>>, vector<1x16xf32>,
        %get3A_272 = vector.shape_cast %get3A_271 : vector<1x16xf32> to vector<16xf32>
        %get3A_273 = arith.index_cast %scan3A_267 : i32 to index
        %get3A_274 = arith.constant 0 : index
        %get3A_275 = tpu.vector_load %arg14[%get3A_273, %get3A_274] {strides = array<i32>} : memref<80x128xf32, #tpu.memory_space<vmem>>, vector<1x16xf32>,
        %get3A_276 = vector.shape_cast %get3A_275 : vector<1x16xf32> to vector<16xf32>
        %add3A_277 = arith.addf %get3A_272, %get3A_276 : vector<16xf32>
        %max3A = arith.constant 0.000000e+00 : f32
        %max3A_278 = vector.broadcast %max3A : f32 to vector<16xf32>
        %max3A_279 = arith.maximumf %add3A_277, %max3A_278 : vector<16xf32>
        %swap3A_280 = arith.index_cast %scan3A_267 : i32 to index
        %swap3A_281 = arith.constant 0 : index
        %swap3A_282 = tpu.vector_load %arg16[%swap3A_280, %swap3A_281] {strides = array<i32>} : memref<80x128xf32, #tpu.memory_space<vmem>>, vector<1x16xf32>,
        %swap3A_283 = vector.shape_cast %swap3A_282 : vector<1x16xf32> to vector<16xf32>
        %swap3A_284 = vector.shape_cast %max3A_279 : vector<16xf32> to vector<1x16xf32>
        tpu.vector_store %arg16[%swap3A_280, %swap3A_281], %swap3A_284 {strides = array<i32>} : memref<80x128xf32, #tpu.memory_space<vmem>>, vector<1x16xf32>,
        %get3A_285 = arith.index_cast %scan3A_267 : i32 to index
        %get3A_286 = arith.constant 16 : index
        %get3A_287 = tpu.vector_load %arg16[%get3A_285, %get3A_286] {strides = array<i32>} : memref<80x128xf32, #tpu.memory_space<vmem>>, vector<1x16xf32>,
        %get3A_288 = vector.shape_cast %get3A_287 : vector<1x16xf32> to vector<16xf32>
        %get3A_289 = arith.index_cast %scan3A_267 : i32 to index
        %get3A_290 = arith.constant 16 : index
        %get3A_291 = tpu.vector_load %arg14[%get3A_289, %get3A_290] {strides = array<i32>} : memref<80x128xf32, #tpu.memory_space<vmem>>, vector<1x16xf32>,
        %get3A_292 = vector.shape_cast %get3A_291 : vector<1x16xf32> to vector<16xf32>
        %add3A_293 = arith.addf %get3A_288, %get3A_292 : vector<16xf32>
        %max3A_294 = arith.constant 0.000000e+00 : f32
        %max3A_295 = vector.broadcast %max3A_294 : f32 to vector<16xf32>
        %max3A_296 = arith.maximumf %add3A_293, %max3A_295 : vector<16xf32>
        %swap3A_297 = arith.index_cast %scan3A_267 : i32 to index
        %swap3A_298 = arith.constant 16 : index
        %swap3A_299 = tpu.vector_load %arg16[%swap3A_297, %swap3A_298] {strides = array<i32>} : memref<80x128xf32, #tpu.memory_space<vmem>>, vector<1x16xf32>,
        %swap3A_300 = vector.shape_cast %swap3A_299 : vector<1x16xf32> to vector<16xf32>
        %swap3A_301 = vector.shape_cast %max3A_296 : vector<16xf32> to vector<1x16xf32>
        tpu.vector_store %arg16[%swap3A_297, %swap3A_298], %swap3A_301 {strides = array<i32>} : memref<80x128xf32, #tpu.memory_space<vmem>>, vector<1x16xf32>,
        %get3A_302 = arith.index_cast %scan3A_267 : i32 to index
        %get3A_303 = arith.constant 32 : index
        %get3A_304 = tpu.vector_load %arg16[%get3A_302, %get3A_303] {strides = array<i32>} : memref<80x128xf32, #tpu.memory_space<vmem>>, vector<1x16xf32>,
        %get3A_305 = vector.shape_cast %get3A_304 : vector<1x16xf32> to vector<16xf32>
        %get3A_306 = arith.index_cast %scan3A_267 : i32 to index
        %get3A_307 = arith.constant 32 : index
        %get3A_308 = tpu.vector_load %arg14[%get3A_306, %get3A_307] {strides = array<i32>} : memref<80x128xf32, #tpu.memory_space<vmem>>, vector<1x16xf32>,
        %get3A_309 = vector.shape_cast %get3A_308 : vector<1x16xf32> to vector<16xf32>
        %add3A_310 = arith.addf %get3A_305, %get3A_309 : vector<16xf32>
        %max3A_311 = arith.constant 0.000000e+00 : f32
        %max3A_312 = vector.broadcast %max3A_311 : f32 to vector<16xf32>
        %max3A_313 = arith.maximumf %add3A_310, %max3A_312 : vector<16xf32>
        %swap3A_314 = arith.index_cast %scan3A_267 : i32 to index
        %swap3A_315 = arith.constant 32 : index
        %swap3A_316 = tpu.vector_load %arg16[%swap3A_314, %swap3A_315] {strides = array<i32>} : memref<80x128xf32, #tpu.memory_space<vmem>>, vector<1x16xf32>,
        %swap3A_317 = vector.shape_cast %swap3A_316 : vector<1x16xf32> to vector<16xf32>
        %swap3A_318 = vector.shape_cast %max3A_313 : vector<16xf32> to vector<1x16xf32>
        tpu.vector_store %arg16[%swap3A_314, %swap3A_315], %swap3A_318 {strides = array<i32>} : memref<80x128xf32, #tpu.memory_space<vmem>>, vector<1x16xf32>,
        %get3A_319 = arith.index_cast %scan3A_267 : i32 to index
        %get3A_320 = arith.constant 48 : index
        %get3A_321 = tpu.vector_load %arg16[%get3A_319, %get3A_320] {strides = array<i32>} : memref<80x128xf32, #tpu.memory_space<vmem>>, vector<1x16xf32>,
        %get3A_322 = vector.shape_cast %get3A_321 : vector<1x16xf32> to vector<16xf32>
        %get3A_323 = arith.index_cast %scan3A_267 : i32 to index
        %get3A_324 = arith.constant 48 : index
        %get3A_325 = tpu.vector_load %arg14[%get3A_323, %get3A_324] {strides = array<i32>} : memref<80x128xf32, #tpu.memory_space<vmem>>, vector<1x16xf32>,
        %get3A_326 = vector.shape_cast %get3A_325 : vector<1x16xf32> to vector<16xf32>
        %add3A_327 = arith.addf %get3A_322, %get3A_326 : vector<16xf32>
        %max3A_328 = arith.constant 0.000000e+00 : f32
        %max3A_329 = vector.broadcast %max3A_328 : f32 to vector<16xf32>
        %max3A_330 = arith.maximumf %add3A_327, %max3A_329 : vector<16xf32>
        %swap3A_331 = arith.index_cast %scan3A_267 : i32 to index
        %swap3A_332 = arith.constant 48 : index
        %swap3A_333 = tpu.vector_load %arg16[%swap3A_331, %swap3A_332] {strides = array<i32>} : memref<80x128xf32, #tpu.memory_space<vmem>>, vector<1x16xf32>,
        %swap3A_334 = vector.shape_cast %swap3A_333 : vector<1x16xf32> to vector<16xf32>
        %swap3A_335 = vector.shape_cast %max3A_330 : vector<16xf32> to vector<1x16xf32>
        tpu.vector_store %arg16[%swap3A_331, %swap3A_332], %swap3A_335 {strides = array<i32>} : memref<80x128xf32, #tpu.memory_space<vmem>>, vector<1x16xf32>,
        %get3A_336 = arith.index_cast %scan3A_267 : i32 to index
        %get3A_337 = arith.constant 64 : index
        %get3A_338 = tpu.vector_load %arg16[%get3A_336, %get3A_337] {strides = array<i32>} : memref<80x128xf32, #tpu.memory_space<vmem>>, vector<1x16xf32>,
        %get3A_339 = vector.shape_cast %get3A_338 : vector<1x16xf32> to vector<16xf32>
        %get3A_340 = arith.index_cast %scan3A_267 : i32 to index
        %get3A_341 = arith.constant 64 : index
        %get3A_342 = tpu.vector_load %arg14[%get3A_340, %get3A_341] {strides = array<i32>} : memref<80x128xf32, #tpu.memory_space<vmem>>, vector<1x16xf32>,
        %get3A_343 = vector.shape_cast %get3A_342 : vector<1x16xf32> to vector<16xf32>
        %add3A_344 = arith.addf %get3A_339, %get3A_343 : vector<16xf32>
        %max3A_345 = arith.constant 0.000000e+00 : f32
        %max3A_346 = vector.broadcast %max3A_345 : f32 to vector<16xf32>
        %max3A_347 = arith.maximumf %add3A_344, %max3A_346 : vector<16xf32>
        %swap3A_348 = arith.index_cast %scan3A_267 : i32 to index
        %swap3A_349 = arith.constant 64 : index
        %swap3A_350 = tpu.vector_load %arg16[%swap3A_348, %swap3A_349] {strides = array<i32>} : memref<80x128xf32, #tpu.memory_space<vmem>>, vector<1x16xf32>,
        %swap3A_351 = vector.shape_cast %swap3A_350 : vector<1x16xf32> to vector<16xf32>
        %swap3A_352 = vector.shape_cast %max3A_347 : vector<16xf32> to vector<1x16xf32>
        tpu.vector_store %arg16[%swap3A_348, %swap3A_349], %swap3A_352 {strides = array<i32>} : memref<80x128xf32, #tpu.memory_space<vmem>>, vector<1x16xf32>,
        %get3A_353 = arith.index_cast %scan3A_267 : i32 to index
        %get3A_354 = arith.constant 80 : index
        %get3A_355 = tpu.vector_load %arg16[%get3A_353, %get3A_354] {strides = array<i32>} : memref<80x128xf32, #tpu.memory_space<vmem>>, vector<1x16xf32>,
        %get3A_356 = vector.shape_cast %get3A_355 : vector<1x16xf32> to vector<16xf32>
        %get3A_357 = arith.index_cast %scan3A_267 : i32 to index
        %get3A_358 = arith.constant 80 : index
        %get3A_359 = tpu.vector_load %arg14[%get3A_357, %get3A_358] {strides = array<i32>} : memref<80x128xf32, #tpu.memory_space<vmem>>, vector<1x16xf32>,
        %get3A_360 = vector.shape_cast %get3A_359 : vector<1x16xf32> to vector<16xf32>
        %add3A_361 = arith.addf %get3A_356, %get3A_360 : vector<16xf32>
        %max3A_362 = arith.constant 0.000000e+00 : f32
        %max3A_363 = vector.broadcast %max3A_362 : f32 to vector<16xf32>
        %max3A_364 = arith.maximumf %add3A_361, %max3A_363 : vector<16xf32>
        %swap3A_365 = arith.index_cast %scan3A_267 : i32 to index
        %swap3A_366 = arith.constant 80 : index
        %swap3A_367 = tpu.vector_load %arg16[%swap3A_365, %swap3A_366] {strides = array<i32>} : memref<80x128xf32, #tpu.memory_space<vmem>>, vector<1x16xf32>,
        %swap3A_368 = vector.shape_cast %swap3A_367 : vector<1x16xf32> to vector<16xf32>
        %swap3A_369 = vector.shape_cast %max3A_364 : vector<16xf32> to vector<1x16xf32>
        tpu.vector_store %arg16[%swap3A_365, %swap3A_366], %swap3A_369 {strides = array<i32>} : memref<80x128xf32, #tpu.memory_space<vmem>>, vector<1x16xf32>,
        %get3A_370 = arith.index_cast %scan3A_267 : i32 to index
        %get3A_371 = arith.constant 96 : index
        %get3A_372 = tpu.vector_load %arg16[%get3A_370, %get3A_371] {strides = array<i32>} : memref<80x128xf32, #tpu.memory_space<vmem>>, vector<1x16xf32>,
        %get3A_373 = vector.shape_cast %get3A_372 : vector<1x16xf32> to vector<16xf32>
        %get3A_374 = arith.index_cast %scan3A_267 : i32 to index
        %get3A_375 = arith.constant 96 : index
        %get3A_376 = tpu.vector_load %arg14[%get3A_374, %get3A_375] {strides = array<i32>} : memref<80x128xf32, #tpu.memory_space<vmem>>, vector<1x16xf32>,
        %get3A_377 = vector.shape_cast %get3A_376 : vector<1x16xf32> to vector<16xf32>
        %add3A_378 = arith.addf %get3A_373, %get3A_377 : vector<16xf32>
        %max3A_379 = arith.constant 0.000000e+00 : f32
        %max3A_380 = vector.broadcast %max3A_379 : f32 to vector<16xf32>
        %max3A_381 = arith.maximumf %add3A_378, %max3A_380 : vector<16xf32>
        %swap3A_382 = arith.index_cast %scan3A_267 : i32 to index
        %swap3A_383 = arith.constant 96 : index
        %swap3A_384 = tpu.vector_load %arg16[%swap3A_382, %swap3A_383] {strides = array<i32>} : memref<80x128xf32, #tpu.memory_space<vmem>>, vector<1x16xf32>,
        %swap3A_385 = vector.shape_cast %swap3A_384 : vector<1x16xf32> to vector<16xf32>
        %swap3A_386 = vector.shape_cast %max3A_381 : vector<16xf32> to vector<1x16xf32>
        tpu.vector_store %arg16[%swap3A_382, %swap3A_383], %swap3A_386 {strides = array<i32>} : memref<80x128xf32, #tpu.memory_space<vmem>>, vector<1x16xf32>,
        %get3A_387 = arith.index_cast %scan3A_267 : i32 to index
        %get3A_388 = arith.constant 112 : index
        %get3A_389 = tpu.vector_load %arg16[%get3A_387, %get3A_388] {strides = array<i32>} : memref<80x128xf32, #tpu.memory_space<vmem>>, vector<1x16xf32>,
        %get3A_390 = vector.shape_cast %get3A_389 : vector<1x16xf32> to vector<16xf32>
        %get3A_391 = arith.index_cast %scan3A_267 : i32 to index
        %get3A_392 = arith.constant 112 : index
        %get3A_393 = tpu.vector_load %arg14[%get3A_391, %get3A_392] {strides = array<i32>} : memref<80x128xf32, #tpu.memory_space<vmem>>, vector<1x16xf32>,
        %get3A_394 = vector.shape_cast %get3A_393 : vector<1x16xf32> to vector<16xf32>
        %add3A_395 = arith.addf %get3A_390, %get3A_394 : vector<16xf32>
        %max3A_396 = arith.constant 0.000000e+00 : f32
        %max3A_397 = vector.broadcast %max3A_396 : f32 to vector<16xf32>
        %max3A_398 = arith.maximumf %add3A_395, %max3A_397 : vector<16xf32>
        %swap3A_399 = arith.index_cast %scan3A_267 : i32 to index
        %swap3A_400 = arith.constant 112 : index
        %swap3A_401 = tpu.vector_load %arg16[%swap3A_399, %swap3A_400] {strides = array<i32>} : memref<80x128xf32, #tpu.memory_space<vmem>>, vector<1x16xf32>,
        %swap3A_402 = vector.shape_cast %swap3A_401 : vector<1x16xf32> to vector<16xf32>
        %swap3A_403 = vector.shape_cast %max3A_398 : vector<16xf32> to vector<1x16xf32>
        tpu.vector_store %arg16[%swap3A_399, %swap3A_400], %swap3A_403 {strides = array<i32>} : memref<80x128xf32, #tpu.memory_space<vmem>>, vector<1x16xf32>,
        %scan3A_404 = arith.constant 0 : i32
        scf.yield %scan3A_404 : i32
      }
      %scan3A_220 = arith.constant 80 : i32
      %get3A_221 = arith.constant 0 : index
      %get3A_222 = tpu.vector_load %arg10[%get3A_221] {strides = array<i32>} : memref<80xi32, #tpu.memory_space<vmem>>, vector<16xi32>,
      %get3A_223 = vector.shape_cast %get3A_222 : vector<16xi32> to vector<16xi32>
      %swap3A_224 = arith.constant 0 : index
      %swap3A_225 = tpu.vector_load %arg12[%swap3A_224] {strides = array<i32>} : memref<80xi32, #tpu.memory_space<vmem>>, vector<16xi32>,
      %swap3A_226 = vector.shape_cast %swap3A_225 : vector<16xi32> to vector<16xi32>
      %swap3A_227 = vector.shape_cast %get3A_223 : vector<16xi32> to vector<16xi32>
      tpu.vector_store %arg12[%swap3A_224], %swap3A_227 {strides = array<i32>} : memref<80xi32, #tpu.memory_space<vmem>>, vector<16xi32>,
      %get3A_228 = arith.constant 16 : index
      %get3A_229 = tpu.vector_load %arg10[%get3A_228] {strides = array<i32>} : memref<80xi32, #tpu.memory_space<vmem>>, vector<16xi32>,
      %get3A_230 = vector.shape_cast %get3A_229 : vector<16xi32> to vector<16xi32>
      %swap3A_231 = arith.constant 16 : index
      %swap3A_232 = tpu.vector_load %arg12[%swap3A_231] {strides = array<i32>} : memref<80xi32, #tpu.memory_space<vmem>>, vector<16xi32>,
      %swap3A_233 = vector.shape_cast %swap3A_232 : vector<16xi32> to vector<16xi32>
      %swap3A_234 = vector.shape_cast %get3A_230 : vector<16xi32> to vector<16xi32>
      tpu.vector_store %arg12[%swap3A_231], %swap3A_234 {strides = array<i32>} : memref<80xi32, #tpu.memory_space<vmem>>, vector<16xi32>,
      %get3A_235 = arith.constant 32 : index
      %get3A_236 = tpu.vector_load %arg10[%get3A_235] {strides = array<i32>} : memref<80xi32, #tpu.memory_space<vmem>>, vector<16xi32>,
      %get3A_237 = vector.shape_cast %get3A_236 : vector<16xi32> to vector<16xi32>
      %swap3A_238 = arith.constant 32 : index
      %swap3A_239 = tpu.vector_load %arg12[%swap3A_238] {strides = array<i32>} : memref<80xi32, #tpu.memory_space<vmem>>, vector<16xi32>,
      %swap3A_240 = vector.shape_cast %swap3A_239 : vector<16xi32> to vector<16xi32>
      %swap3A_241 = vector.shape_cast %get3A_237 : vector<16xi32> to vector<16xi32>
      tpu.vector_store %arg12[%swap3A_238], %swap3A_241 {strides = array<i32>} : memref<80xi32, #tpu.memory_space<vmem>>, vector<16xi32>,
      %get3A_242 = arith.constant 48 : index
      %get3A_243 = tpu.vector_load %arg10[%get3A_242] {strides = array<i32>} : memref<80xi32, #tpu.memory_space<vmem>>, vector<16xi32>,
      %get3A_244 = vector.shape_cast %get3A_243 : vector<16xi32> to vector<16xi32>
      %swap3A_245 = arith.constant 48 : index
      %swap3A_246 = tpu.vector_load %arg12[%swap3A_245] {strides = array<i32>} : memref<80xi32, #tpu.memory_space<vmem>>, vector<16xi32>,
      %swap3A_247 = vector.shape_cast %swap3A_246 : vector<16xi32> to vector<16xi32>
      %swap3A_248 = vector.shape_cast %get3A_244 : vector<16xi32> to vector<16xi32>
      tpu.vector_store %arg12[%swap3A_245], %swap3A_248 {strides = array<i32>} : memref<80xi32, #tpu.memory_space<vmem>>, vector<16xi32>,
      %get3A_249 = arith.constant 64 : index
      %get3A_250 = tpu.vector_load %arg10[%get3A_249] {strides = array<i32>} : memref<80xi32, #tpu.memory_space<vmem>>, vector<16xi32>,
      %get3A_251 = vector.shape_cast %get3A_250 : vector<16xi32> to vector<16xi32>
      %swap3A_252 = arith.constant 64 : index
      %swap3A_253 = tpu.vector_load %arg12[%swap3A_252] {strides = array<i32>} : memref<80xi32, #tpu.memory_space<vmem>>, vector<16xi32>,
      %swap3A_254 = vector.shape_cast %swap3A_253 : vector<16xi32> to vector<16xi32>
      %swap3A_255 = vector.shape_cast %get3A_251 : vector<16xi32> to vector<16xi32>
      tpu.vector_store %arg12[%swap3A_252], %swap3A_255 {strides = array<i32>} : memref<80xi32, #tpu.memory_space<vmem>>, vector<16xi32>,
      %dma_start3A_256 = arith.constant 0 : i32
      %dma_start3A_257 = arith.constant 0 : i32
      %dma_start3A_258 = tpu.memref_slice %arg17[%dma_start3A_256, %dma_start3A_257] : memref<10000x128xf32, #tpu.memory_space<vmem_shared>> -> memref<10000x128xf32, #tpu.memory_space<vmem_shared>>
      tpu.enqueue_indirect_dma source(%arg16 : memref<80x128xf32, #tpu.memory_space<vmem>>) target(%dma_start3A_258 : memref<10000x128xf32, #tpu.memory_space<vmem_shared>>) offsets(%arg12 : memref<80xi32, #tpu.memory_space<vmem>>) semaphore(%arg23 : memref<!tpu.dma_semaphore, #tpu.memory_space<semaphore_mem>>) {add = true}
      %add3A_259 = arith.constant 2 : i32
      %add3A_260 = arith.addi %add3A_198, %add3A_259 : i32
      %lt3A_261 = arith.constant 125 : i32
      %lt3A_262 = arith.cmpi slt, %add3A_260, %lt3A_261 : i32
      %convert_element_type3A_263 = arith.extui %lt3A_262 : i1 to i32
      %cond3A_264 = arith.constant 0 : i32
      %cond3A_265 = arith.cmpi ne, %convert_element_type3A_263, %cond3A_264 : i32
      scf.if %cond3A_265 {
        %add3A_267 = arith.constant 2 : i32
        %add3A_268 = arith.addi %add3A_198, %add3A_267 : i32
        %mul3A_269 = arith.constant 80 : i32
        %mul3A_270 = arith.muli %add3A_268, %mul3A_269 : i32
        %add3A_271 = arith.addi %mul3A_21, %mul3A_270 : i32
        %dma_start3A_272 = tpu.memref_slice %arg3[%add3A_271] : memref<320000xi32, #tpu.memory_space<hbm>> -> memref<80xi32, #tpu.memory_space<hbm>>
        %dma_start3A_273 = tpu.memref_slice %arg3[%add3A_271] : memref<320000xi32, #tpu.memory_space<hbm>> -> memref<80xi32, #tpu.memory_space<hbm>>
        tpu.enqueue_dma source(%dma_start3A_273 : memref<80xi32, #tpu.memory_space<hbm>>) target(%arg8 : memref<80xi32, #tpu.memory_space<vmem>>) target_semaphore(%arg19 : memref<!tpu.dma_semaphore, #tpu.memory_space<semaphore_mem>>)
        %dma_start3A_274 = tpu.memref_slice %arg4[%add3A_271] : memref<320000xi32, #tpu.memory_space<hbm>> -> memref<80xi32, #tpu.memory_space<hbm>>
        %dma_start3A_275 = tpu.memref_slice %arg4[%add3A_271] : memref<320000xi32, #tpu.memory_space<hbm>> -> memref<80xi32, #tpu.memory_space<hbm>>
        tpu.enqueue_dma source(%dma_start3A_275 : memref<80xi32, #tpu.memory_space<hbm>>) target(%arg10 : memref<80xi32, #tpu.memory_space<vmem>>) target_semaphore(%arg19 : memref<!tpu.dma_semaphore, #tpu.memory_space<semaphore_mem>>)
        %dma_start3A_276 = arith.constant 0 : i32
        %dma_start3A_277 = tpu.memref_slice %arg5[%add3A_271, %dma_start3A_276] : memref<320000x128xf32, #tpu.memory_space<hbm>> -> memref<80x128xf32, #tpu.memory_space<hbm>>
        %dma_start3A_278 = arith.constant 0 : i32
        %dma_start3A_279 = tpu.memref_slice %arg5[%add3A_271, %dma_start3A_278] : memref<320000x128xf32, #tpu.memory_space<hbm>> -> memref<80x128xf32, #tpu.memory_space<hbm>>
        tpu.enqueue_dma source(%dma_start3A_279 : memref<80x128xf32, #tpu.memory_space<hbm>>) target(%arg14 : memref<80x128xf32, #tpu.memory_space<vmem>>) target_semaphore(%arg19 : memref<!tpu.dma_semaphore, #tpu.memory_space<semaphore_mem>>)
      } else {
      }
      %scan3A_266 = arith.constant 0 : i32
      scf.yield %scan3A_266 : i32
    }
    %scan3A_59 = arith.constant 62 : i32
    %dma_wait3A_60 = arith.constant 0 : i32
    %dma_wait3A_61 = arith.constant 0 : i32
    %dma_wait3A_62 = tpu.memref_slice %arg2[%dma_wait3A_60, %dma_wait3A_61] : memref<10000x128xf32, #tpu.memory_space<hbm>> -> memref<10000x128xf32, #tpu.memory_space<hbm>>
    tpu.wait_indirect_dma semaphore(%arg20 : memref<!tpu.dma_semaphore, #tpu.memory_space<semaphore_mem>>) src(%dma_wait3A_62 : memref<10000x128xf32, #tpu.memory_space<hbm>>) dst(%arg15 : memref<80x128xf32, #tpu.memory_space<vmem>>)
    %dma_wait3A_63 = arith.constant 0 : i32
    %dma_wait3A_64 = arith.constant 0 : i32
    %dma_wait3A_65 = tpu.memref_slice %arg17[%dma_wait3A_63, %dma_wait3A_64] : memref<10000x128xf32, #tpu.memory_space<vmem_shared>> -> memref<10000x128xf32, #tpu.memory_space<vmem_shared>>
    tpu.wait_indirect_dma semaphore(%arg23 : memref<!tpu.dma_semaphore, #tpu.memory_space<semaphore_mem>>) src(%arg16 : memref<80x128xf32, #tpu.memory_space<vmem>>) dst(%dma_wait3A_65 : memref<10000x128xf32, #tpu.memory_space<vmem_shared>>)
    %scan3A_66 = arith.constant 0 : i32
    %scan3A_67 = arith.constant 0 : i32
    %scan3A_68 = arith.constant 80 : i32
    %scan3A_69 = arith.addi %scan3A_67, %scan3A_68 : i32
    %scan3A_70 = arith.constant 1 : i32
    %scan3A_71 = scf.for %scan3A_125 = %scan3A_67 to %scan3A_69 step %scan3A_70 iter_args(%scan3A_126 = %scan3A_66) -> (i32)  : i32 {
      %get3A_127 = arith.index_cast %scan3A_125 : i32 to index
      %get3A_128 = arith.constant 0 : index
      %get3A_129 = tpu.vector_load %arg15[%get3A_127, %get3A_128] {strides = array<i32>} : memref<80x128xf32, #tpu.memory_space<vmem>>, vector<1x16xf32>,
      %get3A_130 = vector.shape_cast %get3A_129 : vector<1x16xf32> to vector<16xf32>
      %get3A_131 = arith.index_cast %scan3A_125 : i32 to index
      %get3A_132 = arith.constant 0 : index
      %get3A_133 = tpu.vector_load %arg13[%get3A_131, %get3A_132] {strides = array<i32>} : memref<80x128xf32, #tpu.memory_space<vmem>>, vector<1x16xf32>,
      %get3A_134 = vector.shape_cast %get3A_133 : vector<1x16xf32> to vector<16xf32>
      %add3A_135 = arith.addf %get3A_130, %get3A_134 : vector<16xf32>
      %max3A = arith.constant 0.000000e+00 : f32
      %max3A_136 = vector.broadcast %max3A : f32 to vector<16xf32>
      %max3A_137 = arith.maximumf %add3A_135, %max3A_136 : vector<16xf32>
      %swap3A_138 = arith.index_cast %scan3A_125 : i32 to index
      %swap3A_139 = arith.constant 0 : index
      %swap3A_140 = tpu.vector_load %arg15[%swap3A_138, %swap3A_139] {strides = array<i32>} : memref<80x128xf32, #tpu.memory_space<vmem>>, vector<1x16xf32>,
      %swap3A_141 = vector.shape_cast %swap3A_140 : vector<1x16xf32> to vector<16xf32>
      %swap3A_142 = vector.shape_cast %max3A_137 : vector<16xf32> to vector<1x16xf32>
      tpu.vector_store %arg15[%swap3A_138, %swap3A_139], %swap3A_142 {strides = array<i32>} : memref<80x128xf32, #tpu.memory_space<vmem>>, vector<1x16xf32>,
      %get3A_143 = arith.index_cast %scan3A_125 : i32 to index
      %get3A_144 = arith.constant 16 : index
      %get3A_145 = tpu.vector_load %arg15[%get3A_143, %get3A_144] {strides = array<i32>} : memref<80x128xf32, #tpu.memory_space<vmem>>, vector<1x16xf32>,
      %get3A_146 = vector.shape_cast %get3A_145 : vector<1x16xf32> to vector<16xf32>
      %get3A_147 = arith.index_cast %scan3A_125 : i32 to index
      %get3A_148 = arith.constant 16 : index
      %get3A_149 = tpu.vector_load %arg13[%get3A_147, %get3A_148] {strides = array<i32>} : memref<80x128xf32, #tpu.memory_space<vmem>>, vector<1x16xf32>,
      %get3A_150 = vector.shape_cast %get3A_149 : vector<1x16xf32> to vector<16xf32>
      %add3A_151 = arith.addf %get3A_146, %get3A_150 : vector<16xf32>
      %max3A_152 = arith.constant 0.000000e+00 : f32
      %max3A_153 = vector.broadcast %max3A_152 : f32 to vector<16xf32>
      %max3A_154 = arith.maximumf %add3A_151, %max3A_153 : vector<16xf32>
      %swap3A_155 = arith.index_cast %scan3A_125 : i32 to index
      %swap3A_156 = arith.constant 16 : index
      %swap3A_157 = tpu.vector_load %arg15[%swap3A_155, %swap3A_156] {strides = array<i32>} : memref<80x128xf32, #tpu.memory_space<vmem>>, vector<1x16xf32>,
      %swap3A_158 = vector.shape_cast %swap3A_157 : vector<1x16xf32> to vector<16xf32>
      %swap3A_159 = vector.shape_cast %max3A_154 : vector<16xf32> to vector<1x16xf32>
      tpu.vector_store %arg15[%swap3A_155, %swap3A_156], %swap3A_159 {strides = array<i32>} : memref<80x128xf32, #tpu.memory_space<vmem>>, vector<1x16xf32>,
      %get3A_160 = arith.index_cast %scan3A_125 : i32 to index
      %get3A_161 = arith.constant 32 : index
      %get3A_162 = tpu.vector_load %arg15[%get3A_160, %get3A_161] {strides = array<i32>} : memref<80x128xf32, #tpu.memory_space<vmem>>, vector<1x16xf32>,
      %get3A_163 = vector.shape_cast %get3A_162 : vector<1x16xf32> to vector<16xf32>
      %get3A_164 = arith.index_cast %scan3A_125 : i32 to index
      %get3A_165 = arith.constant 32 : index
      %get3A_166 = tpu.vector_load %arg13[%get3A_164, %get3A_165] {strides = array<i32>} : memref<80x128xf32, #tpu.memory_space<vmem>>, vector<1x16xf32>,
      %get3A_167 = vector.shape_cast %get3A_166 : vector<1x16xf32> to vector<16xf32>
      %add3A_168 = arith.addf %get3A_163, %get3A_167 : vector<16xf32>
      %max3A_169 = arith.constant 0.000000e+00 : f32
      %max3A_170 = vector.broadcast %max3A_169 : f32 to vector<16xf32>
      %max3A_171 = arith.maximumf %add3A_168, %max3A_170 : vector<16xf32>
      %swap3A_172 = arith.index_cast %scan3A_125 : i32 to index
      %swap3A_173 = arith.constant 32 : index
      %swap3A_174 = tpu.vector_load %arg15[%swap3A_172, %swap3A_173] {strides = array<i32>} : memref<80x128xf32, #tpu.memory_space<vmem>>, vector<1x16xf32>,
      %swap3A_175 = vector.shape_cast %swap3A_174 : vector<1x16xf32> to vector<16xf32>
      %swap3A_176 = vector.shape_cast %max3A_171 : vector<16xf32> to vector<1x16xf32>
      tpu.vector_store %arg15[%swap3A_172, %swap3A_173], %swap3A_176 {strides = array<i32>} : memref<80x128xf32, #tpu.memory_space<vmem>>, vector<1x16xf32>,
      %get3A_177 = arith.index_cast %scan3A_125 : i32 to index
      %get3A_178 = arith.constant 48 : index
      %get3A_179 = tpu.vector_load %arg15[%get3A_177, %get3A_178] {strides = array<i32>} : memref<80x128xf32, #tpu.memory_space<vmem>>, vector<1x16xf32>,
      %get3A_180 = vector.shape_cast %get3A_179 : vector<1x16xf32> to vector<16xf32>
      %get3A_181 = arith.index_cast %scan3A_125 : i32 to index
      %get3A_182 = arith.constant 48 : index
      %get3A_183 = tpu.vector_load %arg13[%get3A_181, %get3A_182] {strides = array<i32>} : memref<80x128xf32, #tpu.memory_space<vmem>>, vector<1x16xf32>,
      %get3A_184 = vector.shape_cast %get3A_183 : vector<1x16xf32> to vector<16xf32>
      %add3A_185 = arith.addf %get3A_180, %get3A_184 : vector<16xf32>
      %max3A_186 = arith.constant 0.000000e+00 : f32
      %max3A_187 = vector.broadcast %max3A_186 : f32 to vector<16xf32>
      %max3A_188 = arith.maximumf %add3A_185, %max3A_187 : vector<16xf32>
      %swap3A_189 = arith.index_cast %scan3A_125 : i32 to index
      %swap3A_190 = arith.constant 48 : index
      %swap3A_191 = tpu.vector_load %arg15[%swap3A_189, %swap3A_190] {strides = array<i32>} : memref<80x128xf32, #tpu.memory_space<vmem>>, vector<1x16xf32>,
      %swap3A_192 = vector.shape_cast %swap3A_191 : vector<1x16xf32> to vector<16xf32>
      %swap3A_193 = vector.shape_cast %max3A_188 : vector<16xf32> to vector<1x16xf32>
      tpu.vector_store %arg15[%swap3A_189, %swap3A_190], %swap3A_193 {strides = array<i32>} : memref<80x128xf32, #tpu.memory_space<vmem>>, vector<1x16xf32>,
      %get3A_194 = arith.index_cast %scan3A_125 : i32 to index
      %get3A_195 = arith.constant 64 : index
      %get3A_196 = tpu.vector_load %arg15[%get3A_194, %get3A_195] {strides = array<i32>} : memref<80x128xf32, #tpu.memory_space<vmem>>, vector<1x16xf32>,
      %get3A_197 = vector.shape_cast %get3A_196 : vector<1x16xf32> to vector<16xf32>
      %get3A_198 = arith.index_cast %scan3A_125 : i32 to index
      %get3A_199 = arith.constant 64 : index
      %get3A_200 = tpu.vector_load %arg13[%get3A_198, %get3A_199] {strides = array<i32>} : memref<80x128xf32, #tpu.memory_space<vmem>>, vector<1x16xf32>,
      %get3A_201 = vector.shape_cast %get3A_200 : vector<1x16xf32> to vector<16xf32>
      %add3A_202 = arith.addf %get3A_197, %get3A_201 : vector<16xf32>
      %max3A_203 = arith.constant 0.000000e+00 : f32
      %max3A_204 = vector.broadcast %max3A_203 : f32 to vector<16xf32>
      %max3A_205 = arith.maximumf %add3A_202, %max3A_204 : vector<16xf32>
      %swap3A_206 = arith.index_cast %scan3A_125 : i32 to index
      %swap3A_207 = arith.constant 64 : index
      %swap3A_208 = tpu.vector_load %arg15[%swap3A_206, %swap3A_207] {strides = array<i32>} : memref<80x128xf32, #tpu.memory_space<vmem>>, vector<1x16xf32>,
      %swap3A_209 = vector.shape_cast %swap3A_208 : vector<1x16xf32> to vector<16xf32>
      %swap3A_210 = vector.shape_cast %max3A_205 : vector<16xf32> to vector<1x16xf32>
      tpu.vector_store %arg15[%swap3A_206, %swap3A_207], %swap3A_210 {strides = array<i32>} : memref<80x128xf32, #tpu.memory_space<vmem>>, vector<1x16xf32>,
      %get3A_211 = arith.index_cast %scan3A_125 : i32 to index
      %get3A_212 = arith.constant 80 : index
      %get3A_213 = tpu.vector_load %arg15[%get3A_211, %get3A_212] {strides = array<i32>} : memref<80x128xf32, #tpu.memory_space<vmem>>, vector<1x16xf32>,
      %get3A_214 = vector.shape_cast %get3A_213 : vector<1x16xf32> to vector<16xf32>
      %get3A_215 = arith.index_cast %scan3A_125 : i32 to index
      %get3A_216 = arith.constant 80 : index
      %get3A_217 = tpu.vector_load %arg13[%get3A_215, %get3A_216] {strides = array<i32>} : memref<80x128xf32, #tpu.memory_space<vmem>>, vector<1x16xf32>,
      %get3A_218 = vector.shape_cast %get3A_217 : vector<1x16xf32> to vector<16xf32>
      %add3A_219 = arith.addf %get3A_214, %get3A_218 : vector<16xf32>
      %max3A_220 = arith.constant 0.000000e+00 : f32
      %max3A_221 = vector.broadcast %max3A_220 : f32 to vector<16xf32>
      %max3A_222 = arith.maximumf %add3A_219, %max3A_221 : vector<16xf32>
      %swap3A_223 = arith.index_cast %scan3A_125 : i32 to index
      %swap3A_224 = arith.constant 80 : index
      %swap3A_225 = tpu.vector_load %arg15[%swap3A_223, %swap3A_224] {strides = array<i32>} : memref<80x128xf32, #tpu.memory_space<vmem>>, vector<1x16xf32>,
      %swap3A_226 = vector.shape_cast %swap3A_225 : vector<1x16xf32> to vector<16xf32>
      %swap3A_227 = vector.shape_cast %max3A_222 : vector<16xf32> to vector<1x16xf32>
      tpu.vector_store %arg15[%swap3A_223, %swap3A_224], %swap3A_227 {strides = array<i32>} : memref<80x128xf32, #tpu.memory_space<vmem>>, vector<1x16xf32>,
      %get3A_228 = arith.index_cast %scan3A_125 : i32 to index
      %get3A_229 = arith.constant 96 : index
      %get3A_230 = tpu.vector_load %arg15[%get3A_228, %get3A_229] {strides = array<i32>} : memref<80x128xf32, #tpu.memory_space<vmem>>, vector<1x16xf32>,
      %get3A_231 = vector.shape_cast %get3A_230 : vector<1x16xf32> to vector<16xf32>
      %get3A_232 = arith.index_cast %scan3A_125 : i32 to index
      %get3A_233 = arith.constant 96 : index
      %get3A_234 = tpu.vector_load %arg13[%get3A_232, %get3A_233] {strides = array<i32>} : memref<80x128xf32, #tpu.memory_space<vmem>>, vector<1x16xf32>,
      %get3A_235 = vector.shape_cast %get3A_234 : vector<1x16xf32> to vector<16xf32>
      %add3A_236 = arith.addf %get3A_231, %get3A_235 : vector<16xf32>
      %max3A_237 = arith.constant 0.000000e+00 : f32
      %max3A_238 = vector.broadcast %max3A_237 : f32 to vector<16xf32>
      %max3A_239 = arith.maximumf %add3A_236, %max3A_238 : vector<16xf32>
      %swap3A_240 = arith.index_cast %scan3A_125 : i32 to index
      %swap3A_241 = arith.constant 96 : index
      %swap3A_242 = tpu.vector_load %arg15[%swap3A_240, %swap3A_241] {strides = array<i32>} : memref<80x128xf32, #tpu.memory_space<vmem>>, vector<1x16xf32>,
      %swap3A_243 = vector.shape_cast %swap3A_242 : vector<1x16xf32> to vector<16xf32>
      %swap3A_244 = vector.shape_cast %max3A_239 : vector<16xf32> to vector<1x16xf32>
      tpu.vector_store %arg15[%swap3A_240, %swap3A_241], %swap3A_244 {strides = array<i32>} : memref<80x128xf32, #tpu.memory_space<vmem>>, vector<1x16xf32>,
      %get3A_245 = arith.index_cast %scan3A_125 : i32 to index
      %get3A_246 = arith.constant 112 : index
      %get3A_247 = tpu.vector_load %arg15[%get3A_245, %get3A_246] {strides = array<i32>} : memref<80x128xf32, #tpu.memory_space<vmem>>, vector<1x16xf32>,
      %get3A_248 = vector.shape_cast %get3A_247 : vector<1x16xf32> to vector<16xf32>
      %get3A_249 = arith.index_cast %scan3A_125 : i32 to index
      %get3A_250 = arith.constant 112 : index
      %get3A_251 = tpu.vector_load %arg13[%get3A_249, %get3A_250] {strides = array<i32>} : memref<80x128xf32, #tpu.memory_space<vmem>>, vector<1x16xf32>,
      %get3A_252 = vector.shape_cast %get3A_251 : vector<1x16xf32> to vector<16xf32>
      %add3A_253 = arith.addf %get3A_248, %get3A_252 : vector<16xf32>
      %max3A_254 = arith.constant 0.000000e+00 : f32
      %max3A_255 = vector.broadcast %max3A_254 : f32 to vector<16xf32>
      %max3A_256 = arith.maximumf %add3A_253, %max3A_255 : vector<16xf32>
      %swap3A_257 = arith.index_cast %scan3A_125 : i32 to index
      %swap3A_258 = arith.constant 112 : index
      %swap3A_259 = tpu.vector_load %arg15[%swap3A_257, %swap3A_258] {strides = array<i32>} : memref<80x128xf32, #tpu.memory_space<vmem>>, vector<1x16xf32>,
      %swap3A_260 = vector.shape_cast %swap3A_259 : vector<1x16xf32> to vector<16xf32>
      %swap3A_261 = vector.shape_cast %max3A_256 : vector<16xf32> to vector<1x16xf32>
      tpu.vector_store %arg15[%swap3A_257, %swap3A_258], %swap3A_261 {strides = array<i32>} : memref<80x128xf32, #tpu.memory_space<vmem>>, vector<1x16xf32>,
      %scan3A_262 = arith.constant 0 : i32
      scf.yield %scan3A_262 : i32
    }
    %scan3A_72 = arith.constant 80 : i32
    %get3A = arith.constant 0 : index
    %get3A_73 = tpu.vector_load %arg9[%get3A] {strides = array<i32>} : memref<80xi32, #tpu.memory_space<vmem>>, vector<16xi32>,
    %get3A_74 = vector.shape_cast %get3A_73 : vector<16xi32> to vector<16xi32>
    %swap3A = arith.constant 0 : index
    %swap3A_75 = tpu.vector_load %arg11[%swap3A] {strides = array<i32>} : memref<80xi32, #tpu.memory_space<vmem>>, vector<16xi32>,
    %swap3A_76 = vector.shape_cast %swap3A_75 : vector<16xi32> to vector<16xi32>
    %swap3A_77 = vector.shape_cast %get3A_74 : vector<16xi32> to vector<16xi32>
    tpu.vector_store %arg11[%swap3A], %swap3A_77 {strides = array<i32>} : memref<80xi32, #tpu.memory_space<vmem>>, vector<16xi32>,
    %get3A_78 = arith.constant 16 : index
    %get3A_79 = tpu.vector_load %arg9[%get3A_78] {strides = array<i32>} : memref<80xi32, #tpu.memory_space<vmem>>, vector<16xi32>,
    %get3A_80 = vector.shape_cast %get3A_79 : vector<16xi32> to vector<16xi32>
    %swap3A_81 = arith.constant 16 : index
    %swap3A_82 = tpu.vector_load %arg11[%swap3A_81] {strides = array<i32>} : memref<80xi32, #tpu.memory_space<vmem>>, vector<16xi32>,
    %swap3A_83 = vector.shape_cast %swap3A_82 : vector<16xi32> to vector<16xi32>
    %swap3A_84 = vector.shape_cast %get3A_80 : vector<16xi32> to vector<16xi32>
    tpu.vector_store %arg11[%swap3A_81], %swap3A_84 {strides = array<i32>} : memref<80xi32, #tpu.memory_space<vmem>>, vector<16xi32>,
    %get3A_85 = arith.constant 32 : index
    %get3A_86 = tpu.vector_load %arg9[%get3A_85] {strides = array<i32>} : memref<80xi32, #tpu.memory_space<vmem>>, vector<16xi32>,
    %get3A_87 = vector.shape_cast %get3A_86 : vector<16xi32> to vector<16xi32>
    %swap3A_88 = arith.constant 32 : index
    %swap3A_89 = tpu.vector_load %arg11[%swap3A_88] {strides = array<i32>} : memref<80xi32, #tpu.memory_space<vmem>>, vector<16xi32>,
    %swap3A_90 = vector.shape_cast %swap3A_89 : vector<16xi32> to vector<16xi32>
    %swap3A_91 = vector.shape_cast %get3A_87 : vector<16xi32> to vector<16xi32>
    tpu.vector_store %arg11[%swap3A_88], %swap3A_91 {strides = array<i32>} : memref<80xi32, #tpu.memory_space<vmem>>, vector<16xi32>,
    %get3A_92 = arith.constant 48 : index
    %get3A_93 = tpu.vector_load %arg9[%get3A_92] {strides = array<i32>} : memref<80xi32, #tpu.memory_space<vmem>>, vector<16xi32>,
    %get3A_94 = vector.shape_cast %get3A_93 : vector<16xi32> to vector<16xi32>
    %swap3A_95 = arith.constant 48 : index
    %swap3A_96 = tpu.vector_load %arg11[%swap3A_95] {strides = array<i32>} : memref<80xi32, #tpu.memory_space<vmem>>, vector<16xi32>,
    %swap3A_97 = vector.shape_cast %swap3A_96 : vector<16xi32> to vector<16xi32>
    %swap3A_98 = vector.shape_cast %get3A_94 : vector<16xi32> to vector<16xi32>
    tpu.vector_store %arg11[%swap3A_95], %swap3A_98 {strides = array<i32>} : memref<80xi32, #tpu.memory_space<vmem>>, vector<16xi32>,
    %get3A_99 = arith.constant 64 : index
    %get3A_100 = tpu.vector_load %arg9[%get3A_99] {strides = array<i32>} : memref<80xi32, #tpu.memory_space<vmem>>, vector<16xi32>,
    %get3A_101 = vector.shape_cast %get3A_100 : vector<16xi32> to vector<16xi32>
    %swap3A_102 = arith.constant 64 : index
    %swap3A_103 = tpu.vector_load %arg11[%swap3A_102] {strides = array<i32>} : memref<80xi32, #tpu.memory_space<vmem>>, vector<16xi32>,
    %swap3A_104 = vector.shape_cast %swap3A_103 : vector<16xi32> to vector<16xi32>
    %swap3A_105 = vector.shape_cast %get3A_101 : vector<16xi32> to vector<16xi32>
    tpu.vector_store %arg11[%swap3A_102], %swap3A_105 {strides = array<i32>} : memref<80xi32, #tpu.memory_space<vmem>>, vector<16xi32>,
    %dma_start3A_106 = arith.constant 0 : i32
    %dma_start3A_107 = arith.constant 0 : i32
    %dma_start3A_108 = tpu.memref_slice %arg17[%dma_start3A_106, %dma_start3A_107] : memref<10000x128xf32, #tpu.memory_space<vmem_shared>> -> memref<10000x128xf32, #tpu.memory_space<vmem_shared>>
    tpu.enqueue_indirect_dma source(%arg15 : memref<80x128xf32, #tpu.memory_space<vmem>>) target(%dma_start3A_108 : memref<10000x128xf32, #tpu.memory_space<vmem_shared>>) offsets(%arg11 : memref<80xi32, #tpu.memory_space<vmem>>) semaphore(%arg22 : memref<!tpu.dma_semaphore, #tpu.memory_space<semaphore_mem>>) {add = true}
    %dma_wait3A_109 = arith.constant 0 : i32
    %dma_wait3A_110 = arith.constant 0 : i32
    %dma_wait3A_111 = tpu.memref_slice %arg17[%dma_wait3A_109, %dma_wait3A_110] : memref<10000x128xf32, #tpu.memory_space<vmem_shared>> -> memref<10000x128xf32, #tpu.memory_space<vmem_shared>>
    tpu.wait_indirect_dma semaphore(%arg22 : memref<!tpu.dma_semaphore, #tpu.memory_space<semaphore_mem>>) src(%arg15 : memref<80x128xf32, #tpu.memory_space<vmem>>) dst(%dma_wait3A_111 : memref<10000x128xf32, #tpu.memory_space<vmem_shared>>)
    %barrier3A_112 = arith.constant 0 : index
    tpu.barrier barrier_id(%barrier3A_112)
    %while3A_113 = arith.constant 0 : i32
    %while3A_114 = arith.constant 0 : i32
    %while3A_115 = arith.subi %select_n3A, %while3A_113 : i32
    %while3A_116 = arith.addi %while3A_113, %while3A_115 : i32
    %while3A_117 = arith.constant 1 : i32
    %while3A_118 = arith.divsi %while3A_115, %while3A_117 : i32
    %while3A_119 = arith.muli %while3A_118, %while3A_117 : i32
    %while3A_120 = arith.addi %while3A_113, %while3A_119 : i32
    %while3A_121 = arith.constant 1 : i32
    %while3A_122 = scf.for %while3A_125 = %while3A_113 to %while3A_120 step %while3A_121 iter_args(%while3A_126 = %while3A_114) -> (i32)  : i32 {
      %mul3A_127 = arith.constant 16 : i32
      %mul3A_128 = arith.muli %while3A_125, %mul3A_127 : i32
      %add3A_129 = arith.addi %arg1, %mul3A_128 : i32
      %mul3A_130 = arith.constant 80 : i32
      %mul3A_131 = arith.muli %add3A_129, %mul3A_130 : i32
      "tpu.region"() ({
        %run_scoped3A = tpu.sem_alloc : memref<!tpu.dma_semaphore, #tpu.memory_space<semaphore_mem>>
        %dma_start3A_133 = arith.constant 0 : i32
        %dma_start3A_134 = tpu.memref_slice %arg17[%mul3A_131, %dma_start3A_133] : memref<10000x128xf32, #tpu.memory_space<vmem_shared>> -> memref<80x128xf32, #tpu.memory_space<vmem_shared>>
        %dma_start3A_135 = arith.constant 0 : i32
        %dma_start3A_136 = tpu.memref_slice %arg17[%mul3A_131, %dma_start3A_135] : memref<10000x128xf32, #tpu.memory_space<vmem_shared>> -> memref<80x128xf32, #tpu.memory_space<vmem_shared>>
        tpu.enqueue_dma source(%dma_start3A_136 : memref<80x128xf32, #tpu.memory_space<vmem_shared>>) target(%arg15 : memref<80x128xf32, #tpu.memory_space<vmem>>) target_semaphore(%run_scoped3A : memref<!tpu.dma_semaphore, #tpu.memory_space<semaphore_mem>>)
        %dma_wait3A_137 = arith.constant 0 : i32
        %dma_wait3A_138 = tpu.memref_slice %arg17[%mul3A_131, %dma_wait3A_137] : memref<10000x128xf32, #tpu.memory_space<vmem_shared>> -> memref<80x128xf32, #tpu.memory_space<vmem_shared>>
        %dma_wait3A_139 = arith.constant 0 : i32
        %dma_wait3A_140 = tpu.memref_slice %arg17[%mul3A_131, %dma_wait3A_139] : memref<10000x128xf32, #tpu.memory_space<vmem_shared>> -> memref<80x128xf32, #tpu.memory_space<vmem_shared>>
        tpu.wait_dma2 semaphore(%run_scoped3A : memref<!tpu.dma_semaphore, #tpu.memory_space<semaphore_mem>>) src(%dma_wait3A_140 : memref<80x128xf32, #tpu.memory_space<vmem_shared>>) dst(%arg15 : memref<80x128xf32, #tpu.memory_space<vmem>>)
        tpu.yield
      }) : () -> ()
      "tpu.region"() ({
        %run_scoped3A = tpu.sem_alloc : memref<!tpu.dma_semaphore, #tpu.memory_space<semaphore_mem>>
        %dma_start3A_133 = arith.constant 0 : i32
        %dma_start3A_134 = tpu.memref_slice %arg6[%arg0, %mul3A_131, %dma_start3A_133] : memref<2x10000x128xf32, #tpu.memory_space<hbm>> -> memref<1x80x128xf32, #tpu.memory_space<hbm>>
        %dma_start3A_135 = tpu.memref_squeeze %dma_start3A_134 : memref<1x80x128xf32, #tpu.memory_space<hbm>> -> memref<80x128xf32, #tpu.memory_space<hbm>>
        %dma_start3A_136 = arith.constant 0 : i32
        %dma_start3A_137 = tpu.memref_slice %arg6[%arg0, %mul3A_131, %dma_start3A_136] : memref<2x10000x128xf32, #tpu.memory_space<hbm>> -> memref<1x80x128xf32, #tpu.memory_space<hbm>>
        %dma_start3A_138 = tpu.memref_squeeze %dma_start3A_137 : memref<1x80x128xf32, #tpu.memory_space<hbm>> -> memref<80x128xf32, #tpu.memory_space<hbm>>
        tpu.enqueue_dma source(%arg15 : memref<80x128xf32, #tpu.memory_space<vmem>>) target(%dma_start3A_138 : memref<80x128xf32, #tpu.memory_space<hbm>>) target_semaphore(%run_scoped3A : memref<!tpu.dma_semaphore, #tpu.memory_space<semaphore_mem>>)
        %dma_wait3A_139 = arith.constant 0 : i32
        %dma_wait3A_140 = tpu.memref_slice %arg6[%arg0, %mul3A_131, %dma_wait3A_139] : memref<2x10000x128xf32, #tpu.memory_space<hbm>> -> memref<1x80x128xf32, #tpu.memory_space<hbm>>
        %dma_wait3A_141 = tpu.memref_squeeze %dma_wait3A_140 : memref<1x80x128xf32, #tpu.memory_space<hbm>> -> memref<80x128xf32, #tpu.memory_space<hbm>>
        %dma_wait3A_142 = arith.constant 0 : i32
        %dma_wait3A_143 = tpu.memref_slice %arg6[%arg0, %mul3A_131, %dma_wait3A_142] : memref<2x10000x128xf32, #tpu.memory_space<hbm>> -> memref<1x80x128xf32, #tpu.memory_space<hbm>>
        %dma_wait3A_144 = tpu.memref_squeeze %dma_wait3A_143 : memref<1x80x128xf32, #tpu.memory_space<hbm>> -> memref<80x128xf32, #tpu.memory_space<hbm>>
        tpu.wait_dma2 semaphore(%run_scoped3A : memref<!tpu.dma_semaphore, #tpu.memory_space<semaphore_mem>>) src(%arg15 : memref<80x128xf32, #tpu.memory_space<vmem>>) dst(%dma_wait3A_144 : memref<80x128xf32, #tpu.memory_space<hbm>>)
        tpu.yield
      }) : () -> ()
      %while3A_132 = arith.constant 0 : i32
      scf.yield %while3A_132 : i32
    }
    %while3A_123 = arith.constant 1 : i32
    %while3A_124 = scf.for %while3A_125 = %while3A_120 to %while3A_116 step %while3A_123 iter_args(%while3A_126 = %while3A_122) -> (i32)  : i32 {
      %mul3A_127 = arith.constant 16 : i32
      %mul3A_128 = arith.muli %while3A_125, %mul3A_127 : i32
      %add3A_129 = arith.addi %arg1, %mul3A_128 : i32
      %mul3A_130 = arith.constant 80 : i32
      %mul3A_131 = arith.muli %add3A_129, %mul3A_130 : i32
      "tpu.region"() ({
        %run_scoped3A = tpu.sem_alloc : memref<!tpu.dma_semaphore, #tpu.memory_space<semaphore_mem>>
        %dma_start3A_133 = arith.constant 0 : i32
        %dma_start3A_134 = tpu.memref_slice %arg17[%mul3A_131, %dma_start3A_133] : memref<10000x128xf32, #tpu.memory_space<vmem_shared>> -> memref<80x128xf32, #tpu.memory_space<vmem_shared>>
        %dma_start3A_135 = arith.constant 0 : i32
        %dma_start3A_136 = tpu.memref_slice %arg17[%mul3A_131, %dma_start3A_135] : memref<10000x128xf32, #tpu.memory_space<vmem_shared>> -> memref<80x128xf32, #tpu.memory_space<vmem_shared>>
        tpu.enqueue_dma source(%dma_start3A_136 : memref<80x128xf32, #tpu.memory_space<vmem_shared>>) target(%arg15 : memref<80x128xf32, #tpu.memory_space<vmem>>) target_semaphore(%run_scoped3A : memref<!tpu.dma_semaphore, #tpu.memory_space<semaphore_mem>>)
        %dma_wait3A_137 = arith.constant 0 : i32
        %dma_wait3A_138 = tpu.memref_slice %arg17[%mul3A_131, %dma_wait3A_137] : memref<10000x128xf32, #tpu.memory_space<vmem_shared>> -> memref<80x128xf32, #tpu.memory_space<vmem_shared>>
        %dma_wait3A_139 = arith.constant 0 : i32
        %dma_wait3A_140 = tpu.memref_slice %arg17[%mul3A_131, %dma_wait3A_139] : memref<10000x128xf32, #tpu.memory_space<vmem_shared>> -> memref<80x128xf32, #tpu.memory_space<vmem_shared>>
        tpu.wait_dma2 semaphore(%run_scoped3A : memref<!tpu.dma_semaphore, #tpu.memory_space<semaphore_mem>>) src(%dma_wait3A_140 : memref<80x128xf32, #tpu.memory_space<vmem_shared>>) dst(%arg15 : memref<80x128xf32, #tpu.memory_space<vmem>>)
        tpu.yield
      }) : () -> ()
      "tpu.region"() ({
        %run_scoped3A = tpu.sem_alloc : memref<!tpu.dma_semaphore, #tpu.memory_space<semaphore_mem>>
        %dma_start3A_133 = arith.constant 0 : i32
        %dma_start3A_134 = tpu.memref_slice %arg6[%arg0, %mul3A_131, %dma_start3A_133] : memref<2x10000x128xf32, #tpu.memory_space<hbm>> -> memref<1x80x128xf32, #tpu.memory_space<hbm>>
        %dma_start3A_135 = tpu.memref_squeeze %dma_start3A_134 : memref<1x80x128xf32, #tpu.memory_space<hbm>> -> memref<80x128xf32, #tpu.memory_space<hbm>>
        %dma_start3A_136 = arith.constant 0 : i32
        %dma_start3A_137 = tpu.memref_slice %arg6[%arg0, %mul3A_131, %dma_start3A_136] : memref<2x10000x128xf32, #tpu.memory_space<hbm>> -> memref<1x80x128xf32, #tpu.memory_space<hbm>>
        %dma_start3A_138 = tpu.memref_squeeze %dma_start3A_137 : memref<1x80x128xf32, #tpu.memory_space<hbm>> -> memref<80x128xf32, #tpu.memory_space<hbm>>
        tpu.enqueue_dma source(%arg15 : memref<80x128xf32, #tpu.memory_space<vmem>>) target(%dma_start3A_138 : memref<80x128xf32, #tpu.memory_space<hbm>>) target_semaphore(%run_scoped3A : memref<!tpu.dma_semaphore, #tpu.memory_space<semaphore_mem>>)
        %dma_wait3A_139 = arith.constant 0 : i32
        %dma_wait3A_140 = tpu.memref_slice %arg6[%arg0, %mul3A_131, %dma_wait3A_139] : memref<2x10000x128xf32, #tpu.memory_space<hbm>> -> memref<1x80x128xf32, #tpu.memory_space<hbm>>
        %dma_wait3A_141 = tpu.memref_squeeze %dma_wait3A_140 : memref<1x80x128xf32, #tpu.memory_space<hbm>> -> memref<80x128xf32, #tpu.memory_space<hbm>>
        %dma_wait3A_142 = arith.constant 0 : i32
        %dma_wait3A_143 = tpu.memref_slice %arg6[%arg0, %mul3A_131, %dma_wait3A_142] : memref<2x10000x128xf32, #tpu.memory_space<hbm>> -> memref<1x80x128xf32, #tpu.memory_space<hbm>>
        %dma_wait3A_144 = tpu.memref_squeeze %dma_wait3A_143 : memref<1x80x128xf32, #tpu.memory_space<hbm>> -> memref<80x128xf32, #tpu.memory_space<hbm>>
        tpu.wait_dma2 semaphore(%run_scoped3A : memref<!tpu.dma_semaphore, #tpu.memory_space<semaphore_mem>>) src(%arg15 : memref<80x128xf32, #tpu.memory_space<vmem>>) dst(%dma_wait3A_144 : memref<80x128xf32, #tpu.memory_space<hbm>>)
        tpu.yield
      }) : () -> ()
      %while3A_132 = arith.constant 0 : i32
      scf.yield %while3A_132 : i32
    }
    return
  }
}

#map = affine_map<(d0, d1) -> (0, 0)>
#map1 = affine_map<(d0, d1) -> (0)>
#map2 = affine_map<(d0, d1) -> (0, 0, 0)>
module attributes {stable_mosaic.version = 14 : i64} {
  func.func @_sc_body(%arg0: i32, %arg1: i32, %arg2: memref<10000x128xf32, #tpu.memory_space<hbm>>, %arg3: memref<320000xi32, #tpu.memory_space<hbm>>, %arg4: memref<320000xi32, #tpu.memory_space<hbm>>, %arg5: memref<320000x128xf32, #tpu.memory_space<hbm>>, %arg6: memref<2x10000x128xf32, #tpu.memory_space<hbm>>, %arg7: memref<80xi32, #tpu.memory_space<vmem>>, %arg8: memref<80xi32, #tpu.memory_space<vmem>>, %arg9: memref<80xi32, #tpu.memory_space<vmem>>, %arg10: memref<80xi32, #tpu.memory_space<vmem>>, %arg11: memref<80xi32, #tpu.memory_space<vmem>>, %arg12: memref<80xi32, #tpu.memory_space<vmem>>, %arg13: memref<80x128xf32, #tpu.memory_space<vmem>>, %arg14: memref<80x128xf32, #tpu.memory_space<vmem>>, %arg15: memref<80x128xf32, #tpu.memory_space<vmem>>, %arg16: memref<80x128xf32, #tpu.memory_space<vmem>>, %arg17: memref<10000x128xf32, #tpu.memory_space<vmem_shared>>, %arg18: memref<!tpu.dma_semaphore, #tpu.memory_space<semaphore_mem>>, %arg19: memref<!tpu.dma_semaphore, #tpu.memory_space<semaphore_mem>>, %arg20: memref<!tpu.dma_semaphore, #tpu.memory_space<semaphore_mem>>, %arg21: memref<!tpu.dma_semaphore, #tpu.memory_space<semaphore_mem>>, %arg22: memref<!tpu.dma_semaphore, #tpu.memory_space<semaphore_mem>>, %arg23: memref<!tpu.dma_semaphore, #tpu.memory_space<semaphore_mem>>, %arg24: memref<!tpu.dma_semaphore, #tpu.memory_space<semaphore_mem>>) attributes {dimension_semantics = [#tpu.dimension_semantics<core_parallel>, #tpu.dimension_semantics<subcore_parallel>], iteration_bounds = array<i64: 2, 16>, scalar_prefetch = 0 : i64, scratch_operands = 18 : i64, tpu.core_type = #tpu.core_type<sc_vector_subcore>, window_params = [{transform_indices = #map}, {transform_indices = #map1}, {transform_indices = #map1}, {transform_indices = #map}, {transform_indices = #map2}]} {
    %mul3A = arith.constant 16 : i32
    %mul3A_0 = arith.muli %arg0, %mul3A : i32
    %add3A = arith.addi %mul3A_0, %arg1 : i32
    %scan3A = arith.constant 0 : i32
    %scan3A_1 = arith.constant 0 : i32
    %scan3A_2 = arith.constant 640 : i32
    %scan3A_3 = arith.addi %scan3A_1, %scan3A_2 : i32
    %scan3A_4 = arith.constant 1 : i32
    %scan3A_5 = scf.for %scan3A_125 = %scan3A_1 to %scan3A_3 step %scan3A_4 iter_args(%scan3A_126 = %scan3A) -> (i32)  : i32 {
      %jit3A_127 = arith.constant 8 : i32
      %div3A = arith.divsi %scan3A_125, %jit3A_127 : i32
      %sign3A = arith.constant 0 : i32
      %sign3A_128 = arith.cmpi sgt, %scan3A_125, %sign3A : i32
      %sign3A_129 = arith.extui %sign3A_128 : i1 to i32
      %sign3A_130 = arith.constant 0 : i32
      %sign3A_131 = arith.cmpi slt, %scan3A_125, %sign3A_130 : i32
      %sign3A_132 = arith.extui %sign3A_131 : i1 to i32
      %sign3A_133 = arith.subi %sign3A_129, %sign3A_132 : i32
      %sign3A_134 = arith.constant 0 : i32
      %sign3A_135 = arith.cmpi sgt, %jit3A_127, %sign3A_134 : i32
      %sign3A_136 = arith.extui %sign3A_135 : i1 to i32
      %sign3A_137 = arith.constant 0 : i32
      %sign3A_138 = arith.cmpi slt, %jit3A_127, %sign3A_137 : i32
      %sign3A_139 = arith.extui %sign3A_138 : i1 to i32
      %sign3A_140 = arith.subi %sign3A_136, %sign3A_139 : i32
      %ne3A = arith.cmpi ne, %sign3A_133, %sign3A_140 : i32
      %rem3A = arith.remsi %scan3A_125, %jit3A_127 : i32
      %ne3A_141 = arith.constant 0 : i32
      %ne3A_142 = arith.cmpi ne, %rem3A, %ne3A_141 : i32
      %and3A = arith.andi %ne3A, %ne3A_142 : i1
      %sub3A = arith.constant 1 : i32
      %sub3A_143 = arith.subi %div3A, %sub3A : i32
      %select_n3A_144 = arith.select %and3A, %sub3A_143, %div3A : i32
      %jit3A_145 = arith.constant 8 : i32
      %eq3A = arith.constant 0 : i32
      %eq3A_146 = arith.cmpi eq, %jit3A_145, %eq3A : i32
      %jit3A_147 = arith.constant 1 : i32
      %select_n3A_148 = arith.select %eq3A_146, %jit3A_147, %jit3A_145 : i32
      %rem3A_149 = arith.remsi %scan3A_125, %select_n3A_148 : i32
      %ne3A_150 = arith.constant 0 : i32
      %ne3A_151 = arith.cmpi ne, %rem3A_149, %ne3A_150 : i32
      %lt3A_152 = arith.constant 0 : i32
      %lt3A_153 = arith.cmpi slt, %rem3A_149, %lt3A_152 : i32
      %lt3A_154 = arith.constant 0 : i32
      %lt3A_155 = arith.cmpi slt, %select_n3A_148, %lt3A_154 : i32
      %ne3A_156 = arith.xori %lt3A_153, %lt3A_155 : i1
      %and3A_157 = arith.andi %ne3A_156, %ne3A_151 : i1
      %add3A_158 = arith.addi %rem3A_149, %select_n3A_148 : i32
      %select_n3A_159 = arith.select %and3A_157, %add3A_158, %rem3A_149 : i32
      %mul3A_160 = arith.constant 16 : i32
      %mul3A_161 = arith.muli %select_n3A_159, %mul3A_160 : i32
      %broadcast_in_dim3A = arith.constant 0.000000e+00 : f32
      %broadcast_in_dim3A_162 = vector.broadcast %broadcast_in_dim3A : f32 to vector<16xf32>
      %swap3A_163 = arith.index_cast %select_n3A_144 : i32 to index
      %swap3A_164 = arith.index_cast %mul3A_161 : i32 to index
      %swap3A_165 = tpu.vector_load %arg15[%swap3A_163, %swap3A_164] {strides = array<i32>} : memref<80x128xf32, #tpu.memory_space<vmem>>, vector<1x16xf32>,
      %swap3A_166 = vector.shape_cast %swap3A_165 : vector<1x16xf32> to vector<16xf32>
      %swap3A_167 = vector.shape_cast %broadcast_in_dim3A_162 : vector<16xf32> to vector<1x16xf32>
      tpu.vector_store %arg15[%swap3A_163, %swap3A_164], %swap3A_167 {strides = array<i32>} : memref<80x128xf32, #tpu.memory_space<vmem>>, vector<1x16xf32>,
      %scan3A_168 = arith.constant 0 : i32
      scf.yield %scan3A_168 : i32
    }
    %scan3A_6 = arith.constant 640 : i32
    %lt3A = arith.constant 13 : i32
    %lt3A_7 = arith.cmpi slt, %arg1, %lt3A : i32
    %jit3A = arith.constant 8 : i32
    %jit3A_8 = arith.constant 7 : i32
    %select_n3A = arith.select %lt3A_7, %jit3A, %jit3A_8 : i32
    %while3A = arith.constant 0 : i32
    %while3A_9 = arith.constant 0 : i32
    %while3A_10 = arith.subi %select_n3A, %while3A : i32
    %while3A_11 = arith.addi %while3A, %while3A_10 : i32
    %while3A_12 = arith.constant 1 : i32
    %while3A_13 = arith.divsi %while3A_10, %while3A_12 : i32
    %while3A_14 = arith.muli %while3A_13, %while3A_12 : i32
    %while3A_15 = arith.addi %while3A, %while3A_14 : i32
    %while3A_16 = arith.constant 1 : i32
    %while3A_17 = scf.for %while3A_125 = %while3A to %while3A_15 step %while3A_16 iter_args(%while3A_126 = %while3A_9) -> (i32)  : i32 {
      %mul3A_127 = arith.constant 16 : i32
      %mul3A_128 = arith.muli %while3A_125, %mul3A_127 : i32
      %add3A_129 = arith.addi %arg1, %mul3A_128 : i32
      %mul3A_130 = arith.constant 80 : i32
      %mul3A_131 = arith.muli %add3A_129, %mul3A_130 : i32
      "tpu.region"() ({
        %run_scoped3A = tpu.sem_alloc : memref<!tpu.dma_semaphore, #tpu.memory_space<semaphore_mem>>
        %dma_start3A_133 = arith.constant 0 : i32
        %dma_start3A_134 = tpu.memref_slice %arg17[%mul3A_131, %dma_start3A_133] : memref<10000x128xf32, #tpu.memory_space<vmem_shared>> -> memref<80x128xf32, #tpu.memory_space<vmem_shared>>
        %dma_start3A_135 = arith.constant 0 : i32
        %dma_start3A_136 = tpu.memref_slice %arg17[%mul3A_131, %dma_start3A_135] : memref<10000x128xf32, #tpu.memory_space<vmem_shared>> -> memref<80x128xf32, #tpu.memory_space<vmem_shared>>
        tpu.enqueue_dma source(%arg15 : memref<80x128xf32, #tpu.memory_space<vmem>>) target(%dma_start3A_136 : memref<80x128xf32, #tpu.memory_space<vmem_shared>>) target_semaphore(%run_scoped3A : memref<!tpu.dma_semaphore, #tpu.memory_space<semaphore_mem>>)
        %dma_wait3A_137 = arith.constant 0 : i32
        %dma_wait3A_138 = tpu.memref_slice %arg17[%mul3A_131, %dma_wait3A_137] : memref<10000x128xf32, #tpu.memory_space<vmem_shared>> -> memref<80x128xf32, #tpu.memory_space<vmem_shared>>
        %dma_wait3A_139 = arith.constant 0 : i32
        %dma_wait3A_140 = tpu.memref_slice %arg17[%mul3A_131, %dma_wait3A_139] : memref<10000x128xf32, #tpu.memory_space<vmem_shared>> -> memref<80x128xf32, #tpu.memory_space<vmem_shared>>
        tpu.wait_dma2 semaphore(%run_scoped3A : memref<!tpu.dma_semaphore, #tpu.memory_space<semaphore_mem>>) src(%arg15 : memref<80x128xf32, #tpu.memory_space<vmem>>) dst(%dma_wait3A_140 : memref<80x128xf32, #tpu.memory_space<vmem_shared>>)
        tpu.yield
      }) : () -> ()
      %while3A_132 = arith.constant 0 : i32
      scf.yield %while3A_132 : i32
    }
    %while3A_18 = arith.constant 1 : i32
    %while3A_19 = scf.for %while3A_125 = %while3A_15 to %while3A_11 step %while3A_18 iter_args(%while3A_126 = %while3A_17) -> (i32)  : i32 {
      %mul3A_127 = arith.constant 16 : i32
      %mul3A_128 = arith.muli %while3A_125, %mul3A_127 : i32
      %add3A_129 = arith.addi %arg1, %mul3A_128 : i32
      %mul3A_130 = arith.constant 80 : i32
      %mul3A_131 = arith.muli %add3A_129, %mul3A_130 : i32
      "tpu.region"() ({
        %run_scoped3A = tpu.sem_alloc : memref<!tpu.dma_semaphore, #tpu.memory_space<semaphore_mem>>
        %dma_start3A_133 = arith.constant 0 : i32
        %dma_start3A_134 = tpu.memref_slice %arg17[%mul3A_131, %dma_start3A_133] : memref<10000x128xf32, #tpu.memory_space<vmem_shared>> -> memref<80x128xf32, #tpu.memory_space<vmem_shared>>
        %dma_start3A_135 = arith.constant 0 : i32
        %dma_start3A_136 = tpu.memref_slice %arg17[%mul3A_131, %dma_start3A_135] : memref<10000x128xf32, #tpu.memory_space<vmem_shared>> -> memref<80x128xf32, #tpu.memory_space<vmem_shared>>
        tpu.enqueue_dma source(%arg15 : memref<80x128xf32, #tpu.memory_space<vmem>>) target(%dma_start3A_136 : memref<80x128xf32, #tpu.memory_space<vmem_shared>>) target_semaphore(%run_scoped3A : memref<!tpu.dma_semaphore, #tpu.memory_space<semaphore_mem>>)
        %dma_wait3A_137 = arith.constant 0 : i32
        %dma_wait3A_138 = tpu.memref_slice %arg17[%mul3A_131, %dma_wait3A_137] : memref<10000x128xf32, #tpu.memory_space<vmem_shared>> -> memref<80x128xf32, #tpu.memory_space<vmem_shared>>
        %dma_wait3A_139 = arith.constant 0 : i32
        %dma_wait3A_140 = tpu.memref_slice %arg17[%mul3A_131, %dma_wait3A_139] : memref<10000x128xf32, #tpu.memory_space<vmem_shared>> -> memref<80x128xf32, #tpu.memory_space<vmem_shared>>
        tpu.wait_dma2 semaphore(%run_scoped3A : memref<!tpu.dma_semaphore, #tpu.memory_space<semaphore_mem>>) src(%arg15 : memref<80x128xf32, #tpu.memory_space<vmem>>) dst(%dma_wait3A_140 : memref<80x128xf32, #tpu.memory_space<vmem_shared>>)
        tpu.yield
      }) : () -> ()
      %while3A_132 = arith.constant 0 : i32
      scf.yield %while3A_132 : i32
    }
    %barrier3A = arith.constant 0 : index
    tpu.barrier barrier_id(%barrier3A)
    %mul3A_20 = arith.constant 10000 : i32
    %mul3A_21 = arith.muli %add3A, %mul3A_20 : i32
    %add3A_22 = arith.constant 0 : i32
    %add3A_23 = arith.addi %mul3A_21, %add3A_22 : i32
    %dma_start3A = tpu.memref_slice %arg3[%add3A_23] : memref<320000xi32, #tpu.memory_space<hbm>> -> memref<80xi32, #tpu.memory_space<hbm>>
    %dma_start3A_24 = tpu.memref_slice %arg3[%add3A_23] : memref<320000xi32, #tpu.memory_space<hbm>> -> memref<80xi32, #tpu.memory_space<hbm>>
    tpu.enqueue_dma source(%dma_start3A_24 : memref<80xi32, #tpu.memory_space<hbm>>) target(%arg7 : memref<80xi32, #tpu.memory_space<vmem>>) target_semaphore(%arg18 : memref<!tpu.dma_semaphore, #tpu.memory_space<semaphore_mem>>)
    %dma_start3A_25 = tpu.memref_slice %arg4[%add3A_23] : memref<320000xi32, #tpu.memory_space<hbm>> -> memref<80xi32, #tpu.memory_space<hbm>>
    %dma_start3A_26 = tpu.memref_slice %arg4[%add3A_23] : memref<320000xi32, #tpu.memory_space<hbm>> -> memref<80xi32, #tpu.memory_space<hbm>>
    tpu.enqueue_dma source(%dma_start3A_26 : memref<80xi32, #tpu.memory_space<hbm>>) target(%arg9 : memref<80xi32, #tpu.memory_space<vmem>>) target_semaphore(%arg18 : memref<!tpu.dma_semaphore, #tpu.memory_space<semaphore_mem>>)
    %dma_start3A_27 = arith.constant 0 : i32
    %dma_start3A_28 = tpu.memref_slice %arg5[%add3A_23, %dma_start3A_27] : memref<320000x128xf32, #tpu.memory_space<hbm>> -> memref<80x128xf32, #tpu.memory_space<hbm>>
    %dma_start3A_29 = arith.constant 0 : i32
    %dma_start3A_30 = tpu.memref_slice %arg5[%add3A_23, %dma_start3A_29] : memref<320000x128xf32, #tpu.memory_space<hbm>> -> memref<80x128xf32, #tpu.memory_space<hbm>>
    tpu.enqueue_dma source(%dma_start3A_30 : memref<80x128xf32, #tpu.memory_space<hbm>>) target(%arg13 : memref<80x128xf32, #tpu.memory_space<vmem>>) target_semaphore(%arg18 : memref<!tpu.dma_semaphore, #tpu.memory_space<semaphore_mem>>)
    %add3A_31 = arith.constant 0 : i32
    %add3A_32 = arith.addi %mul3A_21, %add3A_31 : i32
    %dma_wait3A = tpu.memref_slice %arg3[%add3A_32] : memref<320000xi32, #tpu.memory_space<hbm>> -> memref<80xi32, #tpu.memory_space<hbm>>
    %dma_wait3A_33 = tpu.memref_slice %arg3[%add3A_32] : memref<320000xi32, #tpu.memory_space<hbm>> -> memref<80xi32, #tpu.memory_space<hbm>>
    tpu.wait_dma2 semaphore(%arg18 : memref<!tpu.dma_semaphore, #tpu.memory_space<semaphore_mem>>) src(%dma_wait3A_33 : memref<80xi32, #tpu.memory_space<hbm>>) dst(%arg7 : memref<80xi32, #tpu.memory_space<vmem>>)
    %dma_wait3A_34 = tpu.memref_slice %arg4[%add3A_32] : memref<320000xi32, #tpu.memory_space<hbm>> -> memref<80xi32, #tpu.memory_space<hbm>>
    %dma_wait3A_35 = tpu.memref_slice %arg4[%add3A_32] : memref<320000xi32, #tpu.memory_space<hbm>> -> memref<80xi32, #tpu.memory_space<hbm>>
    tpu.wait_dma2 semaphore(%arg18 : memref<!tpu.dma_semaphore, #tpu.memory_space<semaphore_mem>>) src(%dma_wait3A_35 : memref<80xi32, #tpu.memory_space<hbm>>) dst(%arg9 : memref<80xi32, #tpu.memory_space<vmem>>)
    %dma_wait3A_36 = arith.constant 0 : i32
    %dma_wait3A_37 = tpu.memref_slice %arg5[%add3A_32, %dma_wait3A_36] : memref<320000x128xf32, #tpu.memory_space<hbm>> -> memref<80x128xf32, #tpu.memory_space<hbm>>
    %dma_wait3A_38 = arith.constant 0 : i32
    %dma_wait3A_39 = tpu.memref_slice %arg5[%add3A_32, %dma_wait3A_38] : memref<320000x128xf32, #tpu.memory_space<hbm>> -> memref<80x128xf32, #tpu.memory_space<hbm>>
    tpu.wait_dma2 semaphore(%arg18 : memref<!tpu.dma_semaphore, #tpu.memory_space<semaphore_mem>>) src(%dma_wait3A_39 : memref<80x128xf32, #tpu.memory_space<hbm>>) dst(%arg13 : memref<80x128xf32, #tpu.memory_space<vmem>>)
    %dma_start3A_40 = arith.constant 0 : i32
    %dma_start3A_41 = arith.constant 0 : i32
    %dma_start3A_42 = tpu.memref_slice %arg2[%dma_start3A_40, %dma_start3A_41] : memref<10000x128xf32, #tpu.memory_space<hbm>> -> memref<10000x128xf32, #tpu.memory_space<hbm>>
    tpu.enqueue_indirect_dma source(%dma_start3A_42 : memref<10000x128xf32, #tpu.memory_space<hbm>>) target(%arg15 : memref<80x128xf32, #tpu.memory_space<vmem>>) offsets(%arg7 : memref<80xi32, #tpu.memory_space<vmem>>) semaphore(%arg20 : memref<!tpu.dma_semaphore, #tpu.memory_space<semaphore_mem>>)
    %add3A_43 = arith.constant 80 : i32
    %add3A_44 = arith.addi %mul3A_21, %add3A_43 : i32
    %dma_start3A_45 = tpu.memref_slice %arg3[%add3A_44] : memref<320000xi32, #tpu.memory_space<hbm>> -> memref<80xi32, #tpu.memory_space<hbm>>
    %dma_start3A_46 = tpu.memref_slice %arg3[%add3A_44] : memref<320000xi32, #tpu.memory_space<hbm>> -> memref<80xi32, #tpu.memory_space<hbm>>
    tpu.enqueue_dma source(%dma_start3A_46 : memref<80xi32, #tpu.memory_space<hbm>>) target(%arg8 : memref<80xi32, #tpu.memory_space<vmem>>) target_semaphore(%arg19 : memref<!tpu.dma_semaphore, #tpu.memory_space<semaphore_mem>>)
    %dma_start3A_47 = tpu.memref_slice %arg4[%add3A_44] : memref<320000xi32, #tpu.memory_space<hbm>> -> memref<80xi32, #tpu.memory_space<hbm>>
    %dma_start3A_48 = tpu.memref_slice %arg4[%add3A_44] : memref<320000xi32, #tpu.memory_space<hbm>> -> memref<80xi32, #tpu.memory_space<hbm>>
    tpu.enqueue_dma source(%dma_start3A_48 : memref<80xi32, #tpu.memory_space<hbm>>) target(%arg10 : memref<80xi32, #tpu.memory_space<vmem>>) target_semaphore(%arg19 : memref<!tpu.dma_semaphore, #tpu.memory_space<semaphore_mem>>)
    %dma_start3A_49 = arith.constant 0 : i32
    %dma_start3A_50 = tpu.memref_slice %arg5[%add3A_44, %dma_start3A_49] : memref<320000x128xf32, #tpu.memory_space<hbm>> -> memref<80x128xf32, #tpu.memory_space<hbm>>
    %dma_start3A_51 = arith.constant 0 : i32
    %dma_start3A_52 = tpu.memref_slice %arg5[%add3A_44, %dma_start3A_51] : memref<320000x128xf32, #tpu.memory_space<hbm>> -> memref<80x128xf32, #tpu.memory_space<hbm>>
    tpu.enqueue_dma source(%dma_start3A_52 : memref<80x128xf32, #tpu.memory_space<hbm>>) target(%arg14 : memref<80x128xf32, #tpu.memory_space<vmem>>) target_semaphore(%arg19 : memref<!tpu.dma_semaphore, #tpu.memory_space<semaphore_mem>>)
    %scan3A_53 = arith.constant 0 : i32
    %scan3A_54 = arith.constant 0 : i32
    %scan3A_55 = arith.constant 62 : i32
    %scan3A_56 = arith.addi %scan3A_54, %scan3A_55 : i32
    %scan3A_57 = arith.constant 1 : i32
    %scan3A_58 = scf.for %scan3A_125 = %scan3A_54 to %scan3A_56 step %scan3A_57 iter_args(%scan3A_126 = %scan3A_53) -> (i32)  : i32 {
      %mul3A_127 = arith.constant 2 : i32
      %mul3A_128 = arith.muli %mul3A_127, %scan3A_125 : i32
      %add3A_129 = arith.constant 0 : i32
      %add3A_130 = arith.addi %mul3A_128, %add3A_129 : i32
      %dma_wait3A_131 = arith.constant 0 : i32
      %dma_wait3A_132 = arith.constant 0 : i32
      %dma_wait3A_133 = tpu.memref_slice %arg2[%dma_wait3A_131, %dma_wait3A_132] : memref<10000x128xf32, #tpu.memory_space<hbm>> -> memref<10000x128xf32, #tpu.memory_space<hbm>>
      tpu.wait_indirect_dma semaphore(%arg20 : memref<!tpu.dma_semaphore, #tpu.memory_space<semaphore_mem>>) src(%dma_wait3A_133 : memref<10000x128xf32, #tpu.memory_space<hbm>>) dst(%arg15 : memref<80x128xf32, #tpu.memory_space<vmem>>)
      %gt3A = arith.constant 0 : i32
      %gt3A_134 = arith.cmpi sgt, %add3A_130, %gt3A : i32
      %convert_element_type3A = arith.extui %gt3A_134 : i1 to i32
      %cond3A = arith.constant 0 : i32
      %cond3A_135 = arith.cmpi ne, %convert_element_type3A, %cond3A : i32
      scf.if %cond3A_135 {
        %dma_wait3A_267 = arith.constant 0 : i32
        %dma_wait3A_268 = arith.constant 0 : i32
        %dma_wait3A_269 = tpu.memref_slice %arg17[%dma_wait3A_267, %dma_wait3A_268] : memref<10000x128xf32, #tpu.memory_space<vmem_shared>> -> memref<10000x128xf32, #tpu.memory_space<vmem_shared>>
        tpu.wait_indirect_dma semaphore(%arg23 : memref<!tpu.dma_semaphore, #tpu.memory_space<semaphore_mem>>) src(%arg16 : memref<80x128xf32, #tpu.memory_space<vmem>>) dst(%dma_wait3A_269 : memref<10000x128xf32, #tpu.memory_space<vmem_shared>>)
      } else {
      }
      %add3A_136 = arith.constant 1 : i32
      %add3A_137 = arith.addi %add3A_130, %add3A_136 : i32
      %lt3A_138 = arith.constant 125 : i32
      %lt3A_139 = arith.cmpi slt, %add3A_137, %lt3A_138 : i32
      %convert_element_type3A_140 = arith.extui %lt3A_139 : i1 to i32
      %cond3A_141 = arith.constant 0 : i32
      %cond3A_142 = arith.cmpi ne, %convert_element_type3A_140, %cond3A_141 : i32
      scf.if %cond3A_142 {
        %add3A_267 = arith.constant 1 : i32
        %add3A_268 = arith.addi %add3A_130, %add3A_267 : i32
        %mul3A_269 = arith.constant 80 : i32
        %mul3A_270 = arith.muli %add3A_268, %mul3A_269 : i32
        %add3A_271 = arith.addi %mul3A_21, %mul3A_270 : i32
        %dma_wait3A_272 = tpu.memref_slice %arg3[%add3A_271] : memref<320000xi32, #tpu.memory_space<hbm>> -> memref<80xi32, #tpu.memory_space<hbm>>
        %dma_wait3A_273 = tpu.memref_slice %arg3[%add3A_271] : memref<320000xi32, #tpu.memory_space<hbm>> -> memref<80xi32, #tpu.memory_space<hbm>>
        tpu.wait_dma2 semaphore(%arg19 : memref<!tpu.dma_semaphore, #tpu.memory_space<semaphore_mem>>) src(%dma_wait3A_273 : memref<80xi32, #tpu.memory_space<hbm>>) dst(%arg8 : memref<80xi32, #tpu.memory_space<vmem>>)
        %dma_wait3A_274 = tpu.memref_slice %arg4[%add3A_271] : memref<320000xi32, #tpu.memory_space<hbm>> -> memref<80xi32, #tpu.memory_space<hbm>>
        %dma_wait3A_275 = tpu.memref_slice %arg4[%add3A_271] : memref<320000xi32, #tpu.memory_space<hbm>> -> memref<80xi32, #tpu.memory_space<hbm>>
        tpu.wait_dma2 semaphore(%arg19 : memref<!tpu.dma_semaphore, #tpu.memory_space<semaphore_mem>>) src(%dma_wait3A_275 : memref<80xi32, #tpu.memory_space<hbm>>) dst(%arg10 : memref<80xi32, #tpu.memory_space<vmem>>)
        %dma_wait3A_276 = arith.constant 0 : i32
        %dma_wait3A_277 = tpu.memref_slice %arg5[%add3A_271, %dma_wait3A_276] : memref<320000x128xf32, #tpu.memory_space<hbm>> -> memref<80x128xf32, #tpu.memory_space<hbm>>
        %dma_wait3A_278 = arith.constant 0 : i32
        %dma_wait3A_279 = tpu.memref_slice %arg5[%add3A_271, %dma_wait3A_278] : memref<320000x128xf32, #tpu.memory_space<hbm>> -> memref<80x128xf32, #tpu.memory_space<hbm>>
        tpu.wait_dma2 semaphore(%arg19 : memref<!tpu.dma_semaphore, #tpu.memory_space<semaphore_mem>>) src(%dma_wait3A_279 : memref<80x128xf32, #tpu.memory_space<hbm>>) dst(%arg14 : memref<80x128xf32, #tpu.memory_space<vmem>>)
        %dma_start3A_280 = arith.constant 0 : i32
        %dma_start3A_281 = arith.constant 0 : i32
        %dma_start3A_282 = tpu.memref_slice %arg2[%dma_start3A_280, %dma_start3A_281] : memref<10000x128xf32, #tpu.memory_space<hbm>> -> memref<10000x128xf32, #tpu.memory_space<hbm>>
        tpu.enqueue_indirect_dma source(%dma_start3A_282 : memref<10000x128xf32, #tpu.memory_space<hbm>>) target(%arg16 : memref<80x128xf32, #tpu.memory_space<vmem>>) offsets(%arg8 : memref<80xi32, #tpu.memory_space<vmem>>) semaphore(%arg21 : memref<!tpu.dma_semaphore, #tpu.memory_space<semaphore_mem>>)
      } else {
      }
      %scan3A_143 = arith.constant 0 : i32
      %scan3A_144 = arith.constant 0 : i32
      %scan3A_145 = arith.constant 80 : i32
      %scan3A_146 = arith.addi %scan3A_144, %scan3A_145 : i32
      %scan3A_147 = arith.constant 1 : i32
      %scan3A_148 = scf.for %scan3A_267 = %scan3A_144 to %scan3A_146 step %scan3A_147 iter_args(%scan3A_268 = %scan3A_143) -> (i32)  : i32 {
        %get3A_269 = arith.index_cast %scan3A_267 : i32 to index
        %get3A_270 = arith.constant 0 : index
        %get3A_271 = tpu.vector_load %arg15[%get3A_269, %get3A_270] {strides = array<i32>} : memref<80x128xf32, #tpu.memory_space<vmem>>, vector<1x16xf32>,
        %get3A_272 = vector.shape_cast %get3A_271 : vector<1x16xf32> to vector<16xf32>
        %get3A_273 = arith.index_cast %scan3A_267 : i32 to index
        %get3A_274 = arith.constant 0 : index
        %get3A_275 = tpu.vector_load %arg13[%get3A_273, %get3A_274] {strides = array<i32>} : memref<80x128xf32, #tpu.memory_space<vmem>>, vector<1x16xf32>,
        %get3A_276 = vector.shape_cast %get3A_275 : vector<1x16xf32> to vector<16xf32>
        %add3A_277 = arith.addf %get3A_272, %get3A_276 : vector<16xf32>
        %max3A = arith.constant 0.000000e+00 : f32
        %max3A_278 = vector.broadcast %max3A : f32 to vector<16xf32>
        %max3A_279 = arith.maximumf %add3A_277, %max3A_278 : vector<16xf32>
        %swap3A_280 = arith.index_cast %scan3A_267 : i32 to index
        %swap3A_281 = arith.constant 0 : index
        %swap3A_282 = tpu.vector_load %arg15[%swap3A_280, %swap3A_281] {strides = array<i32>} : memref<80x128xf32, #tpu.memory_space<vmem>>, vector<1x16xf32>,
        %swap3A_283 = vector.shape_cast %swap3A_282 : vector<1x16xf32> to vector<16xf32>
        %swap3A_284 = vector.shape_cast %max3A_279 : vector<16xf32> to vector<1x16xf32>
        tpu.vector_store %arg15[%swap3A_280, %swap3A_281], %swap3A_284 {strides = array<i32>} : memref<80x128xf32, #tpu.memory_space<vmem>>, vector<1x16xf32>,
        %get3A_285 = arith.index_cast %scan3A_267 : i32 to index
        %get3A_286 = arith.constant 16 : index
        %get3A_287 = tpu.vector_load %arg15[%get3A_285, %get3A_286] {strides = array<i32>} : memref<80x128xf32, #tpu.memory_space<vmem>>, vector<1x16xf32>,
        %get3A_288 = vector.shape_cast %get3A_287 : vector<1x16xf32> to vector<16xf32>
        %get3A_289 = arith.index_cast %scan3A_267 : i32 to index
        %get3A_290 = arith.constant 16 : index
        %get3A_291 = tpu.vector_load %arg13[%get3A_289, %get3A_290] {strides = array<i32>} : memref<80x128xf32, #tpu.memory_space<vmem>>, vector<1x16xf32>,
        %get3A_292 = vector.shape_cast %get3A_291 : vector<1x16xf32> to vector<16xf32>
        %add3A_293 = arith.addf %get3A_288, %get3A_292 : vector<16xf32>
        %max3A_294 = arith.constant 0.000000e+00 : f32
        %max3A_295 = vector.broadcast %max3A_294 : f32 to vector<16xf32>
        %max3A_296 = arith.maximumf %add3A_293, %max3A_295 : vector<16xf32>
        %swap3A_297 = arith.index_cast %scan3A_267 : i32 to index
        %swap3A_298 = arith.constant 16 : index
        %swap3A_299 = tpu.vector_load %arg15[%swap3A_297, %swap3A_298] {strides = array<i32>} : memref<80x128xf32, #tpu.memory_space<vmem>>, vector<1x16xf32>,
        %swap3A_300 = vector.shape_cast %swap3A_299 : vector<1x16xf32> to vector<16xf32>
        %swap3A_301 = vector.shape_cast %max3A_296 : vector<16xf32> to vector<1x16xf32>
        tpu.vector_store %arg15[%swap3A_297, %swap3A_298], %swap3A_301 {strides = array<i32>} : memref<80x128xf32, #tpu.memory_space<vmem>>, vector<1x16xf32>,
        %get3A_302 = arith.index_cast %scan3A_267 : i32 to index
        %get3A_303 = arith.constant 32 : index
        %get3A_304 = tpu.vector_load %arg15[%get3A_302, %get3A_303] {strides = array<i32>} : memref<80x128xf32, #tpu.memory_space<vmem>>, vector<1x16xf32>,
        %get3A_305 = vector.shape_cast %get3A_304 : vector<1x16xf32> to vector<16xf32>
        %get3A_306 = arith.index_cast %scan3A_267 : i32 to index
        %get3A_307 = arith.constant 32 : index
        %get3A_308 = tpu.vector_load %arg13[%get3A_306, %get3A_307] {strides = array<i32>} : memref<80x128xf32, #tpu.memory_space<vmem>>, vector<1x16xf32>,
        %get3A_309 = vector.shape_cast %get3A_308 : vector<1x16xf32> to vector<16xf32>
        %add3A_310 = arith.addf %get3A_305, %get3A_309 : vector<16xf32>
        %max3A_311 = arith.constant 0.000000e+00 : f32
        %max3A_312 = vector.broadcast %max3A_311 : f32 to vector<16xf32>
        %max3A_313 = arith.maximumf %add3A_310, %max3A_312 : vector<16xf32>
        %swap3A_314 = arith.index_cast %scan3A_267 : i32 to index
        %swap3A_315 = arith.constant 32 : index
        %swap3A_316 = tpu.vector_load %arg15[%swap3A_314, %swap3A_315] {strides = array<i32>} : memref<80x128xf32, #tpu.memory_space<vmem>>, vector<1x16xf32>,
        %swap3A_317 = vector.shape_cast %swap3A_316 : vector<1x16xf32> to vector<16xf32>
        %swap3A_318 = vector.shape_cast %max3A_313 : vector<16xf32> to vector<1x16xf32>
        tpu.vector_store %arg15[%swap3A_314, %swap3A_315], %swap3A_318 {strides = array<i32>} : memref<80x128xf32, #tpu.memory_space<vmem>>, vector<1x16xf32>,
        %get3A_319 = arith.index_cast %scan3A_267 : i32 to index
        %get3A_320 = arith.constant 48 : index
        %get3A_321 = tpu.vector_load %arg15[%get3A_319, %get3A_320] {strides = array<i32>} : memref<80x128xf32, #tpu.memory_space<vmem>>, vector<1x16xf32>,
        %get3A_322 = vector.shape_cast %get3A_321 : vector<1x16xf32> to vector<16xf32>
        %get3A_323 = arith.index_cast %scan3A_267 : i32 to index
        %get3A_324 = arith.constant 48 : index
        %get3A_325 = tpu.vector_load %arg13[%get3A_323, %get3A_324] {strides = array<i32>} : memref<80x128xf32, #tpu.memory_space<vmem>>, vector<1x16xf32>,
        %get3A_326 = vector.shape_cast %get3A_325 : vector<1x16xf32> to vector<16xf32>
        %add3A_327 = arith.addf %get3A_322, %get3A_326 : vector<16xf32>
        %max3A_328 = arith.constant 0.000000e+00 : f32
        %max3A_329 = vector.broadcast %max3A_328 : f32 to vector<16xf32>
        %max3A_330 = arith.maximumf %add3A_327, %max3A_329 : vector<16xf32>
        %swap3A_331 = arith.index_cast %scan3A_267 : i32 to index
        %swap3A_332 = arith.constant 48 : index
        %swap3A_333 = tpu.vector_load %arg15[%swap3A_331, %swap3A_332] {strides = array<i32>} : memref<80x128xf32, #tpu.memory_space<vmem>>, vector<1x16xf32>,
        %swap3A_334 = vector.shape_cast %swap3A_333 : vector<1x16xf32> to vector<16xf32>
        %swap3A_335 = vector.shape_cast %max3A_330 : vector<16xf32> to vector<1x16xf32>
        tpu.vector_store %arg15[%swap3A_331, %swap3A_332], %swap3A_335 {strides = array<i32>} : memref<80x128xf32, #tpu.memory_space<vmem>>, vector<1x16xf32>,
        %get3A_336 = arith.index_cast %scan3A_267 : i32 to index
        %get3A_337 = arith.constant 64 : index
        %get3A_338 = tpu.vector_load %arg15[%get3A_336, %get3A_337] {strides = array<i32>} : memref<80x128xf32, #tpu.memory_space<vmem>>, vector<1x16xf32>,
        %get3A_339 = vector.shape_cast %get3A_338 : vector<1x16xf32> to vector<16xf32>
        %get3A_340 = arith.index_cast %scan3A_267 : i32 to index
        %get3A_341 = arith.constant 64 : index
        %get3A_342 = tpu.vector_load %arg13[%get3A_340, %get3A_341] {strides = array<i32>} : memref<80x128xf32, #tpu.memory_space<vmem>>, vector<1x16xf32>,
        %get3A_343 = vector.shape_cast %get3A_342 : vector<1x16xf32> to vector<16xf32>
        %add3A_344 = arith.addf %get3A_339, %get3A_343 : vector<16xf32>
        %max3A_345 = arith.constant 0.000000e+00 : f32
        %max3A_346 = vector.broadcast %max3A_345 : f32 to vector<16xf32>
        %max3A_347 = arith.maximumf %add3A_344, %max3A_346 : vector<16xf32>
        %swap3A_348 = arith.index_cast %scan3A_267 : i32 to index
        %swap3A_349 = arith.constant 64 : index
        %swap3A_350 = tpu.vector_load %arg15[%swap3A_348, %swap3A_349] {strides = array<i32>} : memref<80x128xf32, #tpu.memory_space<vmem>>, vector<1x16xf32>,
        %swap3A_351 = vector.shape_cast %swap3A_350 : vector<1x16xf32> to vector<16xf32>
        %swap3A_352 = vector.shape_cast %max3A_347 : vector<16xf32> to vector<1x16xf32>
        tpu.vector_store %arg15[%swap3A_348, %swap3A_349], %swap3A_352 {strides = array<i32>} : memref<80x128xf32, #tpu.memory_space<vmem>>, vector<1x16xf32>,
        %get3A_353 = arith.index_cast %scan3A_267 : i32 to index
        %get3A_354 = arith.constant 80 : index
        %get3A_355 = tpu.vector_load %arg15[%get3A_353, %get3A_354] {strides = array<i32>} : memref<80x128xf32, #tpu.memory_space<vmem>>, vector<1x16xf32>,
        %get3A_356 = vector.shape_cast %get3A_355 : vector<1x16xf32> to vector<16xf32>
        %get3A_357 = arith.index_cast %scan3A_267 : i32 to index
        %get3A_358 = arith.constant 80 : index
        %get3A_359 = tpu.vector_load %arg13[%get3A_357, %get3A_358] {strides = array<i32>} : memref<80x128xf32, #tpu.memory_space<vmem>>, vector<1x16xf32>,
        %get3A_360 = vector.shape_cast %get3A_359 : vector<1x16xf32> to vector<16xf32>
        %add3A_361 = arith.addf %get3A_356, %get3A_360 : vector<16xf32>
        %max3A_362 = arith.constant 0.000000e+00 : f32
        %max3A_363 = vector.broadcast %max3A_362 : f32 to vector<16xf32>
        %max3A_364 = arith.maximumf %add3A_361, %max3A_363 : vector<16xf32>
        %swap3A_365 = arith.index_cast %scan3A_267 : i32 to index
        %swap3A_366 = arith.constant 80 : index
        %swap3A_367 = tpu.vector_load %arg15[%swap3A_365, %swap3A_366] {strides = array<i32>} : memref<80x128xf32, #tpu.memory_space<vmem>>, vector<1x16xf32>,
        %swap3A_368 = vector.shape_cast %swap3A_367 : vector<1x16xf32> to vector<16xf32>
        %swap3A_369 = vector.shape_cast %max3A_364 : vector<16xf32> to vector<1x16xf32>
        tpu.vector_store %arg15[%swap3A_365, %swap3A_366], %swap3A_369 {strides = array<i32>} : memref<80x128xf32, #tpu.memory_space<vmem>>, vector<1x16xf32>,
        %get3A_370 = arith.index_cast %scan3A_267 : i32 to index
        %get3A_371 = arith.constant 96 : index
        %get3A_372 = tpu.vector_load %arg15[%get3A_370, %get3A_371] {strides = array<i32>} : memref<80x128xf32, #tpu.memory_space<vmem>>, vector<1x16xf32>,
        %get3A_373 = vector.shape_cast %get3A_372 : vector<1x16xf32> to vector<16xf32>
        %get3A_374 = arith.index_cast %scan3A_267 : i32 to index
        %get3A_375 = arith.constant 96 : index
        %get3A_376 = tpu.vector_load %arg13[%get3A_374, %get3A_375] {strides = array<i32>} : memref<80x128xf32, #tpu.memory_space<vmem>>, vector<1x16xf32>,
        %get3A_377 = vector.shape_cast %get3A_376 : vector<1x16xf32> to vector<16xf32>
        %add3A_378 = arith.addf %get3A_373, %get3A_377 : vector<16xf32>
        %max3A_379 = arith.constant 0.000000e+00 : f32
        %max3A_380 = vector.broadcast %max3A_379 : f32 to vector<16xf32>
        %max3A_381 = arith.maximumf %add3A_378, %max3A_380 : vector<16xf32>
        %swap3A_382 = arith.index_cast %scan3A_267 : i32 to index
        %swap3A_383 = arith.constant 96 : index
        %swap3A_384 = tpu.vector_load %arg15[%swap3A_382, %swap3A_383] {strides = array<i32>} : memref<80x128xf32, #tpu.memory_space<vmem>>, vector<1x16xf32>,
        %swap3A_385 = vector.shape_cast %swap3A_384 : vector<1x16xf32> to vector<16xf32>
        %swap3A_386 = vector.shape_cast %max3A_381 : vector<16xf32> to vector<1x16xf32>
        tpu.vector_store %arg15[%swap3A_382, %swap3A_383], %swap3A_386 {strides = array<i32>} : memref<80x128xf32, #tpu.memory_space<vmem>>, vector<1x16xf32>,
        %get3A_387 = arith.index_cast %scan3A_267 : i32 to index
        %get3A_388 = arith.constant 112 : index
        %get3A_389 = tpu.vector_load %arg15[%get3A_387, %get3A_388] {strides = array<i32>} : memref<80x128xf32, #tpu.memory_space<vmem>>, vector<1x16xf32>,
        %get3A_390 = vector.shape_cast %get3A_389 : vector<1x16xf32> to vector<16xf32>
        %get3A_391 = arith.index_cast %scan3A_267 : i32 to index
        %get3A_392 = arith.constant 112 : index
        %get3A_393 = tpu.vector_load %arg13[%get3A_391, %get3A_392] {strides = array<i32>} : memref<80x128xf32, #tpu.memory_space<vmem>>, vector<1x16xf32>,
        %get3A_394 = vector.shape_cast %get3A_393 : vector<1x16xf32> to vector<16xf32>
        %add3A_395 = arith.addf %get3A_390, %get3A_394 : vector<16xf32>
        %max3A_396 = arith.constant 0.000000e+00 : f32
        %max3A_397 = vector.broadcast %max3A_396 : f32 to vector<16xf32>
        %max3A_398 = arith.maximumf %add3A_395, %max3A_397 : vector<16xf32>
        %swap3A_399 = arith.index_cast %scan3A_267 : i32 to index
        %swap3A_400 = arith.constant 112 : index
        %swap3A_401 = tpu.vector_load %arg15[%swap3A_399, %swap3A_400] {strides = array<i32>} : memref<80x128xf32, #tpu.memory_space<vmem>>, vector<1x16xf32>,
        %swap3A_402 = vector.shape_cast %swap3A_401 : vector<1x16xf32> to vector<16xf32>
        %swap3A_403 = vector.shape_cast %max3A_398 : vector<16xf32> to vector<1x16xf32>
        tpu.vector_store %arg15[%swap3A_399, %swap3A_400], %swap3A_403 {strides = array<i32>} : memref<80x128xf32, #tpu.memory_space<vmem>>, vector<1x16xf32>,
        %scan3A_404 = arith.constant 0 : i32
        scf.yield %scan3A_404 : i32
      }
      %scan3A_149 = arith.constant 80 : i32
      %get3A_150 = arith.constant 0 : index
      %get3A_151 = tpu.vector_load %arg9[%get3A_150] {strides = array<i32>} : memref<80xi32, #tpu.memory_space<vmem>>, vector<16xi32>,
      %get3A_152 = vector.shape_cast %get3A_151 : vector<16xi32> to vector<16xi32>
      %swap3A_153 = arith.constant 0 : index
      %swap3A_154 = tpu.vector_load %arg11[%swap3A_153] {strides = array<i32>} : memref<80xi32, #tpu.memory_space<vmem>>, vector<16xi32>,
      %swap3A_155 = vector.shape_cast %swap3A_154 : vector<16xi32> to vector<16xi32>
      %swap3A_156 = vector.shape_cast %get3A_152 : vector<16xi32> to vector<16xi32>
      tpu.vector_store %arg11[%swap3A_153], %swap3A_156 {strides = array<i32>} : memref<80xi32, #tpu.memory_space<vmem>>, vector<16xi32>,
      %get3A_157 = arith.constant 16 : index
      %get3A_158 = tpu.vector_load %arg9[%get3A_157] {strides = array<i32>} : memref<80xi32, #tpu.memory_space<vmem>>, vector<16xi32>,
      %get3A_159 = vector.shape_cast %get3A_158 : vector<16xi32> to vector<16xi32>
      %swap3A_160 = arith.constant 16 : index
      %swap3A_161 = tpu.vector_load %arg11[%swap3A_160] {strides = array<i32>} : memref<80xi32, #tpu.memory_space<vmem>>, vector<16xi32>,
      %swap3A_162 = vector.shape_cast %swap3A_161 : vector<16xi32> to vector<16xi32>
      %swap3A_163 = vector.shape_cast %get3A_159 : vector<16xi32> to vector<16xi32>
      tpu.vector_store %arg11[%swap3A_160], %swap3A_163 {strides = array<i32>} : memref<80xi32, #tpu.memory_space<vmem>>, vector<16xi32>,
      %get3A_164 = arith.constant 32 : index
      %get3A_165 = tpu.vector_load %arg9[%get3A_164] {strides = array<i32>} : memref<80xi32, #tpu.memory_space<vmem>>, vector<16xi32>,
      %get3A_166 = vector.shape_cast %get3A_165 : vector<16xi32> to vector<16xi32>
      %swap3A_167 = arith.constant 32 : index
      %swap3A_168 = tpu.vector_load %arg11[%swap3A_167] {strides = array<i32>} : memref<80xi32, #tpu.memory_space<vmem>>, vector<16xi32>,
      %swap3A_169 = vector.shape_cast %swap3A_168 : vector<16xi32> to vector<16xi32>
      %swap3A_170 = vector.shape_cast %get3A_166 : vector<16xi32> to vector<16xi32>
      tpu.vector_store %arg11[%swap3A_167], %swap3A_170 {strides = array<i32>} : memref<80xi32, #tpu.memory_space<vmem>>, vector<16xi32>,
      %get3A_171 = arith.constant 48 : index
      %get3A_172 = tpu.vector_load %arg9[%get3A_171] {strides = array<i32>} : memref<80xi32, #tpu.memory_space<vmem>>, vector<16xi32>,
      %get3A_173 = vector.shape_cast %get3A_172 : vector<16xi32> to vector<16xi32>
      %swap3A_174 = arith.constant 48 : index
      %swap3A_175 = tpu.vector_load %arg11[%swap3A_174] {strides = array<i32>} : memref<80xi32, #tpu.memory_space<vmem>>, vector<16xi32>,
      %swap3A_176 = vector.shape_cast %swap3A_175 : vector<16xi32> to vector<16xi32>
      %swap3A_177 = vector.shape_cast %get3A_173 : vector<16xi32> to vector<16xi32>
      tpu.vector_store %arg11[%swap3A_174], %swap3A_177 {strides = array<i32>} : memref<80xi32, #tpu.memory_space<vmem>>, vector<16xi32>,
      %get3A_178 = arith.constant 64 : index
      %get3A_179 = tpu.vector_load %arg9[%get3A_178] {strides = array<i32>} : memref<80xi32, #tpu.memory_space<vmem>>, vector<16xi32>,
      %get3A_180 = vector.shape_cast %get3A_179 : vector<16xi32> to vector<16xi32>
      %swap3A_181 = arith.constant 64 : index
      %swap3A_182 = tpu.vector_load %arg11[%swap3A_181] {strides = array<i32>} : memref<80xi32, #tpu.memory_space<vmem>>, vector<16xi32>,
      %swap3A_183 = vector.shape_cast %swap3A_182 : vector<16xi32> to vector<16xi32>
      %swap3A_184 = vector.shape_cast %get3A_180 : vector<16xi32> to vector<16xi32>
      tpu.vector_store %arg11[%swap3A_181], %swap3A_184 {strides = array<i32>} : memref<80xi32, #tpu.memory_space<vmem>>, vector<16xi32>,
      %dma_start3A_185 = arith.constant 0 : i32
      %dma_start3A_186 = arith.constant 0 : i32
      %dma_start3A_187 = tpu.memref_slice %arg17[%dma_start3A_185, %dma_start3A_186] : memref<10000x128xf32, #tpu.memory_space<vmem_shared>> -> memref<10000x128xf32, #tpu.memory_space<vmem_shared>>
      tpu.enqueue_indirect_dma source(%arg15 : memref<80x128xf32, #tpu.memory_space<vmem>>) target(%dma_start3A_187 : memref<10000x128xf32, #tpu.memory_space<vmem_shared>>) offsets(%arg11 : memref<80xi32, #tpu.memory_space<vmem>>) semaphore(%arg22 : memref<!tpu.dma_semaphore, #tpu.memory_space<semaphore_mem>>) {add = true}
      %add3A_188 = arith.constant 2 : i32
      %add3A_189 = arith.addi %add3A_130, %add3A_188 : i32
      %lt3A_190 = arith.constant 125 : i32
      %lt3A_191 = arith.cmpi slt, %add3A_189, %lt3A_190 : i32
      %convert_element_type3A_192 = arith.extui %lt3A_191 : i1 to i32
      %cond3A_193 = arith.constant 0 : i32
      %cond3A_194 = arith.cmpi ne, %convert_element_type3A_192, %cond3A_193 : i32
      scf.if %cond3A_194 {
        %add3A_267 = arith.constant 2 : i32
        %add3A_268 = arith.addi %add3A_130, %add3A_267 : i32
        %mul3A_269 = arith.constant 80 : i32
        %mul3A_270 = arith.muli %add3A_268, %mul3A_269 : i32
        %add3A_271 = arith.addi %mul3A_21, %mul3A_270 : i32
        %dma_start3A_272 = tpu.memref_slice %arg3[%add3A_271] : memref<320000xi32, #tpu.memory_space<hbm>> -> memref<80xi32, #tpu.memory_space<hbm>>
        %dma_start3A_273 = tpu.memref_slice %arg3[%add3A_271] : memref<320000xi32, #tpu.memory_space<hbm>> -> memref<80xi32, #tpu.memory_space<hbm>>
        tpu.enqueue_dma source(%dma_start3A_273 : memref<80xi32, #tpu.memory_space<hbm>>) target(%arg7 : memref<80xi32, #tpu.memory_space<vmem>>) target_semaphore(%arg18 : memref<!tpu.dma_semaphore, #tpu.memory_space<semaphore_mem>>)
        %dma_start3A_274 = tpu.memref_slice %arg4[%add3A_271] : memref<320000xi32, #tpu.memory_space<hbm>> -> memref<80xi32, #tpu.memory_space<hbm>>
        %dma_start3A_275 = tpu.memref_slice %arg4[%add3A_271] : memref<320000xi32, #tpu.memory_space<hbm>> -> memref<80xi32, #tpu.memory_space<hbm>>
        tpu.enqueue_dma source(%dma_start3A_275 : memref<80xi32, #tpu.memory_space<hbm>>) target(%arg9 : memref<80xi32, #tpu.memory_space<vmem>>) target_semaphore(%arg18 : memref<!tpu.dma_semaphore, #tpu.memory_space<semaphore_mem>>)
        %dma_start3A_276 = arith.constant 0 : i32
        %dma_start3A_277 = tpu.memref_slice %arg5[%add3A_271, %dma_start3A_276] : memref<320000x128xf32, #tpu.memory_space<hbm>> -> memref<80x128xf32, #tpu.memory_space<hbm>>
        %dma_start3A_278 = arith.constant 0 : i32
        %dma_start3A_279 = tpu.memref_slice %arg5[%add3A_271, %dma_start3A_278] : memref<320000x128xf32, #tpu.memory_space<hbm>> -> memref<80x128xf32, #tpu.memory_space<hbm>>
        tpu.enqueue_dma source(%dma_start3A_279 : memref<80x128xf32, #tpu.memory_space<hbm>>) target(%arg13 : memref<80x128xf32, #tpu.memory_space<vmem>>) target_semaphore(%arg18 : memref<!tpu.dma_semaphore, #tpu.memory_space<semaphore_mem>>)
      } else {
      }
      %mul3A_195 = arith.constant 2 : i32
      %mul3A_196 = arith.muli %mul3A_195, %scan3A_125 : i32
      %add3A_197 = arith.constant 1 : i32
      %add3A_198 = arith.addi %mul3A_196, %add3A_197 : i32
      %dma_wait3A_199 = arith.constant 0 : i32
      %dma_wait3A_200 = arith.constant 0 : i32
      %dma_wait3A_201 = tpu.memref_slice %arg2[%dma_wait3A_199, %dma_wait3A_200] : memref<10000x128xf32, #tpu.memory_space<hbm>> -> memref<10000x128xf32, #tpu.memory_space<hbm>>
      tpu.wait_indirect_dma semaphore(%arg21 : memref<!tpu.dma_semaphore, #tpu.memory_space<semaphore_mem>>) src(%dma_wait3A_201 : memref<10000x128xf32, #tpu.memory_space<hbm>>) dst(%arg16 : memref<80x128xf32, #tpu.memory_space<vmem>>)
      %gt3A_202 = arith.constant 0 : i32
      %gt3A_203 = arith.cmpi sgt, %add3A_198, %gt3A_202 : i32
      %convert_element_type3A_204 = arith.extui %gt3A_203 : i1 to i32
      %cond3A_205 = arith.constant 0 : i32
      %cond3A_206 = arith.cmpi ne, %convert_element_type3A_204, %cond3A_205 : i32
      scf.if %cond3A_206 {
        %dma_wait3A_267 = arith.constant 0 : i32
        %dma_wait3A_268 = arith.constant 0 : i32
        %dma_wait3A_269 = tpu.memref_slice %arg17[%dma_wait3A_267, %dma_wait3A_268] : memref<10000x128xf32, #tpu.memory_space<vmem_shared>> -> memref<10000x128xf32, #tpu.memory_space<vmem_shared>>
        tpu.wait_indirect_dma semaphore(%arg22 : memref<!tpu.dma_semaphore, #tpu.memory_space<semaphore_mem>>) src(%arg15 : memref<80x128xf32, #tpu.memory_space<vmem>>) dst(%dma_wait3A_269 : memref<10000x128xf32, #tpu.memory_space<vmem_shared>>)
      } else {
      }
      %add3A_207 = arith.constant 1 : i32
      %add3A_208 = arith.addi %add3A_198, %add3A_207 : i32
      %lt3A_209 = arith.constant 125 : i32
      %lt3A_210 = arith.cmpi slt, %add3A_208, %lt3A_209 : i32
      %convert_element_type3A_211 = arith.extui %lt3A_210 : i1 to i32
      %cond3A_212 = arith.constant 0 : i32
      %cond3A_213 = arith.cmpi ne, %convert_element_type3A_211, %cond3A_212 : i32
      scf.if %cond3A_213 {
        %add3A_267 = arith.constant 1 : i32
        %add3A_268 = arith.addi %add3A_198, %add3A_267 : i32
        %mul3A_269 = arith.constant 80 : i32
        %mul3A_270 = arith.muli %add3A_268, %mul3A_269 : i32
        %add3A_271 = arith.addi %mul3A_21, %mul3A_270 : i32
        %dma_wait3A_272 = tpu.memref_slice %arg3[%add3A_271] : memref<320000xi32, #tpu.memory_space<hbm>> -> memref<80xi32, #tpu.memory_space<hbm>>
        %dma_wait3A_273 = tpu.memref_slice %arg3[%add3A_271] : memref<320000xi32, #tpu.memory_space<hbm>> -> memref<80xi32, #tpu.memory_space<hbm>>
        tpu.wait_dma2 semaphore(%arg18 : memref<!tpu.dma_semaphore, #tpu.memory_space<semaphore_mem>>) src(%dma_wait3A_273 : memref<80xi32, #tpu.memory_space<hbm>>) dst(%arg7 : memref<80xi32, #tpu.memory_space<vmem>>)
        %dma_wait3A_274 = tpu.memref_slice %arg4[%add3A_271] : memref<320000xi32, #tpu.memory_space<hbm>> -> memref<80xi32, #tpu.memory_space<hbm>>
        %dma_wait3A_275 = tpu.memref_slice %arg4[%add3A_271] : memref<320000xi32, #tpu.memory_space<hbm>> -> memref<80xi32, #tpu.memory_space<hbm>>
        tpu.wait_dma2 semaphore(%arg18 : memref<!tpu.dma_semaphore, #tpu.memory_space<semaphore_mem>>) src(%dma_wait3A_275 : memref<80xi32, #tpu.memory_space<hbm>>) dst(%arg9 : memref<80xi32, #tpu.memory_space<vmem>>)
        %dma_wait3A_276 = arith.constant 0 : i32
        %dma_wait3A_277 = tpu.memref_slice %arg5[%add3A_271, %dma_wait3A_276] : memref<320000x128xf32, #tpu.memory_space<hbm>> -> memref<80x128xf32, #tpu.memory_space<hbm>>
        %dma_wait3A_278 = arith.constant 0 : i32
        %dma_wait3A_279 = tpu.memref_slice %arg5[%add3A_271, %dma_wait3A_278] : memref<320000x128xf32, #tpu.memory_space<hbm>> -> memref<80x128xf32, #tpu.memory_space<hbm>>
        tpu.wait_dma2 semaphore(%arg18 : memref<!tpu.dma_semaphore, #tpu.memory_space<semaphore_mem>>) src(%dma_wait3A_279 : memref<80x128xf32, #tpu.memory_space<hbm>>) dst(%arg13 : memref<80x128xf32, #tpu.memory_space<vmem>>)
        %dma_start3A_280 = arith.constant 0 : i32
        %dma_start3A_281 = arith.constant 0 : i32
        %dma_start3A_282 = tpu.memref_slice %arg2[%dma_start3A_280, %dma_start3A_281] : memref<10000x128xf32, #tpu.memory_space<hbm>> -> memref<10000x128xf32, #tpu.memory_space<hbm>>
        tpu.enqueue_indirect_dma source(%dma_start3A_282 : memref<10000x128xf32, #tpu.memory_space<hbm>>) target(%arg15 : memref<80x128xf32, #tpu.memory_space<vmem>>) offsets(%arg7 : memref<80xi32, #tpu.memory_space<vmem>>) semaphore(%arg20 : memref<!tpu.dma_semaphore, #tpu.memory_space<semaphore_mem>>)
      } else {
      }
      %scan3A_214 = arith.constant 0 : i32
      %scan3A_215 = arith.constant 0 : i32
      %scan3A_216 = arith.constant 80 : i32
      %scan3A_217 = arith.addi %scan3A_215, %scan3A_216 : i32
      %scan3A_218 = arith.constant 1 : i32
      %scan3A_219 = scf.for %scan3A_267 = %scan3A_215 to %scan3A_217 step %scan3A_218 iter_args(%scan3A_268 = %scan3A_214) -> (i32)  : i32 {
        %get3A_269 = arith.index_cast %scan3A_267 : i32 to index
        %get3A_270 = arith.constant 0 : index
        %get3A_271 = tpu.vector_load %arg16[%get3A_269, %get3A_270] {strides = array<i32>} : memref<80x128xf32, #tpu.memory_space<vmem>>, vector<1x16xf32>,
        %get3A_272 = vector.shape_cast %get3A_271 : vector<1x16xf32> to vector<16xf32>
        %get3A_273 = arith.index_cast %scan3A_267 : i32 to index
        %get3A_274 = arith.constant 0 : index
        %get3A_275 = tpu.vector_load %arg14[%get3A_273, %get3A_274] {strides = array<i32>} : memref<80x128xf32, #tpu.memory_space<vmem>>, vector<1x16xf32>,
        %get3A_276 = vector.shape_cast %get3A_275 : vector<1x16xf32> to vector<16xf32>
        %add3A_277 = arith.addf %get3A_272, %get3A_276 : vector<16xf32>
        %max3A = arith.constant 0.000000e+00 : f32
        %max3A_278 = vector.broadcast %max3A : f32 to vector<16xf32>
        %max3A_279 = arith.maximumf %add3A_277, %max3A_278 : vector<16xf32>
        %swap3A_280 = arith.index_cast %scan3A_267 : i32 to index
        %swap3A_281 = arith.constant 0 : index
        %swap3A_282 = tpu.vector_load %arg16[%swap3A_280, %swap3A_281] {strides = array<i32>} : memref<80x128xf32, #tpu.memory_space<vmem>>, vector<1x16xf32>,
        %swap3A_283 = vector.shape_cast %swap3A_282 : vector<1x16xf32> to vector<16xf32>
        %swap3A_284 = vector.shape_cast %max3A_279 : vector<16xf32> to vector<1x16xf32>
        tpu.vector_store %arg16[%swap3A_280, %swap3A_281], %swap3A_284 {strides = array<i32>} : memref<80x128xf32, #tpu.memory_space<vmem>>, vector<1x16xf32>,
        %get3A_285 = arith.index_cast %scan3A_267 : i32 to index
        %get3A_286 = arith.constant 16 : index
        %get3A_287 = tpu.vector_load %arg16[%get3A_285, %get3A_286] {strides = array<i32>} : memref<80x128xf32, #tpu.memory_space<vmem>>, vector<1x16xf32>,
        %get3A_288 = vector.shape_cast %get3A_287 : vector<1x16xf32> to vector<16xf32>
        %get3A_289 = arith.index_cast %scan3A_267 : i32 to index
        %get3A_290 = arith.constant 16 : index
        %get3A_291 = tpu.vector_load %arg14[%get3A_289, %get3A_290] {strides = array<i32>} : memref<80x128xf32, #tpu.memory_space<vmem>>, vector<1x16xf32>,
        %get3A_292 = vector.shape_cast %get3A_291 : vector<1x16xf32> to vector<16xf32>
        %add3A_293 = arith.addf %get3A_288, %get3A_292 : vector<16xf32>
        %max3A_294 = arith.constant 0.000000e+00 : f32
        %max3A_295 = vector.broadcast %max3A_294 : f32 to vector<16xf32>
        %max3A_296 = arith.maximumf %add3A_293, %max3A_295 : vector<16xf32>
        %swap3A_297 = arith.index_cast %scan3A_267 : i32 to index
        %swap3A_298 = arith.constant 16 : index
        %swap3A_299 = tpu.vector_load %arg16[%swap3A_297, %swap3A_298] {strides = array<i32>} : memref<80x128xf32, #tpu.memory_space<vmem>>, vector<1x16xf32>,
        %swap3A_300 = vector.shape_cast %swap3A_299 : vector<1x16xf32> to vector<16xf32>
        %swap3A_301 = vector.shape_cast %max3A_296 : vector<16xf32> to vector<1x16xf32>
        tpu.vector_store %arg16[%swap3A_297, %swap3A_298], %swap3A_301 {strides = array<i32>} : memref<80x128xf32, #tpu.memory_space<vmem>>, vector<1x16xf32>,
        %get3A_302 = arith.index_cast %scan3A_267 : i32 to index
        %get3A_303 = arith.constant 32 : index
        %get3A_304 = tpu.vector_load %arg16[%get3A_302, %get3A_303] {strides = array<i32>} : memref<80x128xf32, #tpu.memory_space<vmem>>, vector<1x16xf32>,
        %get3A_305 = vector.shape_cast %get3A_304 : vector<1x16xf32> to vector<16xf32>
        %get3A_306 = arith.index_cast %scan3A_267 : i32 to index
        %get3A_307 = arith.constant 32 : index
        %get3A_308 = tpu.vector_load %arg14[%get3A_306, %get3A_307] {strides = array<i32>} : memref<80x128xf32, #tpu.memory_space<vmem>>, vector<1x16xf32>,
        %get3A_309 = vector.shape_cast %get3A_308 : vector<1x16xf32> to vector<16xf32>
        %add3A_310 = arith.addf %get3A_305, %get3A_309 : vector<16xf32>
        %max3A_311 = arith.constant 0.000000e+00 : f32
        %max3A_312 = vector.broadcast %max3A_311 : f32 to vector<16xf32>
        %max3A_313 = arith.maximumf %add3A_310, %max3A_312 : vector<16xf32>
        %swap3A_314 = arith.index_cast %scan3A_267 : i32 to index
        %swap3A_315 = arith.constant 32 : index
        %swap3A_316 = tpu.vector_load %arg16[%swap3A_314, %swap3A_315] {strides = array<i32>} : memref<80x128xf32, #tpu.memory_space<vmem>>, vector<1x16xf32>,
        %swap3A_317 = vector.shape_cast %swap3A_316 : vector<1x16xf32> to vector<16xf32>
        %swap3A_318 = vector.shape_cast %max3A_313 : vector<16xf32> to vector<1x16xf32>
        tpu.vector_store %arg16[%swap3A_314, %swap3A_315], %swap3A_318 {strides = array<i32>} : memref<80x128xf32, #tpu.memory_space<vmem>>, vector<1x16xf32>,
        %get3A_319 = arith.index_cast %scan3A_267 : i32 to index
        %get3A_320 = arith.constant 48 : index
        %get3A_321 = tpu.vector_load %arg16[%get3A_319, %get3A_320] {strides = array<i32>} : memref<80x128xf32, #tpu.memory_space<vmem>>, vector<1x16xf32>,
        %get3A_322 = vector.shape_cast %get3A_321 : vector<1x16xf32> to vector<16xf32>
        %get3A_323 = arith.index_cast %scan3A_267 : i32 to index
        %get3A_324 = arith.constant 48 : index
        %get3A_325 = tpu.vector_load %arg14[%get3A_323, %get3A_324] {strides = array<i32>} : memref<80x128xf32, #tpu.memory_space<vmem>>, vector<1x16xf32>,
        %get3A_326 = vector.shape_cast %get3A_325 : vector<1x16xf32> to vector<16xf32>
        %add3A_327 = arith.addf %get3A_322, %get3A_326 : vector<16xf32>
        %max3A_328 = arith.constant 0.000000e+00 : f32
        %max3A_329 = vector.broadcast %max3A_328 : f32 to vector<16xf32>
        %max3A_330 = arith.maximumf %add3A_327, %max3A_329 : vector<16xf32>
        %swap3A_331 = arith.index_cast %scan3A_267 : i32 to index
        %swap3A_332 = arith.constant 48 : index
        %swap3A_333 = tpu.vector_load %arg16[%swap3A_331, %swap3A_332] {strides = array<i32>} : memref<80x128xf32, #tpu.memory_space<vmem>>, vector<1x16xf32>,
        %swap3A_334 = vector.shape_cast %swap3A_333 : vector<1x16xf32> to vector<16xf32>
        %swap3A_335 = vector.shape_cast %max3A_330 : vector<16xf32> to vector<1x16xf32>
        tpu.vector_store %arg16[%swap3A_331, %swap3A_332], %swap3A_335 {strides = array<i32>} : memref<80x128xf32, #tpu.memory_space<vmem>>, vector<1x16xf32>,
        %get3A_336 = arith.index_cast %scan3A_267 : i32 to index
        %get3A_337 = arith.constant 64 : index
        %get3A_338 = tpu.vector_load %arg16[%get3A_336, %get3A_337] {strides = array<i32>} : memref<80x128xf32, #tpu.memory_space<vmem>>, vector<1x16xf32>,
        %get3A_339 = vector.shape_cast %get3A_338 : vector<1x16xf32> to vector<16xf32>
        %get3A_340 = arith.index_cast %scan3A_267 : i32 to index
        %get3A_341 = arith.constant 64 : index
        %get3A_342 = tpu.vector_load %arg14[%get3A_340, %get3A_341] {strides = array<i32>} : memref<80x128xf32, #tpu.memory_space<vmem>>, vector<1x16xf32>,
        %get3A_343 = vector.shape_cast %get3A_342 : vector<1x16xf32> to vector<16xf32>
        %add3A_344 = arith.addf %get3A_339, %get3A_343 : vector<16xf32>
        %max3A_345 = arith.constant 0.000000e+00 : f32
        %max3A_346 = vector.broadcast %max3A_345 : f32 to vector<16xf32>
        %max3A_347 = arith.maximumf %add3A_344, %max3A_346 : vector<16xf32>
        %swap3A_348 = arith.index_cast %scan3A_267 : i32 to index
        %swap3A_349 = arith.constant 64 : index
        %swap3A_350 = tpu.vector_load %arg16[%swap3A_348, %swap3A_349] {strides = array<i32>} : memref<80x128xf32, #tpu.memory_space<vmem>>, vector<1x16xf32>,
        %swap3A_351 = vector.shape_cast %swap3A_350 : vector<1x16xf32> to vector<16xf32>
        %swap3A_352 = vector.shape_cast %max3A_347 : vector<16xf32> to vector<1x16xf32>
        tpu.vector_store %arg16[%swap3A_348, %swap3A_349], %swap3A_352 {strides = array<i32>} : memref<80x128xf32, #tpu.memory_space<vmem>>, vector<1x16xf32>,
        %get3A_353 = arith.index_cast %scan3A_267 : i32 to index
        %get3A_354 = arith.constant 80 : index
        %get3A_355 = tpu.vector_load %arg16[%get3A_353, %get3A_354] {strides = array<i32>} : memref<80x128xf32, #tpu.memory_space<vmem>>, vector<1x16xf32>,
        %get3A_356 = vector.shape_cast %get3A_355 : vector<1x16xf32> to vector<16xf32>
        %get3A_357 = arith.index_cast %scan3A_267 : i32 to index
        %get3A_358 = arith.constant 80 : index
        %get3A_359 = tpu.vector_load %arg14[%get3A_357, %get3A_358] {strides = array<i32>} : memref<80x128xf32, #tpu.memory_space<vmem>>, vector<1x16xf32>,
        %get3A_360 = vector.shape_cast %get3A_359 : vector<1x16xf32> to vector<16xf32>
        %add3A_361 = arith.addf %get3A_356, %get3A_360 : vector<16xf32>
        %max3A_362 = arith.constant 0.000000e+00 : f32
        %max3A_363 = vector.broadcast %max3A_362 : f32 to vector<16xf32>
        %max3A_364 = arith.maximumf %add3A_361, %max3A_363 : vector<16xf32>
        %swap3A_365 = arith.index_cast %scan3A_267 : i32 to index
        %swap3A_366 = arith.constant 80 : index
        %swap3A_367 = tpu.vector_load %arg16[%swap3A_365, %swap3A_366] {strides = array<i32>} : memref<80x128xf32, #tpu.memory_space<vmem>>, vector<1x16xf32>,
        %swap3A_368 = vector.shape_cast %swap3A_367 : vector<1x16xf32> to vector<16xf32>
        %swap3A_369 = vector.shape_cast %max3A_364 : vector<16xf32> to vector<1x16xf32>
        tpu.vector_store %arg16[%swap3A_365, %swap3A_366], %swap3A_369 {strides = array<i32>} : memref<80x128xf32, #tpu.memory_space<vmem>>, vector<1x16xf32>,
        %get3A_370 = arith.index_cast %scan3A_267 : i32 to index
        %get3A_371 = arith.constant 96 : index
        %get3A_372 = tpu.vector_load %arg16[%get3A_370, %get3A_371] {strides = array<i32>} : memref<80x128xf32, #tpu.memory_space<vmem>>, vector<1x16xf32>,
        %get3A_373 = vector.shape_cast %get3A_372 : vector<1x16xf32> to vector<16xf32>
        %get3A_374 = arith.index_cast %scan3A_267 : i32 to index
        %get3A_375 = arith.constant 96 : index
        %get3A_376 = tpu.vector_load %arg14[%get3A_374, %get3A_375] {strides = array<i32>} : memref<80x128xf32, #tpu.memory_space<vmem>>, vector<1x16xf32>,
        %get3A_377 = vector.shape_cast %get3A_376 : vector<1x16xf32> to vector<16xf32>
        %add3A_378 = arith.addf %get3A_373, %get3A_377 : vector<16xf32>
        %max3A_379 = arith.constant 0.000000e+00 : f32
        %max3A_380 = vector.broadcast %max3A_379 : f32 to vector<16xf32>
        %max3A_381 = arith.maximumf %add3A_378, %max3A_380 : vector<16xf32>
        %swap3A_382 = arith.index_cast %scan3A_267 : i32 to index
        %swap3A_383 = arith.constant 96 : index
        %swap3A_384 = tpu.vector_load %arg16[%swap3A_382, %swap3A_383] {strides = array<i32>} : memref<80x128xf32, #tpu.memory_space<vmem>>, vector<1x16xf32>,
        %swap3A_385 = vector.shape_cast %swap3A_384 : vector<1x16xf32> to vector<16xf32>
        %swap3A_386 = vector.shape_cast %max3A_381 : vector<16xf32> to vector<1x16xf32>
        tpu.vector_store %arg16[%swap3A_382, %swap3A_383], %swap3A_386 {strides = array<i32>} : memref<80x128xf32, #tpu.memory_space<vmem>>, vector<1x16xf32>,
        %get3A_387 = arith.index_cast %scan3A_267 : i32 to index
        %get3A_388 = arith.constant 112 : index
        %get3A_389 = tpu.vector_load %arg16[%get3A_387, %get3A_388] {strides = array<i32>} : memref<80x128xf32, #tpu.memory_space<vmem>>, vector<1x16xf32>,
        %get3A_390 = vector.shape_cast %get3A_389 : vector<1x16xf32> to vector<16xf32>
        %get3A_391 = arith.index_cast %scan3A_267 : i32 to index
        %get3A_392 = arith.constant 112 : index
        %get3A_393 = tpu.vector_load %arg14[%get3A_391, %get3A_392] {strides = array<i32>} : memref<80x128xf32, #tpu.memory_space<vmem>>, vector<1x16xf32>,
        %get3A_394 = vector.shape_cast %get3A_393 : vector<1x16xf32> to vector<16xf32>
        %add3A_395 = arith.addf %get3A_390, %get3A_394 : vector<16xf32>
        %max3A_396 = arith.constant 0.000000e+00 : f32
        %max3A_397 = vector.broadcast %max3A_396 : f32 to vector<16xf32>
        %max3A_398 = arith.maximumf %add3A_395, %max3A_397 : vector<16xf32>
        %swap3A_399 = arith.index_cast %scan3A_267 : i32 to index
        %swap3A_400 = arith.constant 112 : index
        %swap3A_401 = tpu.vector_load %arg16[%swap3A_399, %swap3A_400] {strides = array<i32>} : memref<80x128xf32, #tpu.memory_space<vmem>>, vector<1x16xf32>,
        %swap3A_402 = vector.shape_cast %swap3A_401 : vector<1x16xf32> to vector<16xf32>
        %swap3A_403 = vector.shape_cast %max3A_398 : vector<16xf32> to vector<1x16xf32>
        tpu.vector_store %arg16[%swap3A_399, %swap3A_400], %swap3A_403 {strides = array<i32>} : memref<80x128xf32, #tpu.memory_space<vmem>>, vector<1x16xf32>,
        %scan3A_404 = arith.constant 0 : i32
        scf.yield %scan3A_404 : i32
      }
      %scan3A_220 = arith.constant 80 : i32
      %get3A_221 = arith.constant 0 : index
      %get3A_222 = tpu.vector_load %arg10[%get3A_221] {strides = array<i32>} : memref<80xi32, #tpu.memory_space<vmem>>, vector<16xi32>,
      %get3A_223 = vector.shape_cast %get3A_222 : vector<16xi32> to vector<16xi32>
      %swap3A_224 = arith.constant 0 : index
      %swap3A_225 = tpu.vector_load %arg12[%swap3A_224] {strides = array<i32>} : memref<80xi32, #tpu.memory_space<vmem>>, vector<16xi32>,
      %swap3A_226 = vector.shape_cast %swap3A_225 : vector<16xi32> to vector<16xi32>
      %swap3A_227 = vector.shape_cast %get3A_223 : vector<16xi32> to vector<16xi32>
      tpu.vector_store %arg12[%swap3A_224], %swap3A_227 {strides = array<i32>} : memref<80xi32, #tpu.memory_space<vmem>>, vector<16xi32>,
      %get3A_228 = arith.constant 16 : index
      %get3A_229 = tpu.vector_load %arg10[%get3A_228] {strides = array<i32>} : memref<80xi32, #tpu.memory_space<vmem>>, vector<16xi32>,
      %get3A_230 = vector.shape_cast %get3A_229 : vector<16xi32> to vector<16xi32>
      %swap3A_231 = arith.constant 16 : index
      %swap3A_232 = tpu.vector_load %arg12[%swap3A_231] {strides = array<i32>} : memref<80xi32, #tpu.memory_space<vmem>>, vector<16xi32>,
      %swap3A_233 = vector.shape_cast %swap3A_232 : vector<16xi32> to vector<16xi32>
      %swap3A_234 = vector.shape_cast %get3A_230 : vector<16xi32> to vector<16xi32>
      tpu.vector_store %arg12[%swap3A_231], %swap3A_234 {strides = array<i32>} : memref<80xi32, #tpu.memory_space<vmem>>, vector<16xi32>,
      %get3A_235 = arith.constant 32 : index
      %get3A_236 = tpu.vector_load %arg10[%get3A_235] {strides = array<i32>} : memref<80xi32, #tpu.memory_space<vmem>>, vector<16xi32>,
      %get3A_237 = vector.shape_cast %get3A_236 : vector<16xi32> to vector<16xi32>
      %swap3A_238 = arith.constant 32 : index
      %swap3A_239 = tpu.vector_load %arg12[%swap3A_238] {strides = array<i32>} : memref<80xi32, #tpu.memory_space<vmem>>, vector<16xi32>,
      %swap3A_240 = vector.shape_cast %swap3A_239 : vector<16xi32> to vector<16xi32>
      %swap3A_241 = vector.shape_cast %get3A_237 : vector<16xi32> to vector<16xi32>
      tpu.vector_store %arg12[%swap3A_238], %swap3A_241 {strides = array<i32>} : memref<80xi32, #tpu.memory_space<vmem>>, vector<16xi32>,
      %get3A_242 = arith.constant 48 : index
      %get3A_243 = tpu.vector_load %arg10[%get3A_242] {strides = array<i32>} : memref<80xi32, #tpu.memory_space<vmem>>, vector<16xi32>,
      %get3A_244 = vector.shape_cast %get3A_243 : vector<16xi32> to vector<16xi32>
      %swap3A_245 = arith.constant 48 : index
      %swap3A_246 = tpu.vector_load %arg12[%swap3A_245] {strides = array<i32>} : memref<80xi32, #tpu.memory_space<vmem>>, vector<16xi32>,
      %swap3A_247 = vector.shape_cast %swap3A_246 : vector<16xi32> to vector<16xi32>
      %swap3A_248 = vector.shape_cast %get3A_244 : vector<16xi32> to vector<16xi32>
      tpu.vector_store %arg12[%swap3A_245], %swap3A_248 {strides = array<i32>} : memref<80xi32, #tpu.memory_space<vmem>>, vector<16xi32>,
      %get3A_249 = arith.constant 64 : index
      %get3A_250 = tpu.vector_load %arg10[%get3A_249] {strides = array<i32>} : memref<80xi32, #tpu.memory_space<vmem>>, vector<16xi32>,
      %get3A_251 = vector.shape_cast %get3A_250 : vector<16xi32> to vector<16xi32>
      %swap3A_252 = arith.constant 64 : index
      %swap3A_253 = tpu.vector_load %arg12[%swap3A_252] {strides = array<i32>} : memref<80xi32, #tpu.memory_space<vmem>>, vector<16xi32>,
      %swap3A_254 = vector.shape_cast %swap3A_253 : vector<16xi32> to vector<16xi32>
      %swap3A_255 = vector.shape_cast %get3A_251 : vector<16xi32> to vector<16xi32>
      tpu.vector_store %arg12[%swap3A_252], %swap3A_255 {strides = array<i32>} : memref<80xi32, #tpu.memory_space<vmem>>, vector<16xi32>,
      %dma_start3A_256 = arith.constant 0 : i32
      %dma_start3A_257 = arith.constant 0 : i32
      %dma_start3A_258 = tpu.memref_slice %arg17[%dma_start3A_256, %dma_start3A_257] : memref<10000x128xf32, #tpu.memory_space<vmem_shared>> -> memref<10000x128xf32, #tpu.memory_space<vmem_shared>>
      tpu.enqueue_indirect_dma source(%arg16 : memref<80x128xf32, #tpu.memory_space<vmem>>) target(%dma_start3A_258 : memref<10000x128xf32, #tpu.memory_space<vmem_shared>>) offsets(%arg12 : memref<80xi32, #tpu.memory_space<vmem>>) semaphore(%arg23 : memref<!tpu.dma_semaphore, #tpu.memory_space<semaphore_mem>>) {add = true}
      %add3A_259 = arith.constant 2 : i32
      %add3A_260 = arith.addi %add3A_198, %add3A_259 : i32
      %lt3A_261 = arith.constant 125 : i32
      %lt3A_262 = arith.cmpi slt, %add3A_260, %lt3A_261 : i32
      %convert_element_type3A_263 = arith.extui %lt3A_262 : i1 to i32
      %cond3A_264 = arith.constant 0 : i32
      %cond3A_265 = arith.cmpi ne, %convert_element_type3A_263, %cond3A_264 : i32
      scf.if %cond3A_265 {
        %add3A_267 = arith.constant 2 : i32
        %add3A_268 = arith.addi %add3A_198, %add3A_267 : i32
        %mul3A_269 = arith.constant 80 : i32
        %mul3A_270 = arith.muli %add3A_268, %mul3A_269 : i32
        %add3A_271 = arith.addi %mul3A_21, %mul3A_270 : i32
        %dma_start3A_272 = tpu.memref_slice %arg3[%add3A_271] : memref<320000xi32, #tpu.memory_space<hbm>> -> memref<80xi32, #tpu.memory_space<hbm>>
        %dma_start3A_273 = tpu.memref_slice %arg3[%add3A_271] : memref<320000xi32, #tpu.memory_space<hbm>> -> memref<80xi32, #tpu.memory_space<hbm>>
        tpu.enqueue_dma source(%dma_start3A_273 : memref<80xi32, #tpu.memory_space<hbm>>) target(%arg8 : memref<80xi32, #tpu.memory_space<vmem>>) target_semaphore(%arg19 : memref<!tpu.dma_semaphore, #tpu.memory_space<semaphore_mem>>)
        %dma_start3A_274 = tpu.memref_slice %arg4[%add3A_271] : memref<320000xi32, #tpu.memory_space<hbm>> -> memref<80xi32, #tpu.memory_space<hbm>>
        %dma_start3A_275 = tpu.memref_slice %arg4[%add3A_271] : memref<320000xi32, #tpu.memory_space<hbm>> -> memref<80xi32, #tpu.memory_space<hbm>>
        tpu.enqueue_dma source(%dma_start3A_275 : memref<80xi32, #tpu.memory_space<hbm>>) target(%arg10 : memref<80xi32, #tpu.memory_space<vmem>>) target_semaphore(%arg19 : memref<!tpu.dma_semaphore, #tpu.memory_space<semaphore_mem>>)
        %dma_start3A_276 = arith.constant 0 : i32
        %dma_start3A_277 = tpu.memref_slice %arg5[%add3A_271, %dma_start3A_276] : memref<320000x128xf32, #tpu.memory_space<hbm>> -> memref<80x128xf32, #tpu.memory_space<hbm>>
        %dma_start3A_278 = arith.constant 0 : i32
        %dma_start3A_279 = tpu.memref_slice %arg5[%add3A_271, %dma_start3A_278] : memref<320000x128xf32, #tpu.memory_space<hbm>> -> memref<80x128xf32, #tpu.memory_space<hbm>>
        tpu.enqueue_dma source(%dma_start3A_279 : memref<80x128xf32, #tpu.memory_space<hbm>>) target(%arg14 : memref<80x128xf32, #tpu.memory_space<vmem>>) target_semaphore(%arg19 : memref<!tpu.dma_semaphore, #tpu.memory_space<semaphore_mem>>)
      } else {
      }
      %scan3A_266 = arith.constant 0 : i32
      scf.yield %scan3A_266 : i32
    }
    %scan3A_59 = arith.constant 62 : i32
    %dma_wait3A_60 = arith.constant 0 : i32
    %dma_wait3A_61 = arith.constant 0 : i32
    %dma_wait3A_62 = tpu.memref_slice %arg2[%dma_wait3A_60, %dma_wait3A_61] : memref<10000x128xf32, #tpu.memory_space<hbm>> -> memref<10000x128xf32, #tpu.memory_space<hbm>>
    tpu.wait_indirect_dma semaphore(%arg20 : memref<!tpu.dma_semaphore, #tpu.memory_space<semaphore_mem>>) src(%dma_wait3A_62 : memref<10000x128xf32, #tpu.memory_space<hbm>>) dst(%arg15 : memref<80x128xf32, #tpu.memory_space<vmem>>)
    %dma_wait3A_63 = arith.constant 0 : i32
    %dma_wait3A_64 = arith.constant 0 : i32
    %dma_wait3A_65 = tpu.memref_slice %arg17[%dma_wait3A_63, %dma_wait3A_64] : memref<10000x128xf32, #tpu.memory_space<vmem_shared>> -> memref<10000x128xf32, #tpu.memory_space<vmem_shared>>
    tpu.wait_indirect_dma semaphore(%arg23 : memref<!tpu.dma_semaphore, #tpu.memory_space<semaphore_mem>>) src(%arg16 : memref<80x128xf32, #tpu.memory_space<vmem>>) dst(%dma_wait3A_65 : memref<10000x128xf32, #tpu.memory_space<vmem_shared>>)
    %scan3A_66 = arith.constant 0 : i32
    %scan3A_67 = arith.constant 0 : i32
    %scan3A_68 = arith.constant 80 : i32
    %scan3A_69 = arith.addi %scan3A_67, %scan3A_68 : i32
    %scan3A_70 = arith.constant 1 : i32
    %scan3A_71 = scf.for %scan3A_125 = %scan3A_67 to %scan3A_69 step %scan3A_70 iter_args(%scan3A_126 = %scan3A_66) -> (i32)  : i32 {
      %get3A_127 = arith.index_cast %scan3A_125 : i32 to index
      %get3A_128 = arith.constant 0 : index
      %get3A_129 = tpu.vector_load %arg15[%get3A_127, %get3A_128] {strides = array<i32>} : memref<80x128xf32, #tpu.memory_space<vmem>>, vector<1x16xf32>,
      %get3A_130 = vector.shape_cast %get3A_129 : vector<1x16xf32> to vector<16xf32>
      %get3A_131 = arith.index_cast %scan3A_125 : i32 to index
      %get3A_132 = arith.constant 0 : index
      %get3A_133 = tpu.vector_load %arg13[%get3A_131, %get3A_132] {strides = array<i32>} : memref<80x128xf32, #tpu.memory_space<vmem>>, vector<1x16xf32>,
      %get3A_134 = vector.shape_cast %get3A_133 : vector<1x16xf32> to vector<16xf32>
      %add3A_135 = arith.addf %get3A_130, %get3A_134 : vector<16xf32>
      %max3A = arith.constant 0.000000e+00 : f32
      %max3A_136 = vector.broadcast %max3A : f32 to vector<16xf32>
      %max3A_137 = arith.maximumf %add3A_135, %max3A_136 : vector<16xf32>
      %swap3A_138 = arith.index_cast %scan3A_125 : i32 to index
      %swap3A_139 = arith.constant 0 : index
      %swap3A_140 = tpu.vector_load %arg15[%swap3A_138, %swap3A_139] {strides = array<i32>} : memref<80x128xf32, #tpu.memory_space<vmem>>, vector<1x16xf32>,
      %swap3A_141 = vector.shape_cast %swap3A_140 : vector<1x16xf32> to vector<16xf32>
      %swap3A_142 = vector.shape_cast %max3A_137 : vector<16xf32> to vector<1x16xf32>
      tpu.vector_store %arg15[%swap3A_138, %swap3A_139], %swap3A_142 {strides = array<i32>} : memref<80x128xf32, #tpu.memory_space<vmem>>, vector<1x16xf32>,
      %get3A_143 = arith.index_cast %scan3A_125 : i32 to index
      %get3A_144 = arith.constant 16 : index
      %get3A_145 = tpu.vector_load %arg15[%get3A_143, %get3A_144] {strides = array<i32>} : memref<80x128xf32, #tpu.memory_space<vmem>>, vector<1x16xf32>,
      %get3A_146 = vector.shape_cast %get3A_145 : vector<1x16xf32> to vector<16xf32>
      %get3A_147 = arith.index_cast %scan3A_125 : i32 to index
      %get3A_148 = arith.constant 16 : index
      %get3A_149 = tpu.vector_load %arg13[%get3A_147, %get3A_148] {strides = array<i32>} : memref<80x128xf32, #tpu.memory_space<vmem>>, vector<1x16xf32>,
      %get3A_150 = vector.shape_cast %get3A_149 : vector<1x16xf32> to vector<16xf32>
      %add3A_151 = arith.addf %get3A_146, %get3A_150 : vector<16xf32>
      %max3A_152 = arith.constant 0.000000e+00 : f32
      %max3A_153 = vector.broadcast %max3A_152 : f32 to vector<16xf32>
      %max3A_154 = arith.maximumf %add3A_151, %max3A_153 : vector<16xf32>
      %swap3A_155 = arith.index_cast %scan3A_125 : i32 to index
      %swap3A_156 = arith.constant 16 : index
      %swap3A_157 = tpu.vector_load %arg15[%swap3A_155, %swap3A_156] {strides = array<i32>} : memref<80x128xf32, #tpu.memory_space<vmem>>, vector<1x16xf32>,
      %swap3A_158 = vector.shape_cast %swap3A_157 : vector<1x16xf32> to vector<16xf32>
      %swap3A_159 = vector.shape_cast %max3A_154 : vector<16xf32> to vector<1x16xf32>
      tpu.vector_store %arg15[%swap3A_155, %swap3A_156], %swap3A_159 {strides = array<i32>} : memref<80x128xf32, #tpu.memory_space<vmem>>, vector<1x16xf32>,
      %get3A_160 = arith.index_cast %scan3A_125 : i32 to index
      %get3A_161 = arith.constant 32 : index
      %get3A_162 = tpu.vector_load %arg15[%get3A_160, %get3A_161] {strides = array<i32>} : memref<80x128xf32, #tpu.memory_space<vmem>>, vector<1x16xf32>,
      %get3A_163 = vector.shape_cast %get3A_162 : vector<1x16xf32> to vector<16xf32>
      %get3A_164 = arith.index_cast %scan3A_125 : i32 to index
      %get3A_165 = arith.constant 32 : index
      %get3A_166 = tpu.vector_load %arg13[%get3A_164, %get3A_165] {strides = array<i32>} : memref<80x128xf32, #tpu.memory_space<vmem>>, vector<1x16xf32>,
      %get3A_167 = vector.shape_cast %get3A_166 : vector<1x16xf32> to vector<16xf32>
      %add3A_168 = arith.addf %get3A_163, %get3A_167 : vector<16xf32>
      %max3A_169 = arith.constant 0.000000e+00 : f32
      %max3A_170 = vector.broadcast %max3A_169 : f32 to vector<16xf32>
      %max3A_171 = arith.maximumf %add3A_168, %max3A_170 : vector<16xf32>
      %swap3A_172 = arith.index_cast %scan3A_125 : i32 to index
      %swap3A_173 = arith.constant 32 : index
      %swap3A_174 = tpu.vector_load %arg15[%swap3A_172, %swap3A_173] {strides = array<i32>} : memref<80x128xf32, #tpu.memory_space<vmem>>, vector<1x16xf32>,
      %swap3A_175 = vector.shape_cast %swap3A_174 : vector<1x16xf32> to vector<16xf32>
      %swap3A_176 = vector.shape_cast %max3A_171 : vector<16xf32> to vector<1x16xf32>
      tpu.vector_store %arg15[%swap3A_172, %swap3A_173], %swap3A_176 {strides = array<i32>} : memref<80x128xf32, #tpu.memory_space<vmem>>, vector<1x16xf32>,
      %get3A_177 = arith.index_cast %scan3A_125 : i32 to index
      %get3A_178 = arith.constant 48 : index
      %get3A_179 = tpu.vector_load %arg15[%get3A_177, %get3A_178] {strides = array<i32>} : memref<80x128xf32, #tpu.memory_space<vmem>>, vector<1x16xf32>,
      %get3A_180 = vector.shape_cast %get3A_179 : vector<1x16xf32> to vector<16xf32>
      %get3A_181 = arith.index_cast %scan3A_125 : i32 to index
      %get3A_182 = arith.constant 48 : index
      %get3A_183 = tpu.vector_load %arg13[%get3A_181, %get3A_182] {strides = array<i32>} : memref<80x128xf32, #tpu.memory_space<vmem>>, vector<1x16xf32>,
      %get3A_184 = vector.shape_cast %get3A_183 : vector<1x16xf32> to vector<16xf32>
      %add3A_185 = arith.addf %get3A_180, %get3A_184 : vector<16xf32>
      %max3A_186 = arith.constant 0.000000e+00 : f32
      %max3A_187 = vector.broadcast %max3A_186 : f32 to vector<16xf32>
      %max3A_188 = arith.maximumf %add3A_185, %max3A_187 : vector<16xf32>
      %swap3A_189 = arith.index_cast %scan3A_125 : i32 to index
      %swap3A_190 = arith.constant 48 : index
      %swap3A_191 = tpu.vector_load %arg15[%swap3A_189, %swap3A_190] {strides = array<i32>} : memref<80x128xf32, #tpu.memory_space<vmem>>, vector<1x16xf32>,
      %swap3A_192 = vector.shape_cast %swap3A_191 : vector<1x16xf32> to vector<16xf32>
      %swap3A_193 = vector.shape_cast %max3A_188 : vector<16xf32> to vector<1x16xf32>
      tpu.vector_store %arg15[%swap3A_189, %swap3A_190], %swap3A_193 {strides = array<i32>} : memref<80x128xf32, #tpu.memory_space<vmem>>, vector<1x16xf32>,
      %get3A_194 = arith.index_cast %scan3A_125 : i32 to index
      %get3A_195 = arith.constant 64 : index
      %get3A_196 = tpu.vector_load %arg15[%get3A_194, %get3A_195] {strides = array<i32>} : memref<80x128xf32, #tpu.memory_space<vmem>>, vector<1x16xf32>,
      %get3A_197 = vector.shape_cast %get3A_196 : vector<1x16xf32> to vector<16xf32>
      %get3A_198 = arith.index_cast %scan3A_125 : i32 to index
      %get3A_199 = arith.constant 64 : index
      %get3A_200 = tpu.vector_load %arg13[%get3A_198, %get3A_199] {strides = array<i32>} : memref<80x128xf32, #tpu.memory_space<vmem>>, vector<1x16xf32>,
      %get3A_201 = vector.shape_cast %get3A_200 : vector<1x16xf32> to vector<16xf32>
      %add3A_202 = arith.addf %get3A_197, %get3A_201 : vector<16xf32>
      %max3A_203 = arith.constant 0.000000e+00 : f32
      %max3A_204 = vector.broadcast %max3A_203 : f32 to vector<16xf32>
      %max3A_205 = arith.maximumf %add3A_202, %max3A_204 : vector<16xf32>
      %swap3A_206 = arith.index_cast %scan3A_125 : i32 to index
      %swap3A_207 = arith.constant 64 : index
      %swap3A_208 = tpu.vector_load %arg15[%swap3A_206, %swap3A_207] {strides = array<i32>} : memref<80x128xf32, #tpu.memory_space<vmem>>, vector<1x16xf32>,
      %swap3A_209 = vector.shape_cast %swap3A_208 : vector<1x16xf32> to vector<16xf32>
      %swap3A_210 = vector.shape_cast %max3A_205 : vector<16xf32> to vector<1x16xf32>
      tpu.vector_store %arg15[%swap3A_206, %swap3A_207], %swap3A_210 {strides = array<i32>} : memref<80x128xf32, #tpu.memory_space<vmem>>, vector<1x16xf32>,
      %get3A_211 = arith.index_cast %scan3A_125 : i32 to index
      %get3A_212 = arith.constant 80 : index
      %get3A_213 = tpu.vector_load %arg15[%get3A_211, %get3A_212] {strides = array<i32>} : memref<80x128xf32, #tpu.memory_space<vmem>>, vector<1x16xf32>,
      %get3A_214 = vector.shape_cast %get3A_213 : vector<1x16xf32> to vector<16xf32>
      %get3A_215 = arith.index_cast %scan3A_125 : i32 to index
      %get3A_216 = arith.constant 80 : index
      %get3A_217 = tpu.vector_load %arg13[%get3A_215, %get3A_216] {strides = array<i32>} : memref<80x128xf32, #tpu.memory_space<vmem>>, vector<1x16xf32>,
      %get3A_218 = vector.shape_cast %get3A_217 : vector<1x16xf32> to vector<16xf32>
      %add3A_219 = arith.addf %get3A_214, %get3A_218 : vector<16xf32>
      %max3A_220 = arith.constant 0.000000e+00 : f32
      %max3A_221 = vector.broadcast %max3A_220 : f32 to vector<16xf32>
      %max3A_222 = arith.maximumf %add3A_219, %max3A_221 : vector<16xf32>
      %swap3A_223 = arith.index_cast %scan3A_125 : i32 to index
      %swap3A_224 = arith.constant 80 : index
      %swap3A_225 = tpu.vector_load %arg15[%swap3A_223, %swap3A_224] {strides = array<i32>} : memref<80x128xf32, #tpu.memory_space<vmem>>, vector<1x16xf32>,
      %swap3A_226 = vector.shape_cast %swap3A_225 : vector<1x16xf32> to vector<16xf32>
      %swap3A_227 = vector.shape_cast %max3A_222 : vector<16xf32> to vector<1x16xf32>
      tpu.vector_store %arg15[%swap3A_223, %swap3A_224], %swap3A_227 {strides = array<i32>} : memref<80x128xf32, #tpu.memory_space<vmem>>, vector<1x16xf32>,
      %get3A_228 = arith.index_cast %scan3A_125 : i32 to index
      %get3A_229 = arith.constant 96 : index
      %get3A_230 = tpu.vector_load %arg15[%get3A_228, %get3A_229] {strides = array<i32>} : memref<80x128xf32, #tpu.memory_space<vmem>>, vector<1x16xf32>,
      %get3A_231 = vector.shape_cast %get3A_230 : vector<1x16xf32> to vector<16xf32>
      %get3A_232 = arith.index_cast %scan3A_125 : i32 to index
      %get3A_233 = arith.constant 96 : index
      %get3A_234 = tpu.vector_load %arg13[%get3A_232, %get3A_233] {strides = array<i32>} : memref<80x128xf32, #tpu.memory_space<vmem>>, vector<1x16xf32>,
      %get3A_235 = vector.shape_cast %get3A_234 : vector<1x16xf32> to vector<16xf32>
      %add3A_236 = arith.addf %get3A_231, %get3A_235 : vector<16xf32>
      %max3A_237 = arith.constant 0.000000e+00 : f32
      %max3A_238 = vector.broadcast %max3A_237 : f32 to vector<16xf32>
      %max3A_239 = arith.maximumf %add3A_236, %max3A_238 : vector<16xf32>
      %swap3A_240 = arith.index_cast %scan3A_125 : i32 to index
      %swap3A_241 = arith.constant 96 : index
      %swap3A_242 = tpu.vector_load %arg15[%swap3A_240, %swap3A_241] {strides = array<i32>} : memref<80x128xf32, #tpu.memory_space<vmem>>, vector<1x16xf32>,
      %swap3A_243 = vector.shape_cast %swap3A_242 : vector<1x16xf32> to vector<16xf32>
      %swap3A_244 = vector.shape_cast %max3A_239 : vector<16xf32> to vector<1x16xf32>
      tpu.vector_store %arg15[%swap3A_240, %swap3A_241], %swap3A_244 {strides = array<i32>} : memref<80x128xf32, #tpu.memory_space<vmem>>, vector<1x16xf32>,
      %get3A_245 = arith.index_cast %scan3A_125 : i32 to index
      %get3A_246 = arith.constant 112 : index
      %get3A_247 = tpu.vector_load %arg15[%get3A_245, %get3A_246] {strides = array<i32>} : memref<80x128xf32, #tpu.memory_space<vmem>>, vector<1x16xf32>,
      %get3A_248 = vector.shape_cast %get3A_247 : vector<1x16xf32> to vector<16xf32>
      %get3A_249 = arith.index_cast %scan3A_125 : i32 to index
      %get3A_250 = arith.constant 112 : index
      %get3A_251 = tpu.vector_load %arg13[%get3A_249, %get3A_250] {strides = array<i32>} : memref<80x128xf32, #tpu.memory_space<vmem>>, vector<1x16xf32>,
      %get3A_252 = vector.shape_cast %get3A_251 : vector<1x16xf32> to vector<16xf32>
      %add3A_253 = arith.addf %get3A_248, %get3A_252 : vector<16xf32>
      %max3A_254 = arith.constant 0.000000e+00 : f32
      %max3A_255 = vector.broadcast %max3A_254 : f32 to vector<16xf32>
      %max3A_256 = arith.maximumf %add3A_253, %max3A_255 : vector<16xf32>
      %swap3A_257 = arith.index_cast %scan3A_125 : i32 to index
      %swap3A_258 = arith.constant 112 : index
      %swap3A_259 = tpu.vector_load %arg15[%swap3A_257, %swap3A_258] {strides = array<i32>} : memref<80x128xf32, #tpu.memory_space<vmem>>, vector<1x16xf32>,
      %swap3A_260 = vector.shape_cast %swap3A_259 : vector<1x16xf32> to vector<16xf32>
      %swap3A_261 = vector.shape_cast %max3A_256 : vector<16xf32> to vector<1x16xf32>
      tpu.vector_store %arg15[%swap3A_257, %swap3A_258], %swap3A_261 {strides = array<i32>} : memref<80x128xf32, #tpu.memory_space<vmem>>, vector<1x16xf32>,
      %scan3A_262 = arith.constant 0 : i32
      scf.yield %scan3A_262 : i32
    }
    %scan3A_72 = arith.constant 80 : i32
    %get3A = arith.constant 0 : index
    %get3A_73 = tpu.vector_load %arg9[%get3A] {strides = array<i32>} : memref<80xi32, #tpu.memory_space<vmem>>, vector<16xi32>,
    %get3A_74 = vector.shape_cast %get3A_73 : vector<16xi32> to vector<16xi32>
    %swap3A = arith.constant 0 : index
    %swap3A_75 = tpu.vector_load %arg11[%swap3A] {strides = array<i32>} : memref<80xi32, #tpu.memory_space<vmem>>, vector<16xi32>,
    %swap3A_76 = vector.shape_cast %swap3A_75 : vector<16xi32> to vector<16xi32>
    %swap3A_77 = vector.shape_cast %get3A_74 : vector<16xi32> to vector<16xi32>
    tpu.vector_store %arg11[%swap3A], %swap3A_77 {strides = array<i32>} : memref<80xi32, #tpu.memory_space<vmem>>, vector<16xi32>,
    %get3A_78 = arith.constant 16 : index
    %get3A_79 = tpu.vector_load %arg9[%get3A_78] {strides = array<i32>} : memref<80xi32, #tpu.memory_space<vmem>>, vector<16xi32>,
    %get3A_80 = vector.shape_cast %get3A_79 : vector<16xi32> to vector<16xi32>
    %swap3A_81 = arith.constant 16 : index
    %swap3A_82 = tpu.vector_load %arg11[%swap3A_81] {strides = array<i32>} : memref<80xi32, #tpu.memory_space<vmem>>, vector<16xi32>,
    %swap3A_83 = vector.shape_cast %swap3A_82 : vector<16xi32> to vector<16xi32>
    %swap3A_84 = vector.shape_cast %get3A_80 : vector<16xi32> to vector<16xi32>
    tpu.vector_store %arg11[%swap3A_81], %swap3A_84 {strides = array<i32>} : memref<80xi32, #tpu.memory_space<vmem>>, vector<16xi32>,
    %get3A_85 = arith.constant 32 : index
    %get3A_86 = tpu.vector_load %arg9[%get3A_85] {strides = array<i32>} : memref<80xi32, #tpu.memory_space<vmem>>, vector<16xi32>,
    %get3A_87 = vector.shape_cast %get3A_86 : vector<16xi32> to vector<16xi32>
    %swap3A_88 = arith.constant 32 : index
    %swap3A_89 = tpu.vector_load %arg11[%swap3A_88] {strides = array<i32>} : memref<80xi32, #tpu.memory_space<vmem>>, vector<16xi32>,
    %swap3A_90 = vector.shape_cast %swap3A_89 : vector<16xi32> to vector<16xi32>
    %swap3A_91 = vector.shape_cast %get3A_87 : vector<16xi32> to vector<16xi32>
    tpu.vector_store %arg11[%swap3A_88], %swap3A_91 {strides = array<i32>} : memref<80xi32, #tpu.memory_space<vmem>>, vector<16xi32>,
    %get3A_92 = arith.constant 48 : index
    %get3A_93 = tpu.vector_load %arg9[%get3A_92] {strides = array<i32>} : memref<80xi32, #tpu.memory_space<vmem>>, vector<16xi32>,
    %get3A_94 = vector.shape_cast %get3A_93 : vector<16xi32> to vector<16xi32>
    %swap3A_95 = arith.constant 48 : index
    %swap3A_96 = tpu.vector_load %arg11[%swap3A_95] {strides = array<i32>} : memref<80xi32, #tpu.memory_space<vmem>>, vector<16xi32>,
    %swap3A_97 = vector.shape_cast %swap3A_96 : vector<16xi32> to vector<16xi32>
    %swap3A_98 = vector.shape_cast %get3A_94 : vector<16xi32> to vector<16xi32>
    tpu.vector_store %arg11[%swap3A_95], %swap3A_98 {strides = array<i32>} : memref<80xi32, #tpu.memory_space<vmem>>, vector<16xi32>,
    %get3A_99 = arith.constant 64 : index
    %get3A_100 = tpu.vector_load %arg9[%get3A_99] {strides = array<i32>} : memref<80xi32, #tpu.memory_space<vmem>>, vector<16xi32>,
    %get3A_101 = vector.shape_cast %get3A_100 : vector<16xi32> to vector<16xi32>
    %swap3A_102 = arith.constant 64 : index
    %swap3A_103 = tpu.vector_load %arg11[%swap3A_102] {strides = array<i32>} : memref<80xi32, #tpu.memory_space<vmem>>, vector<16xi32>,
    %swap3A_104 = vector.shape_cast %swap3A_103 : vector<16xi32> to vector<16xi32>
    %swap3A_105 = vector.shape_cast %get3A_101 : vector<16xi32> to vector<16xi32>
    tpu.vector_store %arg11[%swap3A_102], %swap3A_105 {strides = array<i32>} : memref<80xi32, #tpu.memory_space<vmem>>, vector<16xi32>,
    %dma_start3A_106 = arith.constant 0 : i32
    %dma_start3A_107 = arith.constant 0 : i32
    %dma_start3A_108 = tpu.memref_slice %arg17[%dma_start3A_106, %dma_start3A_107] : memref<10000x128xf32, #tpu.memory_space<vmem_shared>> -> memref<10000x128xf32, #tpu.memory_space<vmem_shared>>
    tpu.enqueue_indirect_dma source(%arg15 : memref<80x128xf32, #tpu.memory_space<vmem>>) target(%dma_start3A_108 : memref<10000x128xf32, #tpu.memory_space<vmem_shared>>) offsets(%arg11 : memref<80xi32, #tpu.memory_space<vmem>>) semaphore(%arg22 : memref<!tpu.dma_semaphore, #tpu.memory_space<semaphore_mem>>) {add = true}
    %dma_wait3A_109 = arith.constant 0 : i32
    %dma_wait3A_110 = arith.constant 0 : i32
    %dma_wait3A_111 = tpu.memref_slice %arg17[%dma_wait3A_109, %dma_wait3A_110] : memref<10000x128xf32, #tpu.memory_space<vmem_shared>> -> memref<10000x128xf32, #tpu.memory_space<vmem_shared>>
    tpu.wait_indirect_dma semaphore(%arg22 : memref<!tpu.dma_semaphore, #tpu.memory_space<semaphore_mem>>) src(%arg15 : memref<80x128xf32, #tpu.memory_space<vmem>>) dst(%dma_wait3A_111 : memref<10000x128xf32, #tpu.memory_space<vmem_shared>>)
    %barrier3A_112 = arith.constant 0 : index
    tpu.barrier barrier_id(%barrier3A_112)
    %while3A_113 = arith.constant 0 : i32
    %while3A_114 = arith.constant 0 : i32
    %while3A_115 = arith.subi %select_n3A, %while3A_113 : i32
    %while3A_116 = arith.addi %while3A_113, %while3A_115 : i32
    %while3A_117 = arith.constant 1 : i32
    %while3A_118 = arith.divsi %while3A_115, %while3A_117 : i32
    %while3A_119 = arith.muli %while3A_118, %while3A_117 : i32
    %while3A_120 = arith.addi %while3A_113, %while3A_119 : i32
    %while3A_121 = arith.constant 1 : i32
    %while3A_122 = scf.for %while3A_125 = %while3A_113 to %while3A_120 step %while3A_121 iter_args(%while3A_126 = %while3A_114) -> (i32)  : i32 {
      %mul3A_127 = arith.constant 16 : i32
      %mul3A_128 = arith.muli %while3A_125, %mul3A_127 : i32
      %add3A_129 = arith.addi %arg1, %mul3A_128 : i32
      %mul3A_130 = arith.constant 80 : i32
      %mul3A_131 = arith.muli %add3A_129, %mul3A_130 : i32
      "tpu.region"() ({
        %run_scoped3A = tpu.sem_alloc : memref<!tpu.dma_semaphore, #tpu.memory_space<semaphore_mem>>
        %dma_start3A_133 = arith.constant 0 : i32
        %dma_start3A_134 = tpu.memref_slice %arg17[%mul3A_131, %dma_start3A_133] : memref<10000x128xf32, #tpu.memory_space<vmem_shared>> -> memref<80x128xf32, #tpu.memory_space<vmem_shared>>
        %dma_start3A_135 = arith.constant 0 : i32
        %dma_start3A_136 = tpu.memref_slice %arg17[%mul3A_131, %dma_start3A_135] : memref<10000x128xf32, #tpu.memory_space<vmem_shared>> -> memref<80x128xf32, #tpu.memory_space<vmem_shared>>
        tpu.enqueue_dma source(%dma_start3A_136 : memref<80x128xf32, #tpu.memory_space<vmem_shared>>) target(%arg15 : memref<80x128xf32, #tpu.memory_space<vmem>>) target_semaphore(%run_scoped3A : memref<!tpu.dma_semaphore, #tpu.memory_space<semaphore_mem>>)
        %dma_wait3A_137 = arith.constant 0 : i32
        %dma_wait3A_138 = tpu.memref_slice %arg17[%mul3A_131, %dma_wait3A_137] : memref<10000x128xf32, #tpu.memory_space<vmem_shared>> -> memref<80x128xf32, #tpu.memory_space<vmem_shared>>
        %dma_wait3A_139 = arith.constant 0 : i32
        %dma_wait3A_140 = tpu.memref_slice %arg17[%mul3A_131, %dma_wait3A_139] : memref<10000x128xf32, #tpu.memory_space<vmem_shared>> -> memref<80x128xf32, #tpu.memory_space<vmem_shared>>
        tpu.wait_dma2 semaphore(%run_scoped3A : memref<!tpu.dma_semaphore, #tpu.memory_space<semaphore_mem>>) src(%dma_wait3A_140 : memref<80x128xf32, #tpu.memory_space<vmem_shared>>) dst(%arg15 : memref<80x128xf32, #tpu.memory_space<vmem>>)
        tpu.yield
      }) : () -> ()
      "tpu.region"() ({
        %run_scoped3A = tpu.sem_alloc : memref<!tpu.dma_semaphore, #tpu.memory_space<semaphore_mem>>
        %dma_start3A_133 = arith.constant 0 : i32
        %dma_start3A_134 = tpu.memref_slice %arg6[%arg0, %mul3A_131, %dma_start3A_133] : memref<2x10000x128xf32, #tpu.memory_space<hbm>> -> memref<1x80x128xf32, #tpu.memory_space<hbm>>
        %dma_start3A_135 = tpu.memref_squeeze %dma_start3A_134 : memref<1x80x128xf32, #tpu.memory_space<hbm>> -> memref<80x128xf32, #tpu.memory_space<hbm>>
        %dma_start3A_136 = arith.constant 0 : i32
        %dma_start3A_137 = tpu.memref_slice %arg6[%arg0, %mul3A_131, %dma_start3A_136] : memref<2x10000x128xf32, #tpu.memory_space<hbm>> -> memref<1x80x128xf32, #tpu.memory_space<hbm>>
        %dma_start3A_138 = tpu.memref_squeeze %dma_start3A_137 : memref<1x80x128xf32, #tpu.memory_space<hbm>> -> memref<80x128xf32, #tpu.memory_space<hbm>>
        tpu.enqueue_dma source(%arg15 : memref<80x128xf32, #tpu.memory_space<vmem>>) target(%dma_start3A_138 : memref<80x128xf32, #tpu.memory_space<hbm>>) target_semaphore(%run_scoped3A : memref<!tpu.dma_semaphore, #tpu.memory_space<semaphore_mem>>)
        %dma_wait3A_139 = arith.constant 0 : i32
        %dma_wait3A_140 = tpu.memref_slice %arg6[%arg0, %mul3A_131, %dma_wait3A_139] : memref<2x10000x128xf32, #tpu.memory_space<hbm>> -> memref<1x80x128xf32, #tpu.memory_space<hbm>>
        %dma_wait3A_141 = tpu.memref_squeeze %dma_wait3A_140 : memref<1x80x128xf32, #tpu.memory_space<hbm>> -> memref<80x128xf32, #tpu.memory_space<hbm>>
        %dma_wait3A_142 = arith.constant 0 : i32
        %dma_wait3A_143 = tpu.memref_slice %arg6[%arg0, %mul3A_131, %dma_wait3A_142] : memref<2x10000x128xf32, #tpu.memory_space<hbm>> -> memref<1x80x128xf32, #tpu.memory_space<hbm>>
        %dma_wait3A_144 = tpu.memref_squeeze %dma_wait3A_143 : memref<1x80x128xf32, #tpu.memory_space<hbm>> -> memref<80x128xf32, #tpu.memory_space<hbm>>
        tpu.wait_dma2 semaphore(%run_scoped3A : memref<!tpu.dma_semaphore, #tpu.memory_space<semaphore_mem>>) src(%arg15 : memref<80x128xf32, #tpu.memory_space<vmem>>) dst(%dma_wait3A_144 : memref<80x128xf32, #tpu.memory_space<hbm>>)
        tpu.yield
      }) : () -> ()
      %while3A_132 = arith.constant 0 : i32
      scf.yield %while3A_132 : i32
    }
    %while3A_123 = arith.constant 1 : i32
    %while3A_124 = scf.for %while3A_125 = %while3A_120 to %while3A_116 step %while3A_123 iter_args(%while3A_126 = %while3A_122) -> (i32)  : i32 {
      %mul3A_127 = arith.constant 16 : i32
      %mul3A_128 = arith.muli %while3A_125, %mul3A_127 : i32
      %add3A_129 = arith.addi %arg1, %mul3A_128 : i32
      %mul3A_130 = arith.constant 80 : i32
      %mul3A_131 = arith.muli %add3A_129, %mul3A_130 : i32
      "tpu.region"() ({
        %run_scoped3A = tpu.sem_alloc : memref<!tpu.dma_semaphore, #tpu.memory_space<semaphore_mem>>
        %dma_start3A_133 = arith.constant 0 : i32
        %dma_start3A_134 = tpu.memref_slice %arg17[%mul3A_131, %dma_start3A_133] : memref<10000x128xf32, #tpu.memory_space<vmem_shared>> -> memref<80x128xf32, #tpu.memory_space<vmem_shared>>
        %dma_start3A_135 = arith.constant 0 : i32
        %dma_start3A_136 = tpu.memref_slice %arg17[%mul3A_131, %dma_start3A_135] : memref<10000x128xf32, #tpu.memory_space<vmem_shared>> -> memref<80x128xf32, #tpu.memory_space<vmem_shared>>
        tpu.enqueue_dma source(%dma_start3A_136 : memref<80x128xf32, #tpu.memory_space<vmem_shared>>) target(%arg15 : memref<80x128xf32, #tpu.memory_space<vmem>>) target_semaphore(%run_scoped3A : memref<!tpu.dma_semaphore, #tpu.memory_space<semaphore_mem>>)
        %dma_wait3A_137 = arith.constant 0 : i32
        %dma_wait3A_138 = tpu.memref_slice %arg17[%mul3A_131, %dma_wait3A_137] : memref<10000x128xf32, #tpu.memory_space<vmem_shared>> -> memref<80x128xf32, #tpu.memory_space<vmem_shared>>
        %dma_wait3A_139 = arith.constant 0 : i32
        %dma_wait3A_140 = tpu.memref_slice %arg17[%mul3A_131, %dma_wait3A_139] : memref<10000x128xf32, #tpu.memory_space<vmem_shared>> -> memref<80x128xf32, #tpu.memory_space<vmem_shared>>
        tpu.wait_dma2 semaphore(%run_scoped3A : memref<!tpu.dma_semaphore, #tpu.memory_space<semaphore_mem>>) src(%dma_wait3A_140 : memref<80x128xf32, #tpu.memory_space<vmem_shared>>) dst(%arg15 : memref<80x128xf32, #tpu.memory_space<vmem>>)
        tpu.yield
      }) : () -> ()
      "tpu.region"() ({
        %run_scoped3A = tpu.sem_alloc : memref<!tpu.dma_semaphore, #tpu.memory_space<semaphore_mem>>
        %dma_start3A_133 = arith.constant 0 : i32
        %dma_start3A_134 = tpu.memref_slice %arg6[%arg0, %mul3A_131, %dma_start3A_133] : memref<2x10000x128xf32, #tpu.memory_space<hbm>> -> memref<1x80x128xf32, #tpu.memory_space<hbm>>
        %dma_start3A_135 = tpu.memref_squeeze %dma_start3A_134 : memref<1x80x128xf32, #tpu.memory_space<hbm>> -> memref<80x128xf32, #tpu.memory_space<hbm>>
        %dma_start3A_136 = arith.constant 0 : i32
        %dma_start3A_137 = tpu.memref_slice %arg6[%arg0, %mul3A_131, %dma_start3A_136] : memref<2x10000x128xf32, #tpu.memory_space<hbm>> -> memref<1x80x128xf32, #tpu.memory_space<hbm>>
        %dma_start3A_138 = tpu.memref_squeeze %dma_start3A_137 : memref<1x80x128xf32, #tpu.memory_space<hbm>> -> memref<80x128xf32, #tpu.memory_space<hbm>>
        tpu.enqueue_dma source(%arg15 : memref<80x128xf32, #tpu.memory_space<vmem>>) target(%dma_start3A_138 : memref<80x128xf32, #tpu.memory_space<hbm>>) target_semaphore(%run_scoped3A : memref<!tpu.dma_semaphore, #tpu.memory_space<semaphore_mem>>)
        %dma_wait3A_139 = arith.constant 0 : i32
        %dma_wait3A_140 = tpu.memref_slice %arg6[%arg0, %mul3A_131, %dma_wait3A_139] : memref<2x10000x128xf32, #tpu.memory_space<hbm>> -> memref<1x80x128xf32, #tpu.memory_space<hbm>>
        %dma_wait3A_141 = tpu.memref_squeeze %dma_wait3A_140 : memref<1x80x128xf32, #tpu.memory_space<hbm>> -> memref<80x128xf32, #tpu.memory_space<hbm>>
        %dma_wait3A_142 = arith.constant 0 : i32
        %dma_wait3A_143 = tpu.memref_slice %arg6[%arg0, %mul3A_131, %dma_wait3A_142] : memref<2x10000x128xf32, #tpu.memory_space<hbm>> -> memref<1x80x128xf32, #tpu.memory_space<hbm>>
        %dma_wait3A_144 = tpu.memref_squeeze %dma_wait3A_143 : memref<1x80x128xf32, #tpu.memory_space<hbm>> -> memref<80x128xf32, #tpu.memory_space<hbm>>
        tpu.wait_dma2 semaphore(%run_scoped3A : memref<!tpu.dma_semaphore, #tpu.memory_space<semaphore_mem>>) src(%arg15 : memref<80x128xf32, #tpu.memory_space<vmem>>) dst(%dma_wait3A_144 : memref<80x128xf32, #tpu.memory_space<hbm>>)
        tpu.yield
      }) : () -> ()
      %while3A_132 = arith.constant 0 : i32
      scf.yield %while3A_132 : i32
    }
    return
  }
}

module attributes {stable_mosaic.version = 14 : i64} {
  func.func @_emsg_body(%arg0: i32, %arg1: memref<8000x16xf32, #tpu.memory_space<vmem>>, %arg2: memref<16x128xf32, #tpu.memory_space<vmem>>, %arg3: memref<8000x128xf32, #tpu.memory_space<vmem>>) attributes {dimension_semantics = [#tpu.dimension_semantics<arbitrary>], iteration_bounds = array<i64: 40>, scalar_prefetch = 0 : i64, scratch_operands = 0 : i64, tpu.core_type = #tpu.core_type<tc>, window_params = [{transform_indices = @transform_0, window_bounds = array<i64: 8000, 16>}, {pipeline_mode = #tpu.pipeline_mode<synchronous>, transform_indices = @transform_1, window_bounds = array<i64: 16, 128>}, {transform_indices = @transform_2, window_bounds = array<i64: 8000, 128>}]} {
    %get3A = arith.constant 0 : index
    %get3A_0 = arith.constant 0 : index
    %get3A_1 = vector.load %arg1[%get3A, %get3A_0] : memref<8000x16xf32, #tpu.memory_space<vmem>>, vector<8000x16xf32>
    %get3A_2 = arith.constant 0 : index
    %get3A_3 = arith.constant 0 : index
    %get3A_4 = vector.load %arg2[%get3A_2, %get3A_3] : memref<16x128xf32, #tpu.memory_space<vmem>>, vector<16x128xf32>
    %dot_general3A = arith.constant dense<0.000000e+00> : vector<8000x128xf32>
    %dot_general3A_5 = tpu.matmul %get3A_1, %get3A_4, %dot_general3A {dimension_numbers = #tpu.dot_dimension_numbers<[1], [0], [0], [1], [0, 0, 1, 1], [], []>, transpose_lhs_hint = false} : vector<8000x16xf32>, vector<16x128xf32>, vector<8000x128xf32> -> vector<8000x128xf32>
    %swap3A = arith.constant 0 : index
    %swap3A_6 = arith.constant 0 : index
    %swap3A_7 = vector.load %arg3[%swap3A, %swap3A_6] : memref<8000x128xf32, #tpu.memory_space<vmem>>, vector<8000x128xf32>
    tpu.vector_store %arg3[%swap3A, %swap3A_6], %dot_general3A_5 {strides = array<i32>} : memref<8000x128xf32, #tpu.memory_space<vmem>>, vector<8000x128xf32>,
    return
  }
  func.func @transform_0(%arg0: i32) -> (i32, i32) {
    %c0_i32 = arith.constant 0 : i32
    %c0_i32_0 = arith.constant 0 : i32
    return %arg0, %c0_i32 : i32, i32
  }
  func.func @transform_1(%arg0: i32) -> (i32, i32) {
    %c0_i32 = arith.constant 0 : i32
    %c0_i32_0 = arith.constant 0 : i32
    %c0_i32_1 = arith.constant 0 : i32
    return %c0_i32, %c0_i32_0 : i32, i32
  }
  func.func @transform_2(%arg0: i32) -> (i32, i32) {
    %c0_i32 = arith.constant 0 : i32
    %c0_i32_0 = arith.constant 0 : i32
    return %arg0, %c0_i32 : i32, i32
  }
}

module attributes {stable_mosaic.version = 14 : i64} {
  func.func @_upd_body(%arg0: i32, %arg1: memref<1x1xf32, #tpu.memory_space<smem>>, %arg2: memref<2000x128xf32, #tpu.memory_space<vmem>>, %arg3: memref<2x2000x128xf32, #tpu.memory_space<vmem>>, %arg4: memref<128x128xf32, #tpu.memory_space<vmem>>, %arg5: memref<128x128xf32, #tpu.memory_space<vmem>>, %arg6: memref<1x128xf32, #tpu.memory_space<vmem>>, %arg7: memref<2000x128xf32, #tpu.memory_space<vmem>>) attributes {dimension_semantics = [#tpu.dimension_semantics<arbitrary>], iteration_bounds = array<i64: 5>, scalar_prefetch = 0 : i64, scratch_operands = 0 : i64, tpu.core_type = #tpu.core_type<tc>, window_params = [{transform_indices = @transform_0, window_bounds = array<i64: 1, 1>}, {transform_indices = @transform_1, window_bounds = array<i64: 2000, 128>}, {transform_indices = @transform_2, window_bounds = array<i64: 2, 2000, 128>}, {pipeline_mode = #tpu.pipeline_mode<synchronous>, transform_indices = @transform_3, window_bounds = array<i64: 128, 128>}, {pipeline_mode = #tpu.pipeline_mode<synchronous>, transform_indices = @transform_4, window_bounds = array<i64: 128, 128>}, {pipeline_mode = #tpu.pipeline_mode<synchronous>, transform_indices = @transform_5, window_bounds = array<i64: 1, 128>}, {transform_indices = @transform_6, window_bounds = array<i64: 2000, 128>}]} {
    %get3A = arith.constant 0 : index
    %get3A_0 = arith.constant 0 : index
    %get3A_1 = arith.constant 0 : index
    %get3A_2 = vector.load %arg3[%get3A, %get3A_0, %get3A_1] : memref<2x2000x128xf32, #tpu.memory_space<vmem>>, vector<1x2000x128xf32>
    %get3A_3 = vector.shape_cast %get3A_2 : vector<1x2000x128xf32> to vector<2000x128xf32>
    %get3A_4 = arith.constant 1 : index
    %get3A_5 = arith.constant 0 : index
    %get3A_6 = arith.constant 0 : index
    %get3A_7 = vector.load %arg3[%get3A_4, %get3A_5, %get3A_6] : memref<2x2000x128xf32, #tpu.memory_space<vmem>>, vector<1x2000x128xf32>
    %get3A_8 = vector.shape_cast %get3A_7 : vector<1x2000x128xf32> to vector<2000x128xf32>
    %add3A = arith.addf %get3A_3, %get3A_8 : vector<2000x128xf32>
    %get3A_9 = arith.constant 0 : index
    %get3A_10 = arith.constant 0 : index
    %get3A_11 = vector.load %arg2[%get3A_9, %get3A_10] : memref<2000x128xf32, #tpu.memory_space<vmem>>, vector<2000x128xf32>
    %get3A_12 = arith.constant 0 : index
    %get3A_13 = arith.constant 0 : index
    %get3A_14 = vector.load %arg4[%get3A_12, %get3A_13] : memref<128x128xf32, #tpu.memory_space<vmem>>, vector<128x128xf32>
    %dot_general3A = arith.constant dense<0.000000e+00> : vector<2000x128xf32>
    %dot_general3A_15 = tpu.matmul %get3A_11, %get3A_14, %dot_general3A {dimension_numbers = #tpu.dot_dimension_numbers<[1], [0], [0], [1], [0, 0, 1, 1], [], []>, transpose_lhs_hint = false} : vector<2000x128xf32>, vector<128x128xf32>, vector<2000x128xf32> -> vector<2000x128xf32>
    %get3A_16 = arith.constant 0 : index
    %get3A_17 = arith.constant 0 : index
    %get3A_18 = vector.load %arg5[%get3A_16, %get3A_17] : memref<128x128xf32, #tpu.memory_space<vmem>>, vector<128x128xf32>
    %dot_general3A_19 = arith.constant dense<0.000000e+00> : vector<2000x128xf32>
    %dot_general3A_20 = tpu.matmul %add3A, %get3A_18, %dot_general3A_19 {dimension_numbers = #tpu.dot_dimension_numbers<[1], [0], [0], [1], [0, 0, 1, 1], [], []>, transpose_lhs_hint = false} : vector<2000x128xf32>, vector<128x128xf32>, vector<2000x128xf32> -> vector<2000x128xf32>
    %add3A_21 = arith.addf %dot_general3A_15, %dot_general3A_20 : vector<2000x128xf32>
    %get3A_22 = arith.constant 0 : index
    %get3A_23 = arith.constant 0 : index
    %get3A_24 = vector.load %arg6[%get3A_22, %get3A_23] : memref<1x128xf32, #tpu.memory_space<vmem>>, vector<1x128xf32>
    %add3A_25 = vector.broadcast %get3A_24 : vector<1x128xf32> to vector<2000x128xf32>
    %add3A_26 = arith.addf %add3A_21, %add3A_25 : vector<2000x128xf32>
    %get3A_27 = arith.constant 0 : index
    %get3A_28 = arith.constant 0 : index
    %get3A_29 = memref.load %arg1[%get3A_27, %get3A_28] : memref<1x1xf32, #tpu.memory_space<smem>>
    %mul3A = vector.broadcast %get3A_29 : f32 to vector<2000x128xf32>
    %mul3A_30 = arith.mulf %add3A_26, %mul3A : vector<2000x128xf32>
    %swap3A = arith.constant 0 : index
    %swap3A_31 = arith.constant 0 : index
    %swap3A_32 = vector.load %arg7[%swap3A, %swap3A_31] : memref<2000x128xf32, #tpu.memory_space<vmem>>, vector<2000x128xf32>
    tpu.vector_store %arg7[%swap3A, %swap3A_31], %mul3A_30 {strides = array<i32>} : memref<2000x128xf32, #tpu.memory_space<vmem>>, vector<2000x128xf32>,
    return
  }
  func.func @transform_0(%arg0: i32) -> (i32, i32) {
    %c0_i32 = arith.constant 0 : i32
    %c0_i32_0 = arith.constant 0 : i32
    %c0_i32_1 = arith.constant 0 : i32
    return %c0_i32, %c0_i32_0 : i32, i32
  }
  func.func @transform_1(%arg0: i32) -> (i32, i32) {
    %c0_i32 = arith.constant 0 : i32
    %c0_i32_0 = arith.constant 0 : i32
    return %arg0, %c0_i32 : i32, i32
  }
  func.func @transform_2(%arg0: i32) -> (i32, i32, i32) {
    %c0_i32 = arith.constant 0 : i32
    %c0_i32_0 = arith.constant 0 : i32
    %c0_i32_1 = arith.constant 0 : i32
    return %c0_i32, %arg0, %c0_i32_0 : i32, i32, i32
  }
  func.func @transform_3(%arg0: i32) -> (i32, i32) {
    %c0_i32 = arith.constant 0 : i32
    %c0_i32_0 = arith.constant 0 : i32
    %c0_i32_1 = arith.constant 0 : i32
    return %c0_i32, %c0_i32_0 : i32, i32
  }
  func.func @transform_4(%arg0: i32) -> (i32, i32) {
    %c0_i32 = arith.constant 0 : i32
    %c0_i32_0 = arith.constant 0 : i32
    %c0_i32_1 = arith.constant 0 : i32
    return %c0_i32, %c0_i32_0 : i32, i32
  }
  func.func @transform_5(%arg0: i32) -> (i32, i32) {
    %c0_i32 = arith.constant 0 : i32
    %c0_i32_0 = arith.constant 0 : i32
    %c0_i32_1 = arith.constant 0 : i32
    return %c0_i32, %c0_i32_0 : i32, i32
  }
  func.func @transform_6(%arg0: i32) -> (i32, i32) {
    %c0_i32 = arith.constant 0 : i32
    %c0_i32_0 = arith.constant 0 : i32
    return %arg0, %c0_i32 : i32, i32
  }
}

module attributes {stable_mosaic.version = 14 : i64} {
  func.func @_upd_body(%arg0: i32, %arg1: memref<1x1xf32, #tpu.memory_space<smem>>, %arg2: memref<2000x128xf32, #tpu.memory_space<vmem>>, %arg3: memref<2x2000x128xf32, #tpu.memory_space<vmem>>, %arg4: memref<128x128xf32, #tpu.memory_space<vmem>>, %arg5: memref<128x128xf32, #tpu.memory_space<vmem>>, %arg6: memref<1x128xf32, #tpu.memory_space<vmem>>, %arg7: memref<2000x128xf32, #tpu.memory_space<vmem>>) attributes {dimension_semantics = [#tpu.dimension_semantics<arbitrary>], iteration_bounds = array<i64: 5>, scalar_prefetch = 0 : i64, scratch_operands = 0 : i64, tpu.core_type = #tpu.core_type<tc>, window_params = [{transform_indices = @transform_0, window_bounds = array<i64: 1, 1>}, {transform_indices = @transform_1, window_bounds = array<i64: 2000, 128>}, {transform_indices = @transform_2, window_bounds = array<i64: 2, 2000, 128>}, {pipeline_mode = #tpu.pipeline_mode<synchronous>, transform_indices = @transform_3, window_bounds = array<i64: 128, 128>}, {pipeline_mode = #tpu.pipeline_mode<synchronous>, transform_indices = @transform_4, window_bounds = array<i64: 128, 128>}, {pipeline_mode = #tpu.pipeline_mode<synchronous>, transform_indices = @transform_5, window_bounds = array<i64: 1, 128>}, {transform_indices = @transform_6, window_bounds = array<i64: 2000, 128>}]} {
    %get3A = arith.constant 0 : index
    %get3A_0 = arith.constant 0 : index
    %get3A_1 = arith.constant 0 : index
    %get3A_2 = vector.load %arg3[%get3A, %get3A_0, %get3A_1] : memref<2x2000x128xf32, #tpu.memory_space<vmem>>, vector<1x2000x128xf32>
    %get3A_3 = vector.shape_cast %get3A_2 : vector<1x2000x128xf32> to vector<2000x128xf32>
    %get3A_4 = arith.constant 1 : index
    %get3A_5 = arith.constant 0 : index
    %get3A_6 = arith.constant 0 : index
    %get3A_7 = vector.load %arg3[%get3A_4, %get3A_5, %get3A_6] : memref<2x2000x128xf32, #tpu.memory_space<vmem>>, vector<1x2000x128xf32>
    %get3A_8 = vector.shape_cast %get3A_7 : vector<1x2000x128xf32> to vector<2000x128xf32>
    %add3A = arith.addf %get3A_3, %get3A_8 : vector<2000x128xf32>
    %get3A_9 = arith.constant 0 : index
    %get3A_10 = arith.constant 0 : index
    %get3A_11 = vector.load %arg2[%get3A_9, %get3A_10] : memref<2000x128xf32, #tpu.memory_space<vmem>>, vector<2000x128xf32>
    %get3A_12 = arith.constant 0 : index
    %get3A_13 = arith.constant 0 : index
    %get3A_14 = vector.load %arg4[%get3A_12, %get3A_13] : memref<128x128xf32, #tpu.memory_space<vmem>>, vector<128x128xf32>
    %dot_general3A = arith.constant dense<0.000000e+00> : vector<2000x128xf32>
    %dot_general3A_15 = tpu.matmul %get3A_11, %get3A_14, %dot_general3A {dimension_numbers = #tpu.dot_dimension_numbers<[1], [0], [0], [1], [0, 0, 1, 1], [], []>, transpose_lhs_hint = false} : vector<2000x128xf32>, vector<128x128xf32>, vector<2000x128xf32> -> vector<2000x128xf32>
    %get3A_16 = arith.constant 0 : index
    %get3A_17 = arith.constant 0 : index
    %get3A_18 = vector.load %arg5[%get3A_16, %get3A_17] : memref<128x128xf32, #tpu.memory_space<vmem>>, vector<128x128xf32>
    %dot_general3A_19 = arith.constant dense<0.000000e+00> : vector<2000x128xf32>
    %dot_general3A_20 = tpu.matmul %add3A, %get3A_18, %dot_general3A_19 {dimension_numbers = #tpu.dot_dimension_numbers<[1], [0], [0], [1], [0, 0, 1, 1], [], []>, transpose_lhs_hint = false} : vector<2000x128xf32>, vector<128x128xf32>, vector<2000x128xf32> -> vector<2000x128xf32>
    %add3A_21 = arith.addf %dot_general3A_15, %dot_general3A_20 : vector<2000x128xf32>
    %get3A_22 = arith.constant 0 : index
    %get3A_23 = arith.constant 0 : index
    %get3A_24 = vector.load %arg6[%get3A_22, %get3A_23] : memref<1x128xf32, #tpu.memory_space<vmem>>, vector<1x128xf32>
    %add3A_25 = vector.broadcast %get3A_24 : vector<1x128xf32> to vector<2000x128xf32>
    %add3A_26 = arith.addf %add3A_21, %add3A_25 : vector<2000x128xf32>
    %get3A_27 = arith.constant 0 : index
    %get3A_28 = arith.constant 0 : index
    %get3A_29 = memref.load %arg1[%get3A_27, %get3A_28] : memref<1x1xf32, #tpu.memory_space<smem>>
    %mul3A = vector.broadcast %get3A_29 : f32 to vector<2000x128xf32>
    %mul3A_30 = arith.mulf %add3A_26, %mul3A : vector<2000x128xf32>
    %swap3A = arith.constant 0 : index
    %swap3A_31 = arith.constant 0 : index
    %swap3A_32 = vector.load %arg7[%swap3A, %swap3A_31] : memref<2000x128xf32, #tpu.memory_space<vmem>>, vector<2000x128xf32>
    tpu.vector_store %arg7[%swap3A, %swap3A_31], %mul3A_30 {strides = array<i32>} : memref<2000x128xf32, #tpu.memory_space<vmem>>, vector<2000x128xf32>,
    return
  }
  func.func @transform_0(%arg0: i32) -> (i32, i32) {
    %c0_i32 = arith.constant 0 : i32
    %c0_i32_0 = arith.constant 0 : i32
    %c0_i32_1 = arith.constant 0 : i32
    return %c0_i32, %c0_i32_0 : i32, i32
  }
  func.func @transform_1(%arg0: i32) -> (i32, i32) {
    %c0_i32 = arith.constant 0 : i32
    %c0_i32_0 = arith.constant 0 : i32
    return %arg0, %c0_i32 : i32, i32
  }
  func.func @transform_2(%arg0: i32) -> (i32, i32, i32) {
    %c0_i32 = arith.constant 0 : i32
    %c0_i32_0 = arith.constant 0 : i32
    %c0_i32_1 = arith.constant 0 : i32
    return %c0_i32, %arg0, %c0_i32_0 : i32, i32, i32
  }
  func.func @transform_3(%arg0: i32) -> (i32, i32) {
    %c0_i32 = arith.constant 0 : i32
    %c0_i32_0 = arith.constant 0 : i32
    %c0_i32_1 = arith.constant 0 : i32
    return %c0_i32, %c0_i32_0 : i32, i32
  }
  func.func @transform_4(%arg0: i32) -> (i32, i32) {
    %c0_i32 = arith.constant 0 : i32
    %c0_i32_0 = arith.constant 0 : i32
    %c0_i32_1 = arith.constant 0 : i32
    return %c0_i32, %c0_i32_0 : i32, i32
  }
  func.func @transform_5(%arg0: i32) -> (i32, i32) {
    %c0_i32 = arith.constant 0 : i32
    %c0_i32_0 = arith.constant 0 : i32
    %c0_i32_1 = arith.constant 0 : i32
    return %c0_i32, %c0_i32_0 : i32, i32
  }
  func.func @transform_6(%arg0: i32) -> (i32, i32) {
    %c0_i32 = arith.constant 0 : i32
    %c0_i32_0 = arith.constant 0 : i32
    return %arg0, %c0_i32 : i32, i32
  }
}

</mosaic_0001>

<sc_bundles>
// kernel: kernel.10.cloned.1.call-start
scs
__scs_entry_jumppad:
0x0: {  	(pc) =	sbr.rel $0x88, $3  }
0x1: {  	(tag) =	ssettag $0x0;
	lr =	simm.s32 $0x1  }
0x2: {  	[smem:$0x3F99] =	sst lr;
	_ =	strace $0xD0000000  }
0x3: {  	_ = 	snop  }
0x4: {  	_ = 	snop  }
0x5: {  	_ = 	snop  }
0x6: {  	_ = 	snop  }
0x7: {  	_ = 	snop  }
__scs_overlays_trampoline_lowered:
0x8: {  	[smem:$0x3FA8] =	sst s0  }
0x9: {  	[smem:$0x3FA9] =	sst s1  }
0xa: {  	[smem:$0x3FAA] =	sst s2  }
0xb: {  	[smem:$0x3FAB] =	sst s3  }
0xc: {  	[smem:$0x3FAC] =	sst s4  }
0xd: {  	[smem:$0x3FAD] =	sst s5  }
0xe: {  	[smem:$0x3FAE] =	sst s6  }
0xf: {  	[smem:$0x3FAF] =	sst s7  }
0x10: {  	[smem:$0x3FB0] =	sst s8  }
0x11: {  	[smem:$0x3FB1] =	sst s9;
	s0 =	simm.s32 @!p0 $0x0  }
0x12: {  	s1 =	sld [smem:$0x3F97];
	s0 =	simm.s32 @p0 $0x1  }
0x13: {  	[smem:$0x3FB2] =	sst s0;
	s0 =	simm.s32 @!p1 $0x0  }
0x14: {  	s2 =	sld [smem:$0x3F96];
	s0 =	simm.s32 @p1 $0x1  }
0x15: {  	[smem:$0x3FB3] =	sst s0;
	s0 =	simm.s32 @!p2 $0x0  }
0x16: {  	s3 =	sld [smem:$0x3FDB];
	s0 =	simm.s32 @p2 $0x1  }
0x17: {  	s4 =	simm.s32 $0x1BF5;
	[smem:$0x3FB5] =	sst s0  }
0x18: {  	s0 =	sld [smem:$0x3F98];
	_ =	swait.ge [sflag:s4], $0x0  }
0x19: {  	s7 =	sld [smem:$0x3F99]  }
0x1a: {  	s8 =	sadd.s32 $0xFFFFE003, lr  }
0x1b: {  	s9 =	sadd.s32 $0xFFFFFEF7, lr;
	s5 =	simm.s32 $0xFFFFFFFF;
	p2 =	slt.u32 s8, $0xFFFFF086  }
0x1c: {  	p1 =	slt.u32 s9, $0xF7A;
	s5 =	simm.s32 @!p2 $0x0  }
0x1d: {  	s5 =	simm.s32 @p1 $0x1;
	p0 =	seq.s32 s7, s2  }
0x1e: {  	s7 =	smul.u32 @!p0 $0xF7A, s2;
	p2 =	seq.s32 @!p0 s5, $0x0  }
0x1f: {  	s9 =	smul.u32 $0xF7A, s1;
	s8 =	simm.s32 @!p0 $0x1BF5;
	p2 =	por !p2, p0  }
0x20: {  	[sflag:s8] =	ssyncset.s32 @!p0 $0xFFFFF086;
	s6 =	sadd.s32 @!p0 s3, s7;
	s7 =	simm.s32 @!p0 $0x108  }
0x21: {  	s3 =	sadd.s32 s3, s9;
	s6 =	sadd.s32 @!p0 $0x88, s6;
	s7 =	simm.s32 @p2 $0x1082  }
0x22: {  	[simem:s7], [sflag:s8] =	dma.local @!p0 [hbm:s6], $0xF7A  }
0x23: {  	s9 =	sor.u32 $0xD0000000, s2;
	s6 =	simm.s32 $0x108;
	_ =	swait.ge @!p0 [sflag:s8], $0x0  }
0x24: {  	s3 =	sadd.s32 $0x88, s3;
	s6 =	simm.s32 @!p1 $0x1082;
	[sflag:s4] =	ssyncset.s32 $0xFFFFF086  }
0x25: {  	[simem:s6], [sflag:s4] =	dma.local [hbm:s3], $0xF7A  }
0x26: {  	[smem:$0x3F99] =	sst s1;
	(tag) =	ssettag s2;
	_ =	strace s9  }
0x27: {  	s1 =	sld [smem:$0x3FA9]  }
0x28: {  	s2 =	sld [smem:$0x3FAA]  }
0x29: {  	s4 =	sld [smem:$0x3FAC]  }
0x2a: {  	p0 =	seq.s32 s5, $0x0;
	s5 =	sld [smem:$0x3FAD]  }
0x2b: {  	s6 =	sld [smem:$0x3FAE]  }
0x2c: {  	s7 =	sld [smem:$0x3FAF]  }
0x2d: {  	s3 =	simm.s32 $0x108;
	s8 =	sld [smem:$0x3FB0]  }
0x2e: {  	s3 =	simm.s32 @!p0 $0x1082;
	s9 =	sld [smem:$0x3FB1]  }
0x2f: {  	lr =	sadd.s32 s0, s3;
	s0 =	sld [smem:$0x3FA8]  }
0x30: {  	s3 =	sld [smem:$0x3FAB]  }
0x31: {  	[smem:$0x3FB4] =	sst s10  }
0x32: {  	s10 =	sld [smem:$0x3FB2];
	_ =	sdelay $0x3  }
0x33: {  	p0 =	seq.s32 s10, $0x1;
	s10 =	sld [smem:$0x3FB4];
	_ =	sdelay $0x3  }
0x34: {  	[smem:$0x3FB4] =	sst s10  }
0x35: {  	s10 =	sld [smem:$0x3FB3];
	_ =	sdelay $0x3  }
0x36: {  	p1 =	seq.s32 s10, $0x1;
	s10 =	sld [smem:$0x3FB4];
	_ =	sdelay $0x3  }
0x37: {  	[smem:$0x3FB4] =	sst s10  }
0x38: {  	s10 =	sld [smem:$0x3FB5]  }
0x39: {  	_ = 	snop;
	(pc) =	sbr.ind lr, $3  }
0x3a: {  	_ = 	snop  }
0x3b: {  	_ = 	snop  }
0x3c: {  	p2 =	seq.s32 s10, $0x1;
	s10 =	sld [smem:$0x3FB4]  }
0x3d: {  	_ =	shalt  }
0x3e: {  	_ =	shalt  }
0x3f: {  	_ =	shalt  }
0x40: {  	_ =	shalt  }
0x41: {  	_ =	shalt  }
0x42: {  	_ =	shalt  }
0x43: {  	_ =	shalt  }
0x44: {  	_ =	shalt  }
0x45: {  	_ =	shalt  }
0x46: {  	_ =	shalt  }
0x47: {  	_ =	shalt  }
0x48: {  	_ =	shalt  }
0x49: {  	_ =	shalt  }
0x4a: {  	_ =	shalt  }
0x4b: {  	_ =	shalt  }
0x4c: {  	_ =	shalt  }
0x4d: {  	_ =	shalt  }
0x4e: {  	_ =	shalt  }
0x4f: {  	_ =	shalt  }
0x50: {  	_ =	shalt  }
0x51: {  	_ =	shalt  }
0x52: {  	_ =	shalt  }
0x53: {  	_ =	shalt  }
0x54: {  	_ =	shalt  }
0x55: {  	_ =	shalt  }
0x56: {  	_ =	shalt  }
0x57: {  	_ =	shalt  }
0x58: {  	_ =	shalt  }
0x59: {  	_ =	shalt  }
0x5a: {  	_ =	shalt  }
0x5b: {  	_ =	shalt  }
0x5c: {  	_ =	shalt  }
0x5d: {  	_ =	shalt  }
0x5e: {  	_ =	shalt  }
0x5f: {  	_ =	shalt  }
0x60: {  	_ =	shalt  }
0x61: {  	_ =	shalt  }
0x62: {  	_ =	shalt  }
0x63: {  	_ =	shalt  }
0x64: {  	_ =	shalt  }
0x65: {  	_ =	shalt  }
0x66: {  	_ =	shalt  }
0x67: {  	_ =	shalt  }
0x68: {  	_ =	shalt  }
0x69: {  	_ =	shalt  }
0x6a: {  	_ =	shalt  }
0x6b: {  	_ =	shalt  }
0x6c: {  	_ =	shalt  }
0x6d: {  	_ =	shalt  }
0x6e: {  	_ =	shalt  }
0x6f: {  	_ =	shalt  }
0x70: {  	_ =	shalt  }
0x71: {  	_ =	shalt  }
0x72: {  	_ =	shalt  }
0x73: {  	_ =	shalt  }
0x74: {  	_ =	shalt  }
0x75: {  	_ =	shalt  }
0x76: {  	_ =	shalt  }
0x77: {  	_ =	shalt  }
0x78: {  	_ =	shalt  }
0x79: {  	_ =	shalt  }
0x7a: {  	_ =	shalt  }
0x7b: {  	_ =	shalt  }
0x7c: {  	_ =	shalt  }
0x7d: {  	_ =	shalt  }
0x7e: {  	_ =	shalt  }
0x7f: {  	_ =	shalt  }
0x80: {  	_ =	shalt  }
0x81: {  	_ =	shalt  }
0x82: {  	_ =	shalt  }
0x83: {  	_ =	shalt  }
0x84: {  	_ =	shalt  }
0x85: {  	_ =	shalt  }
0x86: {  	_ =	shalt  }
0x87: {  	_ =	shalt  }
.Lfunc_end0:
.L_simem_size_0:
called_computation.1_lowered:
.L_overlay_start_0:
0x88: {  	s2 =	sld [smem:$0x3FD9]  }
0x89: {  	s3 =	sld [smem:$0x3FFE];
	_ =	sdelay $0x1  }
0x8a: {  	s1 =	srdreg.scid  }
0x8b: {  	s0 =	sand.u32 $0x1, s1  }
0x8c: {  	s17 =	sshll.u32 s0, $0xA;
	s2 =	sadd.s32 s3, s2  }
0x8d: {  	s2 =	sadd.s32 s2, s17  }
0x8e: {  	[smem:$0x3FC0] =	sst s2  }
0x8f: {  	_ = 	snop  }
0x90: {  	s2 =	sld [smem:$0x3FD0];
	(tm) =	ssettm $0x1  }
0x91: {  	s18 =	sld [smem:$0x3FFB];
	_ =	sdelay $0x3  }
0x92: {  	_ =	strace s18  }
0x93: {  	s3 =	sld [smem:$0x3FFC];
	_ =	sdelay $0x3  }
0x94: {  	_ =	strace s3  }
0x95: {  	s3 =	sld [smem:$0x3FFD];
	_ =	sdelay $0x3  }
0x96: {  	_ =	strace s3  }
0x97: {  	_ =	strace $0x8FFFFFFF  }
0x98: {  	s19 =	sld [smem:$0x3FDB];
	_ =	sdelay $0x1  }
0x99: {  	s4 =	simm.s32 $_scs_section_size  }
0x9a: {  	s5 =	simm.s32 $_size__tile_overlayer_lowered;
	s6 =	simm.s32 $_tile_overlayer_lowered  }
0x9b: {  	s22 =	simm.s32 $0x1BFF;
	s21 =	sshll.u32 s6, $0x1;
	s3 =	sadd.s32 s4, s19  }
0x9c: {  	s7 =	simm.s32 $0x0;
	s20 =	sshll.u32 s5, $0x1;
	s5 =	sadd.s32 s21, s3  }
0x9d: {  	[timem:s7], [sflag:s22] =	dma.local [hbm:s5], s20  }
0x9e: {  	_ =	swait.ge [sflag:s22], s20  }
0x9f: {  	s4 =	ssub.s32 $0x0, s20;
	[sflag:s22] =	ssyncset.done $0x0  }
0xa0: {  	[sflag:s22] =	ssyncadd.s32 s4;
	_ =	sdelay $0x1  }
0xa1: {  	s23 =	simm.s32 $0x1B8B  }
0xa2: {  	_ =	swait.ge [sflag:s23], $0x1  }
0xa3: {  	[sflag:s23] =	ssyncset.done $0x0  }
0xa4: {  	s25 =	simm.s32 $0x1B8E;
	s24 =	sld [smem:$0x3FFE];
	[sflag:s23] =	ssyncadd.s32 $0xFFFFFFFF  }
0xa5: {  	s26 =	simm.s32 $execute0_lowered;
	[smem:$0x3FD2] =	sst s25  }
0xa6: {  	s5 =	sshll.u32 s26, $0x1;
	_ =	strace $0x80000049;
	[dreg:$0x1] =	wrdreg $0xFFFFFFFF  }
0xa7: {  	s28 =	simm.s32 $_size_execute0_lowered;
	s3 =	sadd.s32 s3, s5;
	[dreg:$0x0] =	wrdreg $0x0  }
0xa8: {  	s5 =	sshll.u32 s28, $0x1;
	[dreg:$0x2] =	wrdreg s3  }
0xa9: {  	[dreg:$0x3] =	wrdreg s5  }
0xaa: {  	[dreg:$0x4] =	wrdreg $0xC0  }
0xab: {  	_ =	task [dreg:s7], $0x5FFFF  }
0xac: {  	[dreg:$0x1] =	wrdreg $0xFFFFFFFF  }
0xad: {  	[dreg:$0x0] =	wrdreg $0x60  }
0xae: {  	[dreg:$0x2] =	wrdreg s2  }
0xaf: {  	[dreg:$0x3] =	wrdreg s24  }
0xb0: {  	[dreg:$0x4] =	wrdreg $0xA3000  }
0xb1: {  	[dreg:$0x5] =	wrdreg $0x9  }
0xb2: {  	_ =	task.clear_ibuf [dreg:s7], $0x6FFFF;
	_ =	strace $0x90000049  }
0xb3: {  	s29 =	simm.s32 $0x9;
	_ =	strace $0x8000004B  }
0xb4: {  	_ =	swait.ge [sflag:s29], $0x1  }
0xb5: {  	[sflag:s29] =	ssyncadd.s32 $0xFFFFFFFF  }
0xb6: {  	_ =	strace $0x9000004B  }
0xb7: {  	_ =	sfence  }
0xb8: {  	s30 =	sld [smem:$0x0];
	_ =	sdelay $0x2  }
0xb9: {  	s31 =	sshll.u32 s1, $0xD;
	s1 =	sshrl.u32 s1, $0x2  }
0xba: {  	s3 =	sand.u32 $0x4000, s31;
	s1 =	sadd.s32 s1, s30  }
0xbb: {  	s0 =	sor.u32 s3, s0;
	s1 =	sshll.u32 s1, $0x11  }
0xbc: {  	s0 =	sor.u32 s1, s0  }
0xbd: {  	s0 =	sadd.s32 $0x8F2B, s0  }
0xbe: {  	[sflag:s0] =	ssyncadd.remote.s32 $0x1  }
0xbf: {  	_ =	sfence.sel $0xFFFF  }
0xc0: {  	[dreg:$0x0] =	wrdreg $0xFFFFFFFF;
	(pc) =	sbr.abs _section_cstart, $3  }
0xc1: {  	[dreg:$0x1] =	wrdreg $0xFFFFFFFF  }
0xc2: {  	_ =	task.clear_ibuf [dreg:s7], $0x2FFFF;
	_ =	strace $0x9FFFFFFF  }
0xc3: {  	(tm) =	ssettm $0x7FFFFFFF  }
tec
execute0_lowered:
.L_overlay_start_1:
0x0: {  	(tag) =	ssettag $0x1  }
0x1: {  	s1 =	rddreg [dreg:$0x0]  }
0x2: {  	s0 =	rddreg [dreg:$0x1]  }
0x3: {  	s2 =	rddreg [dreg:$0x2]  }
0x4: {  	s3 =	simm.s32 $0x0;
	s4 =	srdreg.scid;
	s13 =	stileid.u32  }
0x5: {  	s28 =	simm.s32 $0x80;
	s29 =	simm.s32 $0x180;
	s30 =	simm.s32 $0x2B00  }
0x6: {  	s31 =	simm.s32 $0x3;
	s14 =	simm.s32 $0x0;
	[smem:$0x7FF] =	sst s3  }
0x7: {  	s5 =	sadd.s32 $0xAE00, s0;
	s4 =	sand.u32 $0x1, s4;
	s6 =	sadd.s32 $0x1000, s0  }
0x8: {  	s7 =	sadd.s32 $0x4F6C00, s0;
	p0 =	slt.u32 s13, $0xD;
	s22 =	smul.u32 $0xA000, s13  }
0x9: {  	s23 =	smul.u32 $0x2800, s13;
	_ =	strace $0x8000004A;
	s8 =	sshll.u32 s4, $0x4  }
0xa: {  	s9 =	ssub.s32 $0x2, s4;
	s4 =	smul.u32 $0x138800, s4;
	s10 =	sor.u32 s13, s8  }
0xb: {  	s8 =	sadd.s32 $0x14C00, s0;
	s17 =	sshrl.u32 s9, $0x1;
	s24 =	sshrl.u32 s22, $0x2  }
0xc: {  	s22 =	simm.s32 $0x7;
	s13 =	simm.s32 $0x280;
	s11 =	smul.u32 $0x2710, s10  }
0xd: {  	s0 =	ssub.s32 s9, s17;
	s9 =	simm.s32 $0x8;
	s10 =	smul.u32 $0x27100, s10  }
0xe: {  	s25 =	sadd.s32 s24, s2;
	s26 =	sadd.s32 s23, s4;
	s23 =	simm.s32 $0x100  }
0xf: {  	s24 =	simm.s32 $0x300;
	s4 =	simm.s32 $0x7B00;
	[dreg:$0xc] =	wrdreg s25  }
0x10: {  	s9 =	simm.s32 @!p0 $0x7;
	s0 =	smax.u32 s0, $0x1;
	[dreg:$0xd] =	wrdreg s26  }
0x11: {  	s25 =	simm.s32 $0x1;
	s26 =	simm.s32 $0x50;
	[dreg:$0x4] =	wrdreg s9  }
0x12: {  	s18 =	sshrl.u32 s11, $0x3;
	s19 =	sadd.s32 $0x50, s11;
	s10 =	sadd.s32 s7, s10  }
0x13: {  	s16 =	sadd.s32 $0xA0, s11;
	s17 =	sadd.s32 $0xF0, s11;
	[dreg:$0xb] =	wrdreg s0  }
0x14: {  	s0 =	simm.s32 $0x2;
	s12 =	sadd.s32 s5, s18;
	[dreg:$0x7] =	wrdreg s10  }
0x15: {  	s9 =	sadd.s32 s6, s18;
	s20 =	sshrl.u32 s19, $0x3;
	[dreg:$0x5] =	wrdreg s12  }
0x16: {  	s11 =	simm.s32 $0x4;
	[dreg:$0x6] =	wrdreg s9;
	s21 =	sadd.s32 s5, s20  }
0x17: {  	s9 =	sshll.u32 s19, $0x4;
	s10 =	sadd.s32 s6, s20;
	[dreg:$0x8] =	wrdreg s21  }
0x18: {  	s12 =	simm.s32 $0x5;
	[dreg:$0x9] =	wrdreg s10;
	s9 =	sadd.s32 s7, s9  }
0x19: {  	v0 =	vimm.f32 $0.0e+00;
	s21 =	simm.s32 $0x5300;
	s10 =	simm.s32 $0x200;
	[dreg:$0xa] =	wrdreg s9  }
.LBB2_1:
0x1a: {  	s9 =	sand.u32 $0xFE00, s3  }
0x1b: {  	[dreg:$0xe] =	wrdreg s14;
	s20 =	sand.u32 $0x70, s3;
	s18 =	sshrl.u32 s9, $0x2  }
0x1c: {  	s14 =	simm.s32 $0x0;
	s9 =	simm.s32 $0x40;
	s18 =	sor.u32 s20, s18  }
.LBB2_2:
0x1d: {  	p0 =	sne.s32 s9, $0x9FC0  }
0x1e: {  	[tilespmem:s18+$0x5300] =	vst v0;
	s14 =	sadd.s32 $0x10, s14;
	s18 =	smov.u32 s9;
	s9 =	sadd.s32 $0x40, s9  }
.Ltmp0:
0x1f: {  	(pc) =	sbr.rel @p0 .LBB2_2-.Ltmp0, $4  }
0x20: {  	_ = 	snop  }
0x21: {  	s18 =	sand.u32 $0xFE00, s18  }
0x22: {  	s20 =	sand.u32 $0x70, s14;
	s18 =	sshrl.u32 s18, $0x2  }
0x23: {  	s18 =	sor.u32 s20, s18  }
0x24: {  	s9 =	rddreg [dreg:$0x4]  }
0x25: {  	p0 =	sne.s32 s9, $0x1  }
.Ltmp1:
0x26: {  	_ = 	snop;
	(pc) =	sbr.rel @!p0 .LBB2_5-.Ltmp1, $4  }
0x27: {  	[tilespmem:s18+$0x5300] =	vst v0;
	s14 =	rddreg [dreg:$0xc]  }
0x28: {  	[spmem:s14] =	stream.linear.scatter [tilespmem:s21], [sflag:$0x7], $0x2800, $0x38;
	[tilespmem:$0x1DB80] =	vst v63  }
0x29: {  	_ =	swait.ge [sflag:s22], $0x2800  }
0x2a: {  	s9 =	sadd.s32 $0xFFFFFFFF, s9;
	[sflag:s22] =	ssyncset.done $0x0  }
.LBB2_4:
0x2b: {  	p1 =	sne.s32 s9, $0x1;
	[sflag:s22] =	ssyncadd.s32 $0xFFFFD800;
	s14 =	sadd.s32 $0x28000, s14  }
.Ltmp2:
0x2c: {  	s9 =	sadd.s32 $0xFFFFFFFF, s9;
	(pc) =	sbr.rel @p1 .LBB2_4-.Ltmp2, $4  }
0x2d: {  	_ = 	snop  }
0x2e: {  	[spmem:s14] =	stream.linear.scatter [tilespmem:s21], [sflag:$0x7], $0x2800, $0x38;
	[tilespmem:$0x1DB80] =	vst v63  }
0x2f: {  	_ =	swait.ge [sflag:s22], $0x2800  }
0x30: {  	[sflag:s22] =	ssyncset.done $0x0  }
.LBB2_5:
0x31: {  	[sflag:s22] =	ssyncadd.s32 $0xFFFFD800  }
0x32: {  	[bflag:$0x0] =	sbarrier.arrive $0xFFFF  }
0x33: {  	s18 =	simm.s32 $0x0;
	s9 =	rddreg [dreg:$0x5]  }
0x34: {  	[tilespmem:s18], [sflag:$0x1] =	stream.linear.gather [hbm4b:s9+s18], $0x50, $0x38;
	[tilespmem:$0x1DB80] =	vst v63  }
0x35: {  	s20 =	rddreg [dreg:$0x6]  }
0x36: {  	[tilespmem:s23], [sflag:$0x1] =	stream.linear.gather [hbm4b:s20+s18], $0x50, $0x38;
	[tilespmem:$0x1DB80] =	vst v63  }
0x37: {  	s14 =	rddreg [dreg:$0x7]  }
0x38: {  	[tilespmem:s24], [sflag:$0x1] =	stream.linear.gather [hbm4b:s14+s18], $0x2800, $0x38;
	[tilespmem:$0x1DB80] =	vst v63  }
0x39: {  	_ =	swait.ge [sflag:s25], $0x50  }
0x3a: {  	[sflag:s25] =	ssyncset.done $0x0  }
0x3b: {  	[sflag:s25] =	ssyncadd.s32 $0xFFFFFFB0  }
0x3c: {  	_ =	swait.ge [sflag:s25], $0x50  }
0x3d: {  	[sflag:s25] =	ssyncset.done $0x0  }
0x3e: {  	[sflag:s25] =	ssyncadd.s32 $0xFFFFFFB0  }
0x3f: {  	_ =	swait.ge [sflag:s25], $0x2800  }
0x40: {  	[sflag:s25] =	ssyncset.done $0x0  }
0x41: {  	[sflag:s25] =	ssyncadd.s32 $0xFFFFD800  }
0x42: {  	[tilespmem:s21], [sflag:$0x3] =	stream.indirect.gather [hbm4b:s1+s26], $0x80, s18, s26, $0xb8;
	[tilespmem:$0x1DB80] =	vst v63  }
0x43: {  	s15 =	rddreg [dreg:$0x8]  }
0x44: {  	[tilespmem:s28], [sflag:$0x2] =	stream.linear.gather [hbm4b:s15+s18], $0x50, $0x38;
	[tilespmem:$0x1DB80] =	vst v63  }
0x45: {  	s19 =	rddreg [dreg:$0x9]  }
0x46: {  	[tilespmem:s29], [sflag:$0x2] =	stream.linear.gather [hbm4b:s19+s18], $0x50, $0x38;
	[tilespmem:$0x1DB80] =	vst v63  }
0x47: {  	s20 =	rddreg [dreg:$0xa]  }
0x48: {  	[tilespmem:s30], [sflag:$0x2] =	stream.linear.gather [hbm4b:s20+s18], $0x2800, $0x38;
	[tilespmem:$0x1DB80] =	vst v63  }
.LBB2_6:
0x49: {  	_ =	swait.ge [sflag:s31], $0x2800  }
0x4a: {  	p1 =	seq.s32 s18, $0x0;
	[sflag:s31] =	ssyncset.done $0x0  }
0x4b: {  	s9 =	simm.s32 @!p1 $0x6;
	[sflag:s31] =	ssyncadd.s32 $0xFFFFD800  }
0x4c: {  	_ =	swait.ge @!p1 [sflag:s9], $0x2800  }
0x4d: {  	[sflag:s9] =	ssyncset.done @!p1 $0x0  }
0x4e: {  	[sflag:s9] =	ssyncadd.s32 @!p1 $0xFFFFD800  }
0x4f: {  	_ =	swait.ge [sflag:s0], $0x50  }
0x50: {  	[sflag:s0] =	ssyncset.done $0x0  }
0x51: {  	[sflag:s0] =	ssyncadd.s32 $0xFFFFFFB0  }
0x52: {  	_ =	swait.ge [sflag:s0], $0x50  }
0x53: {  	[sflag:s0] =	ssyncset.done $0x0  }
0x54: {  	[sflag:s0] =	ssyncadd.s32 $0xFFFFFFB0  }
0x55: {  	_ =	swait.ge [sflag:s0], $0x2800  }
0x56: {  	[sflag:s0] =	ssyncset.done $0x0  }
0x57: {  	s14 =	simm.s32 $0x0;
	[sflag:s0] =	ssyncadd.s32 $0xFFFFD800  }
0x58: {  	[tilespmem:s4], [sflag:$0x4] =	stream.indirect.gather [hbm4b:s1+s26], $0x80, s28, s26, $0xb8;
	[tilespmem:$0x1DB80] =	vst v63  }
0x59: {  	v7 =	vld [tilespmem:s14+$0x300]  }
0x5a: {  	v12 =	vld [tilespmem:s14+$0x310]  }
0x5b: {  	v6 =	vld [tilespmem:s14+$0x320]  }
0x5c: {  	v5 =	vld [tilespmem:s14+$0x330]  }
0x5d: {  	v4 =	vld [tilespmem:s14+$0x340]  }
0x5e: {  	v3 =	vld [tilespmem:s14+$0x350]  }
0x5f: {  	v2 =	vld [tilespmem:s14+$0x360]  }
0x60: {  	v1 =	vld [tilespmem:s14+$0x370]  }
0x61: {  	v13 =	vld [tilespmem:s14+$0x5300]  }
0x62: {  	v14 =	vld [tilespmem:s14+$0x5310]  }
0x63: {  	v11 =	vld [tilespmem:s14+$0x5320]  }
0x64: {  	v10 =	vld [tilespmem:s14+$0x5330]  }
0x65: {  	v9 =	vld [tilespmem:s14+$0x5340]  }
0x66: {  	v8 =	vld [tilespmem:s14+$0x5350];
	v13 =	vadd.f32 v7, v13  }
0x67: {  	s20 =	simm.s32 $0x200;
	v12 =	vadd.f32 v12, v14;
	v7 =	vld [tilespmem:s14+$0x5360]  }
.LBB2_7:
0x68: {  	s9 =	sshra.s32 s20, $0x2;
	p1 =	sne.s32 s20, $0x9E00;
	v13 =	vmax.f32 v13, $0.0e+00;
	v6 =	vadd.f32 v6, v11;
	v11 =	vld [tilespmem:s14+$0x5370]  }
0x69: {  	v14 =	vld [tilespmem:s9+$0x300];
	[tilespmem:s14+$0x5300] =	vst v13;
	v12 =	vmax.f32 v12, $0.0e+00;
	v5 =	vadd.f32 v5, v10  }
0x6a: {  	v15 =	vld [tilespmem:s9+$0x310];
	[tilespmem:s14+$0x5310] =	vst v12;
	v10 =	vmax.f32 v6, $0.0e+00;
	v4 =	vadd.f32 v4, v9  }
0x6b: {  	v6 =	vld [tilespmem:s9+$0x320];
	[tilespmem:s14+$0x5320] =	vst v10;
	v9 =	vmax.f32 v5, $0.0e+00;
	v3 =	vadd.f32 v3, v8  }
0x6c: {  	v5 =	vld [tilespmem:s9+$0x330];
	[tilespmem:s14+$0x5330] =	vst v9;
	v8 =	vmax.f32 v4, $0.0e+00;
	v2 =	vadd.f32 v2, v7  }
0x6d: {  	v4 =	vld [tilespmem:s9+$0x340];
	[tilespmem:s14+$0x5340] =	vst v8;
	v7 =	vmax.f32 v3, $0.0e+00;
	v1 =	vadd.f32 v1, v11  }
0x6e: {  	v3 =	vld [tilespmem:s9+$0x350];
	[tilespmem:s14+$0x5350] =	vst v7;
	v7 =	vmax.f32 v2, $0.0e+00  }
0x6f: {  	v2 =	vld [tilespmem:s9+$0x360];
	[tilespmem:s14+$0x5360] =	vst v7;
	v7 =	vmax.f32 v1, $0.0e+00  }
0x70: {  	v1 =	vld [tilespmem:s9+$0x370];
	[tilespmem:s14+$0x5370] =	vst v7;
	s14 =	smov.u32 s9  }
0x71: {  	v7 =	vld [tilespmem:s14+$0x5300]  }
0x72: {  	v12 =	vld [tilespmem:s14+$0x5310]  }
.Ltmp3:
0x73: {  	v11 =	vld [tilespmem:s14+$0x5320];
	(pc) =	sbr.rel @p1 .LBB2_7-.Ltmp3, $4  }
0x74: {  	v10 =	vld [tilespmem:s14+$0x5330]  }
0x75: {  	v9 =	vld [tilespmem:s14+$0x5340]  }
0x76: {  	v13 =	vadd.f32 v14, v7;
	v8 =	vld [tilespmem:s14+$0x5350]  }
0x77: {  	s20 =	sadd.s32 $0x200, s20;
	v12 =	vadd.f32 v15, v12;
	v7 =	vld [tilespmem:s14+$0x5360]  }
0x78: {  	v13 =	vmax.f32 v13, $0.0e+00;
	v6 =	vadd.f32 v6, v11;
	v11 =	vld [tilespmem:s14+$0x5370]  }
0x79: {  	[tilespmem:s14+$0x5300] =	vst v13;
	v12 =	vmax.f32 v12, $0.0e+00;
	v5 =	vadd.f32 v5, v10  }
0x7a: {  	[tilespmem:s14+$0x5310] =	vst v12;
	v6 =	vmax.f32 v6, $0.0e+00;
	v4 =	vadd.f32 v4, v9  }
0x7b: {  	[tilespmem:s14+$0x5320] =	vst v6;
	v5 =	vmax.f32 v5, $0.0e+00;
	v3 =	vadd.f32 v3, v8  }
0x7c: {  	[tilespmem:s14+$0x5330] =	vst v5;
	v4 =	vmax.f32 v4, $0.0e+00;
	v2 =	vadd.f32 v2, v7  }
0x7d: {  	[tilespmem:s14+$0x5340] =	vst v4;
	v3 =	vmax.f32 v3, $0.0e+00;
	v1 =	vadd.f32 v1, v11  }
0x7e: {  	[tilespmem:s14+$0x5350] =	vst v3;
	v2 =	vmax.f32 v2, $0.0e+00  }
0x7f: {  	[tilespmem:s14+$0x5360] =	vst v2;
	v1 =	vmax.f32 v1, $0.0e+00  }
0x80: {  	[tilespmem:s14+$0x5370] =	vst v1  }
0x81: {  	v1 =	vld [tilespmem:$0x100]  }
0x82: {  	v2 =	vld [tilespmem:$0x110]  }
0x83: {  	v3 =	vld [tilespmem:$0x120]  }
0x84: {  	v4 =	vld [tilespmem:$0x130]  }
0x85: {  	v5 =	vld [tilespmem:$0x140]  }
0x86: {  	[tilespmem:$0x200] =	vst v1  }
0x87: {  	s14 =	smul.u32 $0xA0, s18;
	[tilespmem:$0x210] =	vst v2  }
0x88: {  	[tilespmem:$0x220] =	vst v3  }
0x89: {  	s9 =	sadd.s32 s14, s16;
	[tilespmem:$0x230] =	vst v4  }
0x8a: {  	s20 =	sshrl.u32 s9, $0x3;
	[tilespmem:$0x240] =	vst v5  }
0x8b: {  	[spmem:s2] =	stream.indirect.scatter.add.f32 [tilespmem:s21], [sflag:$0x5], $0x80, s10, s26, $0xb8;
	[tilespmem:$0x1DB80] =	vst v63  }
0x8c: {  	s15 =	simm.s32 $0x0;
	s19 =	sadd.s32 s5, s20  }
0x8d: {  	[tilespmem:s15], [sflag:$0x1] =	stream.linear.gather [hbm4b:s19+s15], $0x50, $0x38;
	[tilespmem:$0x1DB80] =	vst v63  }
0x8e: {  	s9 =	sshll.u32 s9, $0x4;
	s20 =	sadd.s32 s6, s20  }
0x8f: {  	[tilespmem:s23], [sflag:$0x1] =	stream.linear.gather [hbm4b:s20+s15], $0x50, $0x38;
	[tilespmem:$0x1DB80] =	vst v63  }
0x90: {  	s9 =	sadd.s32 s7, s9  }
0x91: {  	[tilespmem:s24], [sflag:$0x1] =	stream.linear.gather [hbm4b:s9+s15], $0x2800, $0x38;
	[tilespmem:$0x1DB80] =	vst v63  }
0x92: {  	_ =	swait.ge [sflag:s11], $0x2800  }
0x93: {  	[sflag:s11] =	ssyncset.done $0x0  }
0x94: {  	[sflag:s11] =	ssyncadd.s32 $0xFFFFD800  }
0x95: {  	_ =	swait.ge [sflag:s12], $0x2800  }
0x96: {  	[sflag:s12] =	ssyncset.done $0x0  }
0x97: {  	[sflag:s12] =	ssyncadd.s32 $0xFFFFD800  }
0x98: {  	_ =	swait.ge [sflag:s25], $0x50  }
0x99: {  	[sflag:s25] =	ssyncset.done $0x0  }
0x9a: {  	[sflag:s25] =	ssyncadd.s32 $0xFFFFFFB0  }
0x9b: {  	_ =	swait.ge [sflag:s25], $0x50  }
0x9c: {  	[sflag:s25] =	ssyncset.done $0x0  }
0x9d: {  	[sflag:s25] =	ssyncadd.s32 $0xFFFFFFB0  }
0x9e: {  	_ =	swait.ge [sflag:s25], $0x2800  }
0x9f: {  	[sflag:s25] =	ssyncset.done $0x0  }
0xa0: {  	s20 =	simm.s32 $0x0;
	[sflag:s25] =	ssyncadd.s32 $0xFFFFD800  }
0xa1: {  	[tilespmem:s21], [sflag:$0x3] =	stream.indirect.gather [hbm4b:s1+s26], $0x80, s15, s26, $0xb8;
	[tilespmem:$0x1DB80] =	vst v63  }
0xa2: {  	v7 =	vld [tilespmem:s20+$0x2B00]  }
0xa3: {  	v12 =	vld [tilespmem:s20+$0x2B10]  }
0xa4: {  	v6 =	vld [tilespmem:s20+$0x2B20]  }
0xa5: {  	v5 =	vld [tilespmem:s20+$0x2B30]  }
0xa6: {  	v4 =	vld [tilespmem:s20+$0x2B40]  }
0xa7: {  	v3 =	vld [tilespmem:s20+$0x2B50]  }
0xa8: {  	v2 =	vld [tilespmem:s20+$0x2B60]  }
0xa9: {  	v1 =	vld [tilespmem:s20+$0x2B70]  }
0xaa: {  	v13 =	vld [tilespmem:s20+$0x7B00]  }
0xab: {  	v14 =	vld [tilespmem:s20+$0x7B10]  }
0xac: {  	v11 =	vld [tilespmem:s20+$0x7B20]  }
0xad: {  	v10 =	vld [tilespmem:s20+$0x7B30]  }
0xae: {  	v9 =	vld [tilespmem:s20+$0x7B40]  }
0xaf: {  	v8 =	vld [tilespmem:s20+$0x7B50];
	v13 =	vadd.f32 v7, v13  }
0xb0: {  	s9 =	simm.s32 $0x200;
	v12 =	vadd.f32 v12, v14;
	v7 =	vld [tilespmem:s20+$0x7B60]  }
.LBB2_9:
0xb1: {  	s15 =	sshra.s32 s9, $0x2;
	p1 =	sne.s32 s9, $0x9E00;
	v13 =	vmax.f32 v13, $0.0e+00;
	v6 =	vadd.f32 v6, v11;
	v11 =	vld [tilespmem:s20+$0x7B70]  }
0xb2: {  	v14 =	vld [tilespmem:s15+$0x2B00];
	[tilespmem:s20+$0x7B00] =	vst v13;
	v12 =	vmax.f32 v12, $0.0e+00;
	v5 =	vadd.f32 v5, v10  }
0xb3: {  	v15 =	vld [tilespmem:s15+$0x2B10];
	[tilespmem:s20+$0x7B10] =	vst v12;
	v10 =	vmax.f32 v6, $0.0e+00;
	v4 =	vadd.f32 v4, v9  }
0xb4: {  	v6 =	vld [tilespmem:s15+$0x2B20];
	[tilespmem:s20+$0x7B20] =	vst v10;
	v9 =	vmax.f32 v5, $0.0e+00;
	v3 =	vadd.f32 v3, v8  }
0xb5: {  	v5 =	vld [tilespmem:s15+$0x2B30];
	[tilespmem:s20+$0x7B30] =	vst v9;
	v8 =	vmax.f32 v4, $0.0e+00;
	v2 =	vadd.f32 v2, v7  }
0xb6: {  	v4 =	vld [tilespmem:s15+$0x2B40];
	[tilespmem:s20+$0x7B40] =	vst v8;
	v7 =	vmax.f32 v3, $0.0e+00;
	v1 =	vadd.f32 v1, v11  }
0xb7: {  	v3 =	vld [tilespmem:s15+$0x2B50];
	[tilespmem:s20+$0x7B50] =	vst v7;
	v7 =	vmax.f32 v2, $0.0e+00  }
0xb8: {  	v2 =	vld [tilespmem:s15+$0x2B60];
	[tilespmem:s20+$0x7B60] =	vst v7;
	v7 =	vmax.f32 v1, $0.0e+00  }
0xb9: {  	v1 =	vld [tilespmem:s15+$0x2B70];
	[tilespmem:s20+$0x7B70] =	vst v7;
	s20 =	smov.u32 s15  }
0xba: {  	v7 =	vld [tilespmem:s20+$0x7B00]  }
0xbb: {  	v12 =	vld [tilespmem:s20+$0x7B10]  }
.Ltmp4:
0xbc: {  	v11 =	vld [tilespmem:s20+$0x7B20];
	(pc) =	sbr.rel @p1 .LBB2_9-.Ltmp4, $4  }
0xbd: {  	v10 =	vld [tilespmem:s20+$0x7B30]  }
0xbe: {  	v9 =	vld [tilespmem:s20+$0x7B40]  }
0xbf: {  	v13 =	vadd.f32 v14, v7;
	v8 =	vld [tilespmem:s20+$0x7B50]  }
0xc0: {  	s9 =	sadd.s32 $0x200, s9;
	v12 =	vadd.f32 v15, v12;
	v7 =	vld [tilespmem:s20+$0x7B60]  }
0xc1: {  	v13 =	vmax.f32 v13, $0.0e+00;
	v6 =	vadd.f32 v6, v11;
	v63 =	vld [tilespmem:s20+$0x7B70]  }
0xc2: {  	[tilespmem:s20+$0x7B00] =	vst v13;
	v12 =	vmax.f32 v12, $0.0e+00;
	v5 =	vadd.f32 v5, v10  }
0xc3: {  	[tilespmem:s20+$0x7B10] =	vst v12;
	v6 =	vmax.f32 v6, $0.0e+00;
	v4 =	vadd.f32 v4, v9  }
0xc4: {  	[tilespmem:s20+$0x7B20] =	vst v6;
	v5 =	vmax.f32 v5, $0.0e+00;
	v3 =	vadd.f32 v3, v8  }
0xc5: {  	[tilespmem:s20+$0x7B30] =	vst v5;
	v4 =	vmax.f32 v4, $0.0e+00;
	v2 =	vadd.f32 v2, v7  }
0xc6: {  	[tilespmem:s20+$0x7B40] =	vst v4;
	v3 =	vmax.f32 v3, $0.0e+00;
	v1 =	vadd.f32 v1, v63  }
0xc7: {  	[tilespmem:s20+$0x7B50] =	vst v3;
	v2 =	vmax.f32 v2, $0.0e+00  }
0xc8: {  	[tilespmem:s20+$0x7B60] =	vst v2;
	v1 =	vmax.f32 v1, $0.0e+00  }
0xc9: {  	[tilespmem:s20+$0x7B70] =	vst v1  }
0xca: {  	v1 =	vld [tilespmem:$0x180]  }
0xcb: {  	v2 =	vld [tilespmem:$0x190]  }
0xcc: {  	v3 =	vld [tilespmem:$0x1A0]  }
0xcd: {  	v4 =	vld [tilespmem:$0x1B0]  }
0xce: {  	v5 =	vld [tilespmem:$0x1C0]  }
0xcf: {  	p1 =	seq.s32 s18, $0x3D;
	[tilespmem:$0x280] =	vst v1  }
.Ltmp5:
0xd0: {  	[tilespmem:$0x290] =	vst v2;
	(pc) =	sbr.rel @p1 .LBB2_12-.Ltmp5, $4  }
0xd1: {  	[tilespmem:$0x2A0] =	vst v3  }
0xd2: {  	[tilespmem:$0x2B0] =	vst v4  }
0xd3: {  	[tilespmem:$0x2C0] =	vst v5  }
0xd4: {  	[spmem:s2] =	stream.indirect.scatter.add.f32 [tilespmem:s4], [sflag:$0x6], $0x80, s13, s26, $0xb8;
	[tilespmem:$0x1DB80] =	vst v63  }
0xd5: {  	s9 =	sadd.s32 s14, s17  }
0xd6: {  	s14 =	sshrl.u32 s9, $0x3  }
0xd7: {  	s15 =	sadd.s32 s5, s14  }
0xd8: {  	[tilespmem:s28], [sflag:$0x2] =	stream.linear.gather [hbm4b:s15+s3], $0x50, $0x38;
	[tilespmem:$0x1DB80] =	vst v63  }
.Ltmp6:
0xd9: {  	_ = 	snop;
	(pc) =	sbr.rel .LBB2_6-.Ltmp6, $4  }
0xda: {  	s9 =	sshll.u32 s9, $0x4;
	s14 =	sadd.s32 s6, s14  }
0xdb: {  	[tilespmem:s29], [sflag:$0x2] =	stream.linear.gather [hbm4b:s14+s3], $0x50, $0x38;
	[tilespmem:$0x1DB80] =	vst v63  }
0xdc: {  	s18 =	sadd.s32 $0x1, s18;
	s9 =	sadd.s32 s7, s9  }
0xdd: {  	[tilespmem:s30], [sflag:$0x2] =	stream.linear.gather [hbm4b:s9+s3], $0x2800, $0x38;
	[tilespmem:$0x1DB80] =	vst v63  }
.LBB2_12:
0xde: {  	_ =	swait.ge [sflag:s31], $0x2800  }
0xdf: {  	[sflag:s31] =	ssyncset.done $0x0  }
0xe0: {  	s9 =	simm.s32 $0x6;
	[sflag:s31] =	ssyncadd.s32 $0xFFFFD800  }
0xe1: {  	_ =	swait.ge [sflag:s9], $0x2800  }
0xe2: {  	[sflag:s9] =	ssyncset.done $0x0  }
0xe3: {  	s14 =	simm.s32 $0x0;
	[sflag:s9] =	ssyncadd.s32 $0xFFFFD800  }
0xe4: {  	v7 =	vld [tilespmem:s14+$0x300]  }
0xe5: {  	v12 =	vld [tilespmem:s14+$0x310]  }
0xe6: {  	v6 =	vld [tilespmem:s14+$0x320]  }
0xe7: {  	v5 =	vld [tilespmem:s14+$0x330]  }
0xe8: {  	v4 =	vld [tilespmem:s14+$0x340]  }
0xe9: {  	v3 =	vld [tilespmem:s14+$0x350]  }
0xea: {  	v2 =	vld [tilespmem:s14+$0x360]  }
0xeb: {  	v1 =	vld [tilespmem:s14+$0x370]  }
0xec: {  	v13 =	vld [tilespmem:s14+$0x5300]  }
0xed: {  	v14 =	vld [tilespmem:s14+$0x5310]  }
0xee: {  	v11 =	vld [tilespmem:s14+$0x5320]  }
0xef: {  	v10 =	vld [tilespmem:s14+$0x5330]  }
0xf0: {  	v9 =	vld [tilespmem:s14+$0x5340]  }
0xf1: {  	v8 =	vld [tilespmem:s14+$0x5350];
	v13 =	vadd.f32 v7, v13  }
0xf2: {  	s9 =	simm.s32 $0x200;
	v12 =	vadd.f32 v12, v14;
	v7 =	vld [tilespmem:s14+$0x5360]  }
.LBB2_13:
0xf3: {  	s15 =	sshra.s32 s9, $0x2;
	p1 =	sne.s32 s9, $0x9E00;
	v13 =	vmax.f32 v13, $0.0e+00;
	v6 =	vadd.f32 v6, v11;
	v11 =	vld [tilespmem:s14+$0x5370]  }
0xf4: {  	v14 =	vld [tilespmem:s15+$0x300];
	[tilespmem:s14+$0x5300] =	vst v13;
	v12 =	vmax.f32 v12, $0.0e+00;
	v5 =	vadd.f32 v5, v10  }
0xf5: {  	v15 =	vld [tilespmem:s15+$0x310];
	[tilespmem:s14+$0x5310] =	vst v12;
	v10 =	vmax.f32 v6, $0.0e+00;
	v4 =	vadd.f32 v4, v9  }
0xf6: {  	v6 =	vld [tilespmem:s15+$0x320];
	[tilespmem:s14+$0x5320] =	vst v10;
	v9 =	vmax.f32 v5, $0.0e+00;
	v3 =	vadd.f32 v3, v8  }
0xf7: {  	v5 =	vld [tilespmem:s15+$0x330];
	[tilespmem:s14+$0x5330] =	vst v9;
	v8 =	vmax.f32 v4, $0.0e+00;
	v2 =	vadd.f32 v2, v7  }
0xf8: {  	v4 =	vld [tilespmem:s15+$0x340];
	[tilespmem:s14+$0x5340] =	vst v8;
	v7 =	vmax.f32 v3, $0.0e+00;
	v1 =	vadd.f32 v1, v11  }
0xf9: {  	v3 =	vld [tilespmem:s15+$0x350];
	[tilespmem:s14+$0x5350] =	vst v7;
	v7 =	vmax.f32 v2, $0.0e+00  }
0xfa: {  	v2 =	vld [tilespmem:s15+$0x360];
	[tilespmem:s14+$0x5360] =	vst v7;
	v7 =	vmax.f32 v1, $0.0e+00  }
0xfb: {  	v1 =	vld [tilespmem:s15+$0x370];
	[tilespmem:s14+$0x5370] =	vst v7;
	s14 =	smov.u32 s15  }
0xfc: {  	v7 =	vld [tilespmem:s14+$0x5300]  }
0xfd: {  	v12 =	vld [tilespmem:s14+$0x5310]  }
.Ltmp7:
0xfe: {  	v11 =	vld [tilespmem:s14+$0x5320];
	(pc) =	sbr.rel @p1 .LBB2_13-.Ltmp7, $4  }
0xff: {  	v10 =	vld [tilespmem:s14+$0x5330]  }
0x100: {  	v9 =	vld [tilespmem:s14+$0x5340]  }
0x101: {  	v13 =	vadd.f32 v14, v7;
	v8 =	vld [tilespmem:s14+$0x5350]  }
0x102: {  	s9 =	sadd.s32 $0x200, s9;
	v12 =	vadd.f32 v15, v12;
	v7 =	vld [tilespmem:s14+$0x5360]  }
0x103: {  	v13 =	vmax.f32 v13, $0.0e+00;
	v6 =	vadd.f32 v6, v11;
	v63 =	vld [tilespmem:s14+$0x5370]  }
0x104: {  	[tilespmem:s14+$0x5300] =	vst v13;
	v12 =	vmax.f32 v12, $0.0e+00;
	v5 =	vadd.f32 v5, v10  }
0x105: {  	[tilespmem:s14+$0x5310] =	vst v12;
	v6 =	vmax.f32 v6, $0.0e+00;
	v4 =	vadd.f32 v4, v9  }
0x106: {  	[tilespmem:s14+$0x5320] =	vst v6;
	v5 =	vmax.f32 v5, $0.0e+00;
	v3 =	vadd.f32 v3, v8  }
0x107: {  	[tilespmem:s14+$0x5330] =	vst v5;
	v4 =	vmax.f32 v4, $0.0e+00;
	v2 =	vadd.f32 v2, v7  }
0x108: {  	[tilespmem:s14+$0x5340] =	vst v4;
	v3 =	vmax.f32 v3, $0.0e+00;
	v1 =	vadd.f32 v1, v63  }
0x109: {  	[tilespmem:s14+$0x5350] =	vst v3;
	v2 =	vmax.f32 v2, $0.0e+00  }
0x10a: {  	[tilespmem:s14+$0x5360] =	vst v2;
	v1 =	vmax.f32 v1, $0.0e+00  }
0x10b: {  	[tilespmem:s14+$0x5370] =	vst v1  }
0x10c: {  	v1 =	vld [tilespmem:$0x100]  }
0x10d: {  	v2 =	vld [tilespmem:$0x110]  }
0x10e: {  	v3 =	vld [tilespmem:$0x120]  }
0x10f: {  	v4 =	vld [tilespmem:$0x130]  }
0x110: {  	v5 =	vld [tilespmem:$0x140]  }
0x111: {  	[tilespmem:$0x200] =	vst v1  }
0x112: {  	[tilespmem:$0x210] =	vst v2  }
0x113: {  	[tilespmem:$0x220] =	vst v3  }
0x114: {  	[tilespmem:$0x230] =	vst v4  }
0x115: {  	[tilespmem:$0x240] =	vst v5  }
0x116: {  	[spmem:s2] =	stream.indirect.scatter.add.f32 [tilespmem:s21], [sflag:$0x5], $0x80, s10, s26, $0xb8;
	[tilespmem:$0x1DB80] =	vst v63  }
0x117: {  	_ =	swait.ge [sflag:s12], $0x2800  }
0x118: {  	[sflag:s12] =	ssyncset.done $0x0  }
0x119: {  	[sflag:s12] =	ssyncadd.s32 $0xFFFFD800  }
0x11a: {  	[bflag:$0x0] =	sbarrier.arrive $0xFFFF  }
0x11b: {  	s14 =	rddreg [dreg:$0xc]  }
0x11c: {  	[tilespmem:s21], [sflag:$0x7] =	stream.linear.gather [spmem:s14], $0x2800, $0x38;
	[tilespmem:$0x1DB80] =	vst v63  }
0x11d: {  	_ =	swait.ge [sflag:s22], $0x2800  }
0x11e: {  	s18 =	rddreg [dreg:$0xd]  }
0x11f: {  	[sflag:s22] =	ssyncset.done $0x0;
	s9 =	sshrl.u32 s18, $0x3  }
.Ltmp8:
0x120: {  	[sflag:s22] =	ssyncadd.s32 $0xFFFFD800;
	s9 =	sadd.s32 s8, s9;
	(pc) =	sbr.rel @!p0 .LBB2_16-.Ltmp8, $4  }
0x121: {  	[hbm4b:s9+s3] =	stream.linear.scatter [tilespmem:s21], [sflag:$0x7], $0x2800, $0x38;
	[tilespmem:$0x1DB80] =	vst v63  }
0x122: {  	_ =	swait.ge [sflag:s22], $0x2800  }
0x123: {  	s20 =	rddreg [dreg:$0x4]  }
0x124: {  	[sflag:s22] =	ssyncset.done $0x0;
	s9 =	sadd.s32 $0xFFFFFFFF, s20  }
.LBB2_15:
0x125: {  	[sflag:s22] =	ssyncadd.s32 $0xFFFFD800;
	s14 =	sadd.s32 $0x28000, s14;
	s18 =	sadd.s32 $0x28000, s18  }
0x126: {  	[tilespmem:s21], [sflag:$0x7] =	stream.linear.gather [spmem:s14], $0x2800, $0x38;
	[tilespmem:$0x1DB80] =	vst v63  }
0x127: {  	p0 =	sne.s32 s9, $0x1;
	s9 =	sadd.s32 $0xFFFFFFFF, s9;
	_ =	swait.ge [sflag:s22], $0x2800  }
.Ltmp9:
0x128: {  	s15 =	sshrl.u32 s18, $0x3;
	[sflag:s22] =	ssyncset.done $0x0;
	(pc) =	sbr.rel @p0 .LBB2_15-.Ltmp9, $4  }
0x129: {  	s15 =	sadd.s32 s8, s15;
	[sflag:s22] =	ssyncadd.s32 $0xFFFFD800  }
0x12a: {  	[hbm4b:s15+s3] =	stream.linear.scatter [tilespmem:s21], [sflag:$0x7], $0x2800, $0x38;
	[tilespmem:$0x1DB80] =	vst v63  }
0x12b: {  	_ =	swait.ge [sflag:s22], $0x2800  }
0x12c: {  	[sflag:s22] =	ssyncset.done $0x0  }
.LBB2_16:
0x12d: {  	s14 =	rddreg [dreg:$0xe]  }
0x12e: {  	s9 =	rddreg [dreg:$0xb];
	s14 =	sadd.s32 $0x1, s14  }
0x12f: {  	p0 =	sne.s32 s14, s9  }
.Ltmp10:
0x130: {  	_ = 	snop;
	(pc) =	sbr.rel @p0 .LBB2_1-.Ltmp10, $2  }
0x131: {  	_ =	sdelay $0x2  }
0x132: {  	[sflag:s22] =	ssyncadd.s32 $0xFFFFD800  }
0x133: {  	_ =	sfence.sel $0x180000  }
0x134: {  	[bflag:$0x0] =	sbarrier.arrive $0xFFFF  }
0x135: {  	_ =	strace $0x9000004A  }
0x136: {  	s0 =	stileid.u32;
	[bflag:$0x2] =	sbarrier.arrive $0xFFFF  }
0x137: {  	p0 =	sne.s32 s0, $0x0;
	s0 =	rddreg [dreg:$0x3]  }
0x138: {  	s0 =	sadd.s32 @!p0 $0x100000, s0  }
0x139: {  	[sflag:s0] =	ssyncadd.tile.s32 @!p0 $0x1;
	_ =	shalt  }
.Lfunc_end2:
_tile_overlayer_lowered:
.L_overlay_start_2:
0x13a: {  	(tag) =	ssettag $0x2  }
0x13b: {  	s0 =	rddreg [dreg:$0x0];
	s2 =	stileid.u32  }
0x13c: {  	s1 =	rddreg [dreg:$0x1];
	p0 =	sne.s32 s2, $0x0  }
0x13d: {  	s3 =	rddreg [dreg:$0x2];
	[bflag:$0x3] =	sbarrier.arrive $0xFFFF;
	s2 =	simm.s32 @!p0 $0x1C07  }
0x13e: {  	[timem:s3], [sflag:s2] =	dma.local @!p0 [hbm:s0], s1  }
0x13f: {  	s0 =	simm.s32 @!p0 $0x7  }
0x140: {  	_ =	swait.ge @!p0 [sflag:s0], s1  }
0x141: {  	s1 =	ssub.s32 @!p0 $0x0, s1;
	[sflag:s0] =	ssyncset.done @!p0 $0x0  }
0x142: {  	[sflag:s0] =	ssyncadd.s32 @!p0 s1  }
0x143: {  	[bflag:$0x3] =	sbarrier.arrive $0xFFFF  }
0x144: {  	_ =	shalt  }

// kernel: kernel.7.cloned.1.call-start
scs
__scs_entry_jumppad:
0x0: {  	(pc) =	sbr.rel $0x88, $3  }
0x1: {  	(tag) =	ssettag $0x0;
	lr =	simm.s32 $0x1  }
0x2: {  	[smem:$0x3F99] =	sst lr;
	_ =	strace $0xD0000000  }
0x3: {  	_ = 	snop  }
0x4: {  	_ = 	snop  }
0x5: {  	_ = 	snop  }
0x6: {  	_ = 	snop  }
0x7: {  	_ = 	snop  }
__scs_overlays_trampoline_lowered:
0x8: {  	[smem:$0x3FA8] =	sst s0  }
0x9: {  	[smem:$0x3FA9] =	sst s1  }
0xa: {  	[smem:$0x3FAA] =	sst s2  }
0xb: {  	[smem:$0x3FAB] =	sst s3  }
0xc: {  	[smem:$0x3FAC] =	sst s4  }
0xd: {  	[smem:$0x3FAD] =	sst s5  }
0xe: {  	[smem:$0x3FAE] =	sst s6  }
0xf: {  	[smem:$0x3FAF] =	sst s7  }
0x10: {  	[smem:$0x3FB0] =	sst s8  }
0x11: {  	[smem:$0x3FB1] =	sst s9;
	s0 =	simm.s32 @!p0 $0x0  }
0x12: {  	s1 =	sld [smem:$0x3F97];
	s0 =	simm.s32 @p0 $0x1  }
0x13: {  	[smem:$0x3FB2] =	sst s0;
	s0 =	simm.s32 @!p1 $0x0  }
0x14: {  	s2 =	sld [smem:$0x3F96];
	s0 =	simm.s32 @p1 $0x1  }
0x15: {  	[smem:$0x3FB3] =	sst s0;
	s0 =	simm.s32 @!p2 $0x0  }
0x16: {  	s3 =	sld [smem:$0x3FDB];
	s0 =	simm.s32 @p2 $0x1  }
0x17: {  	s4 =	simm.s32 $0x1BF5;
	[smem:$0x3FB5] =	sst s0  }
0x18: {  	s0 =	sld [smem:$0x3F98];
	_ =	swait.ge [sflag:s4], $0x0  }
0x19: {  	s7 =	sld [smem:$0x3F99]  }
0x1a: {  	s8 =	sadd.s32 $0xFFFFE003, lr  }
0x1b: {  	s9 =	sadd.s32 $0xFFFFFEF7, lr;
	s5 =	simm.s32 $0xFFFFFFFF;
	p2 =	slt.u32 s8, $0xFFFFF086  }
0x1c: {  	p1 =	slt.u32 s9, $0xF7A;
	s5 =	simm.s32 @!p2 $0x0  }
0x1d: {  	s5 =	simm.s32 @p1 $0x1;
	p0 =	seq.s32 s7, s2  }
0x1e: {  	s7 =	smul.u32 @!p0 $0xF7A, s2;
	p2 =	seq.s32 @!p0 s5, $0x0  }
0x1f: {  	s9 =	smul.u32 $0xF7A, s1;
	s8 =	simm.s32 @!p0 $0x1BF5;
	p2 =	por !p2, p0  }
0x20: {  	[sflag:s8] =	ssyncset.s32 @!p0 $0xFFFFF086;
	s6 =	sadd.s32 @!p0 s3, s7;
	s7 =	simm.s32 @!p0 $0x108  }
0x21: {  	s3 =	sadd.s32 s3, s9;
	s6 =	sadd.s32 @!p0 $0x88, s6;
	s7 =	simm.s32 @p2 $0x1082  }
0x22: {  	[simem:s7], [sflag:s8] =	dma.local @!p0 [hbm:s6], $0xF7A  }
0x23: {  	s9 =	sor.u32 $0xD0000000, s2;
	s6 =	simm.s32 $0x108;
	_ =	swait.ge @!p0 [sflag:s8], $0x0  }
0x24: {  	s3 =	sadd.s32 $0x88, s3;
	s6 =	simm.s32 @!p1 $0x1082;
	[sflag:s4] =	ssyncset.s32 $0xFFFFF086  }
0x25: {  	[simem:s6], [sflag:s4] =	dma.local [hbm:s3], $0xF7A  }
0x26: {  	[smem:$0x3F99] =	sst s1;
	(tag) =	ssettag s2;
	_ =	strace s9  }
0x27: {  	s1 =	sld [smem:$0x3FA9]  }
0x28: {  	s2 =	sld [smem:$0x3FAA]  }
0x29: {  	s4 =	sld [smem:$0x3FAC]  }
0x2a: {  	p0 =	seq.s32 s5, $0x0;
	s5 =	sld [smem:$0x3FAD]  }
0x2b: {  	s6 =	sld [smem:$0x3FAE]  }
0x2c: {  	s7 =	sld [smem:$0x3FAF]  }
0x2d: {  	s3 =	simm.s32 $0x108;
	s8 =	sld [smem:$0x3FB0]  }
0x2e: {  	s3 =	simm.s32 @!p0 $0x1082;
	s9 =	sld [smem:$0x3FB1]  }
0x2f: {  	lr =	sadd.s32 s0, s3;
	s0 =	sld [smem:$0x3FA8]  }
0x30: {  	s3 =	sld [smem:$0x3FAB]  }
0x31: {  	[smem:$0x3FB4] =	sst s10  }
0x32: {  	s10 =	sld [smem:$0x3FB2];
	_ =	sdelay $0x3  }
0x33: {  	p0 =	seq.s32 s10, $0x1;
	s10 =	sld [smem:$0x3FB4];
	_ =	sdelay $0x3  }
0x34: {  	[smem:$0x3FB4] =	sst s10  }
0x35: {  	s10 =	sld [smem:$0x3FB3];
	_ =	sdelay $0x3  }
0x36: {  	p1 =	seq.s32 s10, $0x1;
	s10 =	sld [smem:$0x3FB4];
	_ =	sdelay $0x3  }
0x37: {  	[smem:$0x3FB4] =	sst s10  }
0x38: {  	s10 =	sld [smem:$0x3FB5]  }
0x39: {  	_ = 	snop;
	(pc) =	sbr.ind lr, $3  }
0x3a: {  	_ = 	snop  }
0x3b: {  	_ = 	snop  }
0x3c: {  	p2 =	seq.s32 s10, $0x1;
	s10 =	sld [smem:$0x3FB4]  }
0x3d: {  	_ =	shalt  }
0x3e: {  	_ =	shalt  }
0x3f: {  	_ =	shalt  }
0x40: {  	_ =	shalt  }
0x41: {  	_ =	shalt  }
0x42: {  	_ =	shalt  }
0x43: {  	_ =	shalt  }
0x44: {  	_ =	shalt  }
0x45: {  	_ =	shalt  }
0x46: {  	_ =	shalt  }
0x47: {  	_ =	shalt  }
0x48: {  	_ =	shalt  }
0x49: {  	_ =	shalt  }
0x4a: {  	_ =	shalt  }
0x4b: {  	_ =	shalt  }
0x4c: {  	_ =	shalt  }
0x4d: {  	_ =	shalt  }
0x4e: {  	_ =	shalt  }
0x4f: {  	_ =	shalt  }
0x50: {  	_ =	shalt  }
0x51: {  	_ =	shalt  }
0x52: {  	_ =	shalt  }
0x53: {  	_ =	shalt  }
0x54: {  	_ =	shalt  }
0x55: {  	_ =	shalt  }
0x56: {  	_ =	shalt  }
0x57: {  	_ =	shalt  }
0x58: {  	_ =	shalt  }
0x59: {  	_ =	shalt  }
0x5a: {  	_ =	shalt  }
0x5b: {  	_ =	shalt  }
0x5c: {  	_ =	shalt  }
0x5d: {  	_ =	shalt  }
0x5e: {  	_ =	shalt  }
0x5f: {  	_ =	shalt  }
0x60: {  	_ =	shalt  }
0x61: {  	_ =	shalt  }
0x62: {  	_ =	shalt  }
0x63: {  	_ =	shalt  }
0x64: {  	_ =	shalt  }
0x65: {  	_ =	shalt  }
0x66: {  	_ =	shalt  }
0x67: {  	_ =	shalt  }
0x68: {  	_ =	shalt  }
0x69: {  	_ =	shalt  }
0x6a: {  	_ =	shalt  }
0x6b: {  	_ =	shalt  }
0x6c: {  	_ =	shalt  }
0x6d: {  	_ =	shalt  }
0x6e: {  	_ =	shalt  }
0x6f: {  	_ =	shalt  }
0x70: {  	_ =	shalt  }
0x71: {  	_ =	shalt  }
0x72: {  	_ =	shalt  }
0x73: {  	_ =	shalt  }
0x74: {  	_ =	shalt  }
0x75: {  	_ =	shalt  }
0x76: {  	_ =	shalt  }
0x77: {  	_ =	shalt  }
0x78: {  	_ =	shalt  }
0x79: {  	_ =	shalt  }
0x7a: {  	_ =	shalt  }
0x7b: {  	_ =	shalt  }
0x7c: {  	_ =	shalt  }
0x7d: {  	_ =	shalt  }
0x7e: {  	_ =	shalt  }
0x7f: {  	_ =	shalt  }
0x80: {  	_ =	shalt  }
0x81: {  	_ =	shalt  }
0x82: {  	_ =	shalt  }
0x83: {  	_ =	shalt  }
0x84: {  	_ =	shalt  }
0x85: {  	_ =	shalt  }
0x86: {  	_ =	shalt  }
0x87: {  	_ =	shalt  }
.Lfunc_end0:
.L_simem_size_0:
called_computation_lowered:
.L_overlay_start_0:
0x88: {  	s2 =	sld [smem:$0x3FD9]  }
0x89: {  	s3 =	sld [smem:$0x3FFE];
	_ =	sdelay $0x1  }
0x8a: {  	s1 =	srdreg.scid  }
0x8b: {  	s0 =	sand.u32 $0x1, s1  }
0x8c: {  	s17 =	sshll.u32 s0, $0xA;
	s2 =	sadd.s32 s3, s2  }
0x8d: {  	s2 =	sadd.s32 s2, s17  }
0x8e: {  	[smem:$0x3FC0] =	sst s2  }
0x8f: {  	_ = 	snop  }
0x90: {  	s2 =	sld [smem:$0x3FC9];
	(tm) =	ssettm $0x1  }
0x91: {  	s18 =	sld [smem:$0x3FFB];
	_ =	sdelay $0x3  }
0x92: {  	_ =	strace s18  }
0x93: {  	s3 =	sld [smem:$0x3FFC];
	_ =	sdelay $0x3  }
0x94: {  	_ =	strace s3  }
0x95: {  	s3 =	sld [smem:$0x3FFD];
	_ =	sdelay $0x3  }
0x96: {  	_ =	strace s3  }
0x97: {  	_ =	strace $0x8FFFFFFF  }
0x98: {  	s19 =	sld [smem:$0x3FDB];
	_ =	sdelay $0x1  }
0x99: {  	s4 =	simm.s32 $_scs_section_size  }
0x9a: {  	s5 =	simm.s32 $_size__tile_overlayer_lowered;
	s6 =	simm.s32 $_tile_overlayer_lowered  }
0x9b: {  	s22 =	simm.s32 $0x1BFF;
	s21 =	sshll.u32 s6, $0x1;
	s3 =	sadd.s32 s4, s19  }
0x9c: {  	s7 =	simm.s32 $0x0;
	s20 =	sshll.u32 s5, $0x1;
	s5 =	sadd.s32 s21, s3  }
0x9d: {  	[timem:s7], [sflag:s22] =	dma.local [hbm:s5], s20  }
0x9e: {  	_ =	swait.ge [sflag:s22], s20  }
0x9f: {  	s4 =	ssub.s32 $0x0, s20;
	[sflag:s22] =	ssyncset.done $0x0  }
0xa0: {  	[sflag:s22] =	ssyncadd.s32 s4;
	_ =	sdelay $0x1  }
0xa1: {  	s23 =	simm.s32 $0x1B8B  }
0xa2: {  	_ =	swait.ge [sflag:s23], $0x1  }
0xa3: {  	[sflag:s23] =	ssyncset.done $0x0  }
0xa4: {  	s25 =	simm.s32 $0x1B8E;
	s24 =	sld [smem:$0x3FFE];
	[sflag:s23] =	ssyncadd.s32 $0xFFFFFFFF  }
0xa5: {  	s26 =	simm.s32 $execute0_lowered;
	[smem:$0x3FD2] =	sst s25  }
0xa6: {  	s5 =	sshll.u32 s26, $0x1;
	_ =	strace $0x80000046;
	[dreg:$0x1] =	wrdreg $0xFFFFFFFF  }
0xa7: {  	s28 =	simm.s32 $_size_execute0_lowered;
	s3 =	sadd.s32 s3, s5;
	[dreg:$0x0] =	wrdreg $0x0  }
0xa8: {  	s5 =	sshll.u32 s28, $0x1;
	[dreg:$0x2] =	wrdreg s3  }
0xa9: {  	[dreg:$0x3] =	wrdreg s5  }
0xaa: {  	[dreg:$0x4] =	wrdreg $0xC0  }
0xab: {  	_ =	task [dreg:s7], $0x5FFFF  }
0xac: {  	[dreg:$0x1] =	wrdreg $0xFFFFFFFF  }
0xad: {  	[dreg:$0x0] =	wrdreg $0x60  }
0xae: {  	[dreg:$0x2] =	wrdreg s2  }
0xaf: {  	[dreg:$0x3] =	wrdreg s24  }
0xb0: {  	[dreg:$0x4] =	wrdreg $0xA3000  }
0xb1: {  	[dreg:$0x5] =	wrdreg $0x9  }
0xb2: {  	_ =	task.clear_ibuf [dreg:s7], $0x6FFFF;
	_ =	strace $0x90000046  }
0xb3: {  	s29 =	simm.s32 $0x9;
	_ =	strace $0x80000048  }
0xb4: {  	_ =	swait.ge [sflag:s29], $0x1  }
0xb5: {  	[sflag:s29] =	ssyncadd.s32 $0xFFFFFFFF  }
0xb6: {  	_ =	strace $0x90000048  }
0xb7: {  	_ =	sfence  }
0xb8: {  	s30 =	sld [smem:$0x0];
	_ =	sdelay $0x2  }
0xb9: {  	s31 =	sshll.u32 s1, $0xD;
	s1 =	sshrl.u32 s1, $0x2  }
0xba: {  	s3 =	sand.u32 $0x4000, s31;
	s1 =	sadd.s32 s1, s30  }
0xbb: {  	s0 =	sor.u32 s3, s0;
	s1 =	sshll.u32 s1, $0x11  }
0xbc: {  	s0 =	sor.u32 s1, s0  }
0xbd: {  	s0 =	sadd.s32 $0x8F2B, s0  }
0xbe: {  	[sflag:s0] =	ssyncadd.remote.s32 $0x1  }
0xbf: {  	_ =	sfence.sel $0xFFFF  }
0xc0: {  	[dreg:$0x0] =	wrdreg $0xFFFFFFFF;
	(pc) =	sbr.abs _section_cstart, $3  }
0xc1: {  	[dreg:$0x1] =	wrdreg $0xFFFFFFFF  }
0xc2: {  	_ =	task.clear_ibuf [dreg:s7], $0x2FFFF;
	_ =	strace $0x9FFFFFFF  }
0xc3: {  	(tm) =	ssettm $0x7FFFFFFF  }
tec
execute0_lowered:
.L_overlay_start_1:
0x0: {  	(tag) =	ssettag $0x1  }
0x1: {  	s1 =	rddreg [dreg:$0x0]  }
0x2: {  	s0 =	rddreg [dreg:$0x1]  }
0x3: {  	s2 =	rddreg [dreg:$0x2]  }
0x4: {  	s3 =	simm.s32 $0x0;
	s4 =	srdreg.scid;
	s13 =	stileid.u32  }
0x5: {  	s28 =	simm.s32 $0x80;
	s29 =	simm.s32 $0x180;
	s30 =	simm.s32 $0x2B00  }
0x6: {  	s31 =	simm.s32 $0x3;
	s14 =	simm.s32 $0x0;
	[smem:$0x7FF] =	sst s3  }
0x7: {  	s5 =	sadd.s32 $0xAE00, s0;
	s4 =	sand.u32 $0x1, s4;
	s6 =	sadd.s32 $0x1000, s0  }
0x8: {  	s7 =	sadd.s32 $0x4F6C00, s0;
	p0 =	slt.u32 s13, $0xD;
	s22 =	smul.u32 $0xA000, s13  }
0x9: {  	s23 =	smul.u32 $0x2800, s13;
	_ =	strace $0x80000047;
	s8 =	sshll.u32 s4, $0x4  }
0xa: {  	s9 =	ssub.s32 $0x2, s4;
	s4 =	smul.u32 $0x138800, s4;
	s10 =	sor.u32 s13, s8  }
0xb: {  	s8 =	sadd.s32 $0x14C00, s0;
	s17 =	sshrl.u32 s9, $0x1;
	s24 =	sshrl.u32 s22, $0x2  }
0xc: {  	s22 =	simm.s32 $0x7;
	s13 =	simm.s32 $0x280;
	s11 =	smul.u32 $0x2710, s10  }
0xd: {  	s0 =	ssub.s32 s9, s17;
	s9 =	simm.s32 $0x8;
	s10 =	smul.u32 $0x27100, s10  }
0xe: {  	s25 =	sadd.s32 s24, s2;
	s26 =	sadd.s32 s23, s4;
	s23 =	simm.s32 $0x100  }
0xf: {  	s24 =	simm.s32 $0x300;
	s4 =	simm.s32 $0x7B00;
	[dreg:$0xc] =	wrdreg s25  }
0x10: {  	s9 =	simm.s32 @!p0 $0x7;
	s0 =	smax.u32 s0, $0x1;
	[dreg:$0xd] =	wrdreg s26  }
0x11: {  	s25 =	simm.s32 $0x1;
	s26 =	simm.s32 $0x50;
	[dreg:$0x4] =	wrdreg s9  }
0x12: {  	s18 =	sshrl.u32 s11, $0x3;
	s19 =	sadd.s32 $0x50, s11;
	s10 =	sadd.s32 s7, s10  }
0x13: {  	s16 =	sadd.s32 $0xA0, s11;
	s17 =	sadd.s32 $0xF0, s11;
	[dreg:$0xb] =	wrdreg s0  }
0x14: {  	s0 =	simm.s32 $0x2;
	s12 =	sadd.s32 s5, s18;
	[dreg:$0x7] =	wrdreg s10  }
0x15: {  	s9 =	sadd.s32 s6, s18;
	s20 =	sshrl.u32 s19, $0x3;
	[dreg:$0x5] =	wrdreg s12  }
0x16: {  	s11 =	simm.s32 $0x4;
	[dreg:$0x6] =	wrdreg s9;
	s21 =	sadd.s32 s5, s20  }
0x17: {  	s9 =	sshll.u32 s19, $0x4;
	s10 =	sadd.s32 s6, s20;
	[dreg:$0x8] =	wrdreg s21  }
0x18: {  	s12 =	simm.s32 $0x5;
	[dreg:$0x9] =	wrdreg s10;
	s9 =	sadd.s32 s7, s9  }
0x19: {  	v0 =	vimm.f32 $0.0e+00;
	s21 =	simm.s32 $0x5300;
	s10 =	simm.s32 $0x200;
	[dreg:$0xa] =	wrdreg s9  }
.LBB2_1:
0x1a: {  	s9 =	sand.u32 $0xFE00, s3  }
0x1b: {  	[dreg:$0xe] =	wrdreg s14;
	s20 =	sand.u32 $0x70, s3;
	s18 =	sshrl.u32 s9, $0x2  }
0x1c: {  	s14 =	simm.s32 $0x0;
	s9 =	simm.s32 $0x40;
	s18 =	sor.u32 s20, s18  }
.LBB2_2:
0x1d: {  	p0 =	sne.s32 s9, $0x9FC0  }
0x1e: {  	[tilespmem:s18+$0x5300] =	vst v0;
	s14 =	sadd.s32 $0x10, s14;
	s18 =	smov.u32 s9;
	s9 =	sadd.s32 $0x40, s9  }
.Ltmp0:
0x1f: {  	(pc) =	sbr.rel @p0 .LBB2_2-.Ltmp0, $4  }
0x20: {  	_ = 	snop  }
0x21: {  	s18 =	sand.u32 $0xFE00, s18  }
0x22: {  	s20 =	sand.u32 $0x70, s14;
	s18 =	sshrl.u32 s18, $0x2  }
0x23: {  	s18 =	sor.u32 s20, s18  }
0x24: {  	s9 =	rddreg [dreg:$0x4]  }
0x25: {  	p0 =	sne.s32 s9, $0x1  }
.Ltmp1:
0x26: {  	_ = 	snop;
	(pc) =	sbr.rel @!p0 .LBB2_5-.Ltmp1, $4  }
0x27: {  	[tilespmem:s18+$0x5300] =	vst v0;
	s14 =	rddreg [dreg:$0xc]  }
0x28: {  	[spmem:s14] =	stream.linear.scatter [tilespmem:s21], [sflag:$0x7], $0x2800, $0x38;
	[tilespmem:$0x1DB80] =	vst v63  }
0x29: {  	_ =	swait.ge [sflag:s22], $0x2800  }
0x2a: {  	s9 =	sadd.s32 $0xFFFFFFFF, s9;
	[sflag:s22] =	ssyncset.done $0x0  }
.LBB2_4:
0x2b: {  	p1 =	sne.s32 s9, $0x1;
	[sflag:s22] =	ssyncadd.s32 $0xFFFFD800;
	s14 =	sadd.s32 $0x28000, s14  }
.Ltmp2:
0x2c: {  	s9 =	sadd.s32 $0xFFFFFFFF, s9;
	(pc) =	sbr.rel @p1 .LBB2_4-.Ltmp2, $4  }
0x2d: {  	_ = 	snop  }
0x2e: {  	[spmem:s14] =	stream.linear.scatter [tilespmem:s21], [sflag:$0x7], $0x2800, $0x38;
	[tilespmem:$0x1DB80] =	vst v63  }
0x2f: {  	_ =	swait.ge [sflag:s22], $0x2800  }
0x30: {  	[sflag:s22] =	ssyncset.done $0x0  }
.LBB2_5:
0x31: {  	[sflag:s22] =	ssyncadd.s32 $0xFFFFD800  }
0x32: {  	[bflag:$0x0] =	sbarrier.arrive $0xFFFF  }
0x33: {  	s18 =	simm.s32 $0x0;
	s9 =	rddreg [dreg:$0x5]  }
0x34: {  	[tilespmem:s18], [sflag:$0x1] =	stream.linear.gather [hbm4b:s9+s18], $0x50, $0x38;
	[tilespmem:$0x1DB80] =	vst v63  }
0x35: {  	s20 =	rddreg [dreg:$0x6]  }
0x36: {  	[tilespmem:s23], [sflag:$0x1] =	stream.linear.gather [hbm4b:s20+s18], $0x50, $0x38;
	[tilespmem:$0x1DB80] =	vst v63  }
0x37: {  	s14 =	rddreg [dreg:$0x7]  }
0x38: {  	[tilespmem:s24], [sflag:$0x1] =	stream.linear.gather [hbm4b:s14+s18], $0x2800, $0x38;
	[tilespmem:$0x1DB80] =	vst v63  }
0x39: {  	_ =	swait.ge [sflag:s25], $0x50  }
0x3a: {  	[sflag:s25] =	ssyncset.done $0x0  }
0x3b: {  	[sflag:s25] =	ssyncadd.s32 $0xFFFFFFB0  }
0x3c: {  	_ =	swait.ge [sflag:s25], $0x50  }
0x3d: {  	[sflag:s25] =	ssyncset.done $0x0  }
0x3e: {  	[sflag:s25] =	ssyncadd.s32 $0xFFFFFFB0  }
0x3f: {  	_ =	swait.ge [sflag:s25], $0x2800  }
0x40: {  	[sflag:s25] =	ssyncset.done $0x0  }
0x41: {  	[sflag:s25] =	ssyncadd.s32 $0xFFFFD800  }
0x42: {  	[tilespmem:s21], [sflag:$0x3] =	stream.indirect.gather [hbm4b:s1+s26], $0x80, s18, s26, $0xb8;
	[tilespmem:$0x1DB80] =	vst v63  }
0x43: {  	s15 =	rddreg [dreg:$0x8]  }
0x44: {  	[tilespmem:s28], [sflag:$0x2] =	stream.linear.gather [hbm4b:s15+s18], $0x50, $0x38;
	[tilespmem:$0x1DB80] =	vst v63  }
0x45: {  	s19 =	rddreg [dreg:$0x9]  }
0x46: {  	[tilespmem:s29], [sflag:$0x2] =	stream.linear.gather [hbm4b:s19+s18], $0x50, $0x38;
	[tilespmem:$0x1DB80] =	vst v63  }
0x47: {  	s20 =	rddreg [dreg:$0xa]  }
0x48: {  	[tilespmem:s30], [sflag:$0x2] =	stream.linear.gather [hbm4b:s20+s18], $0x2800, $0x38;
	[tilespmem:$0x1DB80] =	vst v63  }
.LBB2_6:
0x49: {  	_ =	swait.ge [sflag:s31], $0x2800  }
0x4a: {  	p1 =	seq.s32 s18, $0x0;
	[sflag:s31] =	ssyncset.done $0x0  }
0x4b: {  	s9 =	simm.s32 @!p1 $0x6;
	[sflag:s31] =	ssyncadd.s32 $0xFFFFD800  }
0x4c: {  	_ =	swait.ge @!p1 [sflag:s9], $0x2800  }
0x4d: {  	[sflag:s9] =	ssyncset.done @!p1 $0x0  }
0x4e: {  	[sflag:s9] =	ssyncadd.s32 @!p1 $0xFFFFD800  }
0x4f: {  	_ =	swait.ge [sflag:s0], $0x50  }
0x50: {  	[sflag:s0] =	ssyncset.done $0x0  }
0x51: {  	[sflag:s0] =	ssyncadd.s32 $0xFFFFFFB0  }
0x52: {  	_ =	swait.ge [sflag:s0], $0x50  }
0x53: {  	[sflag:s0] =	ssyncset.done $0x0  }
0x54: {  	[sflag:s0] =	ssyncadd.s32 $0xFFFFFFB0  }
0x55: {  	_ =	swait.ge [sflag:s0], $0x2800  }
0x56: {  	[sflag:s0] =	ssyncset.done $0x0  }
0x57: {  	s14 =	simm.s32 $0x0;
	[sflag:s0] =	ssyncadd.s32 $0xFFFFD800  }
0x58: {  	[tilespmem:s4], [sflag:$0x4] =	stream.indirect.gather [hbm4b:s1+s26], $0x80, s28, s26, $0xb8;
	[tilespmem:$0x1DB80] =	vst v63  }
0x59: {  	v7 =	vld [tilespmem:s14+$0x300]  }
0x5a: {  	v12 =	vld [tilespmem:s14+$0x310]  }
0x5b: {  	v6 =	vld [tilespmem:s14+$0x320]  }
0x5c: {  	v5 =	vld [tilespmem:s14+$0x330]  }
0x5d: {  	v4 =	vld [tilespmem:s14+$0x340]  }
0x5e: {  	v3 =	vld [tilespmem:s14+$0x350]  }
0x5f: {  	v2 =	vld [tilespmem:s14+$0x360]  }
0x60: {  	v1 =	vld [tilespmem:s14+$0x370]  }
0x61: {  	v13 =	vld [tilespmem:s14+$0x5300]  }
0x62: {  	v14 =	vld [tilespmem:s14+$0x5310]  }
0x63: {  	v11 =	vld [tilespmem:s14+$0x5320]  }
0x64: {  	v10 =	vld [tilespmem:s14+$0x5330]  }
0x65: {  	v9 =	vld [tilespmem:s14+$0x5340]  }
0x66: {  	v8 =	vld [tilespmem:s14+$0x5350];
	v13 =	vadd.f32 v7, v13  }
0x67: {  	s20 =	simm.s32 $0x200;
	v12 =	vadd.f32 v12, v14;
	v7 =	vld [tilespmem:s14+$0x5360]  }
.LBB2_7:
0x68: {  	s9 =	sshra.s32 s20, $0x2;
	p1 =	sne.s32 s20, $0x9E00;
	v13 =	vmax.f32 v13, $0.0e+00;
	v6 =	vadd.f32 v6, v11;
	v11 =	vld [tilespmem:s14+$0x5370]  }
0x69: {  	v14 =	vld [tilespmem:s9+$0x300];
	[tilespmem:s14+$0x5300] =	vst v13;
	v12 =	vmax.f32 v12, $0.0e+00;
	v5 =	vadd.f32 v5, v10  }
0x6a: {  	v15 =	vld [tilespmem:s9+$0x310];
	[tilespmem:s14+$0x5310] =	vst v12;
	v10 =	vmax.f32 v6, $0.0e+00;
	v4 =	vadd.f32 v4, v9  }
0x6b: {  	v6 =	vld [tilespmem:s9+$0x320];
	[tilespmem:s14+$0x5320] =	vst v10;
	v9 =	vmax.f32 v5, $0.0e+00;
	v3 =	vadd.f32 v3, v8  }
0x6c: {  	v5 =	vld [tilespmem:s9+$0x330];
	[tilespmem:s14+$0x5330] =	vst v9;
	v8 =	vmax.f32 v4, $0.0e+00;
	v2 =	vadd.f32 v2, v7  }
0x6d: {  	v4 =	vld [tilespmem:s9+$0x340];
	[tilespmem:s14+$0x5340] =	vst v8;
	v7 =	vmax.f32 v3, $0.0e+00;
	v1 =	vadd.f32 v1, v11  }
0x6e: {  	v3 =	vld [tilespmem:s9+$0x350];
	[tilespmem:s14+$0x5350] =	vst v7;
	v7 =	vmax.f32 v2, $0.0e+00  }
0x6f: {  	v2 =	vld [tilespmem:s9+$0x360];
	[tilespmem:s14+$0x5360] =	vst v7;
	v7 =	vmax.f32 v1, $0.0e+00  }
0x70: {  	v1 =	vld [tilespmem:s9+$0x370];
	[tilespmem:s14+$0x5370] =	vst v7;
	s14 =	smov.u32 s9  }
0x71: {  	v7 =	vld [tilespmem:s14+$0x5300]  }
0x72: {  	v12 =	vld [tilespmem:s14+$0x5310]  }
.Ltmp3:
0x73: {  	v11 =	vld [tilespmem:s14+$0x5320];
	(pc) =	sbr.rel @p1 .LBB2_7-.Ltmp3, $4  }
0x74: {  	v10 =	vld [tilespmem:s14+$0x5330]  }
0x75: {  	v9 =	vld [tilespmem:s14+$0x5340]  }
0x76: {  	v13 =	vadd.f32 v14, v7;
	v8 =	vld [tilespmem:s14+$0x5350]  }
0x77: {  	s20 =	sadd.s32 $0x200, s20;
	v12 =	vadd.f32 v15, v12;
	v7 =	vld [tilespmem:s14+$0x5360]  }
0x78: {  	v13 =	vmax.f32 v13, $0.0e+00;
	v6 =	vadd.f32 v6, v11;
	v11 =	vld [tilespmem:s14+$0x5370]  }
0x79: {  	[tilespmem:s14+$0x5300] =	vst v13;
	v12 =	vmax.f32 v12, $0.0e+00;
	v5 =	vadd.f32 v5, v10  }
0x7a: {  	[tilespmem:s14+$0x5310] =	vst v12;
	v6 =	vmax.f32 v6, $0.0e+00;
	v4 =	vadd.f32 v4, v9  }
0x7b: {  	[tilespmem:s14+$0x5320] =	vst v6;
	v5 =	vmax.f32 v5, $0.0e+00;
	v3 =	vadd.f32 v3, v8  }
0x7c: {  	[tilespmem:s14+$0x5330] =	vst v5;
	v4 =	vmax.f32 v4, $0.0e+00;
	v2 =	vadd.f32 v2, v7  }
0x7d: {  	[tilespmem:s14+$0x5340] =	vst v4;
	v3 =	vmax.f32 v3, $0.0e+00;
	v1 =	vadd.f32 v1, v11  }
0x7e: {  	[tilespmem:s14+$0x5350] =	vst v3;
	v2 =	vmax.f32 v2, $0.0e+00  }
0x7f: {  	[tilespmem:s14+$0x5360] =	vst v2;
	v1 =	vmax.f32 v1, $0.0e+00  }
0x80: {  	[tilespmem:s14+$0x5370] =	vst v1  }
0x81: {  	v1 =	vld [tilespmem:$0x100]  }
0x82: {  	v2 =	vld [tilespmem:$0x110]  }
0x83: {  	v3 =	vld [tilespmem:$0x120]  }
0x84: {  	v4 =	vld [tilespmem:$0x130]  }
0x85: {  	v5 =	vld [tilespmem:$0x140]  }
0x86: {  	[tilespmem:$0x200] =	vst v1  }
0x87: {  	s14 =	smul.u32 $0xA0, s18;
	[tilespmem:$0x210] =	vst v2  }
0x88: {  	[tilespmem:$0x220] =	vst v3  }
0x89: {  	s9 =	sadd.s32 s14, s16;
	[tilespmem:$0x230] =	vst v4  }
0x8a: {  	s20 =	sshrl.u32 s9, $0x3;
	[tilespmem:$0x240] =	vst v5  }
0x8b: {  	[spmem:s2] =	stream.indirect.scatter.add.f32 [tilespmem:s21], [sflag:$0x5], $0x80, s10, s26, $0xb8;
	[tilespmem:$0x1DB80] =	vst v63  }
0x8c: {  	s15 =	simm.s32 $0x0;
	s19 =	sadd.s32 s5, s20  }
0x8d: {  	[tilespmem:s15], [sflag:$0x1] =	stream.linear.gather [hbm4b:s19+s15], $0x50, $0x38;
	[tilespmem:$0x1DB80] =	vst v63  }
0x8e: {  	s9 =	sshll.u32 s9, $0x4;
	s20 =	sadd.s32 s6, s20  }
0x8f: {  	[tilespmem:s23], [sflag:$0x1] =	stream.linear.gather [hbm4b:s20+s15], $0x50, $0x38;
	[tilespmem:$0x1DB80] =	vst v63  }
0x90: {  	s9 =	sadd.s32 s7, s9  }
0x91: {  	[tilespmem:s24], [sflag:$0x1] =	stream.linear.gather [hbm4b:s9+s15], $0x2800, $0x38;
	[tilespmem:$0x1DB80] =	vst v63  }
0x92: {  	_ =	swait.ge [sflag:s11], $0x2800  }
0x93: {  	[sflag:s11] =	ssyncset.done $0x0  }
0x94: {  	[sflag:s11] =	ssyncadd.s32 $0xFFFFD800  }
0x95: {  	_ =	swait.ge [sflag:s12], $0x2800  }
0x96: {  	[sflag:s12] =	ssyncset.done $0x0  }
0x97: {  	[sflag:s12] =	ssyncadd.s32 $0xFFFFD800  }
0x98: {  	_ =	swait.ge [sflag:s25], $0x50  }
0x99: {  	[sflag:s25] =	ssyncset.done $0x0  }
0x9a: {  	[sflag:s25] =	ssyncadd.s32 $0xFFFFFFB0  }
0x9b: {  	_ =	swait.ge [sflag:s25], $0x50  }
0x9c: {  	[sflag:s25] =	ssyncset.done $0x0  }
0x9d: {  	[sflag:s25] =	ssyncadd.s32 $0xFFFFFFB0  }
0x9e: {  	_ =	swait.ge [sflag:s25], $0x2800  }
0x9f: {  	[sflag:s25] =	ssyncset.done $0x0  }
0xa0: {  	s20 =	simm.s32 $0x0;
	[sflag:s25] =	ssyncadd.s32 $0xFFFFD800  }
0xa1: {  	[tilespmem:s21], [sflag:$0x3] =	stream.indirect.gather [hbm4b:s1+s26], $0x80, s15, s26, $0xb8;
	[tilespmem:$0x1DB80] =	vst v63  }
0xa2: {  	v7 =	vld [tilespmem:s20+$0x2B00]  }
0xa3: {  	v12 =	vld [tilespmem:s20+$0x2B10]  }
0xa4: {  	v6 =	vld [tilespmem:s20+$0x2B20]  }
0xa5: {  	v5 =	vld [tilespmem:s20+$0x2B30]  }
0xa6: {  	v4 =	vld [tilespmem:s20+$0x2B40]  }
0xa7: {  	v3 =	vld [tilespmem:s20+$0x2B50]  }
0xa8: {  	v2 =	vld [tilespmem:s20+$0x2B60]  }
0xa9: {  	v1 =	vld [tilespmem:s20+$0x2B70]  }
0xaa: {  	v13 =	vld [tilespmem:s20+$0x7B00]  }
0xab: {  	v14 =	vld [tilespmem:s20+$0x7B10]  }
0xac: {  	v11 =	vld [tilespmem:s20+$0x7B20]  }
0xad: {  	v10 =	vld [tilespmem:s20+$0x7B30]  }
0xae: {  	v9 =	vld [tilespmem:s20+$0x7B40]  }
0xaf: {  	v8 =	vld [tilespmem:s20+$0x7B50];
	v13 =	vadd.f32 v7, v13  }
0xb0: {  	s9 =	simm.s32 $0x200;
	v12 =	vadd.f32 v12, v14;
	v7 =	vld [tilespmem:s20+$0x7B60]  }
.LBB2_9:
0xb1: {  	s15 =	sshra.s32 s9, $0x2;
	p1 =	sne.s32 s9, $0x9E00;
	v13 =	vmax.f32 v13, $0.0e+00;
	v6 =	vadd.f32 v6, v11;
	v11 =	vld [tilespmem:s20+$0x7B70]  }
0xb2: {  	v14 =	vld [tilespmem:s15+$0x2B00];
	[tilespmem:s20+$0x7B00] =	vst v13;
	v12 =	vmax.f32 v12, $0.0e+00;
	v5 =	vadd.f32 v5, v10  }
0xb3: {  	v15 =	vld [tilespmem:s15+$0x2B10];
	[tilespmem:s20+$0x7B10] =	vst v12;
	v10 =	vmax.f32 v6, $0.0e+00;
	v4 =	vadd.f32 v4, v9  }
0xb4: {  	v6 =	vld [tilespmem:s15+$0x2B20];
	[tilespmem:s20+$0x7B20] =	vst v10;
	v9 =	vmax.f32 v5, $0.0e+00;
	v3 =	vadd.f32 v3, v8  }
0xb5: {  	v5 =	vld [tilespmem:s15+$0x2B30];
	[tilespmem:s20+$0x7B30] =	vst v9;
	v8 =	vmax.f32 v4, $0.0e+00;
	v2 =	vadd.f32 v2, v7  }
0xb6: {  	v4 =	vld [tilespmem:s15+$0x2B40];
	[tilespmem:s20+$0x7B40] =	vst v8;
	v7 =	vmax.f32 v3, $0.0e+00;
	v1 =	vadd.f32 v1, v11  }
0xb7: {  	v3 =	vld [tilespmem:s15+$0x2B50];
	[tilespmem:s20+$0x7B50] =	vst v7;
	v7 =	vmax.f32 v2, $0.0e+00  }
0xb8: {  	v2 =	vld [tilespmem:s15+$0x2B60];
	[tilespmem:s20+$0x7B60] =	vst v7;
	v7 =	vmax.f32 v1, $0.0e+00  }
0xb9: {  	v1 =	vld [tilespmem:s15+$0x2B70];
	[tilespmem:s20+$0x7B70] =	vst v7;
	s20 =	smov.u32 s15  }
0xba: {  	v7 =	vld [tilespmem:s20+$0x7B00]  }
0xbb: {  	v12 =	vld [tilespmem:s20+$0x7B10]  }
.Ltmp4:
0xbc: {  	v11 =	vld [tilespmem:s20+$0x7B20];
	(pc) =	sbr.rel @p1 .LBB2_9-.Ltmp4, $4  }
0xbd: {  	v10 =	vld [tilespmem:s20+$0x7B30]  }
0xbe: {  	v9 =	vld [tilespmem:s20+$0x7B40]  }
0xbf: {  	v13 =	vadd.f32 v14, v7;
	v8 =	vld [tilespmem:s20+$0x7B50]  }
0xc0: {  	s9 =	sadd.s32 $0x200, s9;
	v12 =	vadd.f32 v15, v12;
	v7 =	vld [tilespmem:s20+$0x7B60]  }
0xc1: {  	v13 =	vmax.f32 v13, $0.0e+00;
	v6 =	vadd.f32 v6, v11;
	v63 =	vld [tilespmem:s20+$0x7B70]  }
0xc2: {  	[tilespmem:s20+$0x7B00] =	vst v13;
	v12 =	vmax.f32 v12, $0.0e+00;
	v5 =	vadd.f32 v5, v10  }
0xc3: {  	[tilespmem:s20+$0x7B10] =	vst v12;
	v6 =	vmax.f32 v6, $0.0e+00;
	v4 =	vadd.f32 v4, v9  }
0xc4: {  	[tilespmem:s20+$0x7B20] =	vst v6;
	v5 =	vmax.f32 v5, $0.0e+00;
	v3 =	vadd.f32 v3, v8  }
0xc5: {  	[tilespmem:s20+$0x7B30] =	vst v5;
	v4 =	vmax.f32 v4, $0.0e+00;
	v2 =	vadd.f32 v2, v7  }
0xc6: {  	[tilespmem:s20+$0x7B40] =	vst v4;
	v3 =	vmax.f32 v3, $0.0e+00;
	v1 =	vadd.f32 v1, v63  }
0xc7: {  	[tilespmem:s20+$0x7B50] =	vst v3;
	v2 =	vmax.f32 v2, $0.0e+00  }
0xc8: {  	[tilespmem:s20+$0x7B60] =	vst v2;
	v1 =	vmax.f32 v1, $0.0e+00  }
0xc9: {  	[tilespmem:s20+$0x7B70] =	vst v1  }
0xca: {  	v1 =	vld [tilespmem:$0x180]  }
0xcb: {  	v2 =	vld [tilespmem:$0x190]  }
0xcc: {  	v3 =	vld [tilespmem:$0x1A0]  }
0xcd: {  	v4 =	vld [tilespmem:$0x1B0]  }
0xce: {  	v5 =	vld [tilespmem:$0x1C0]  }
0xcf: {  	p1 =	seq.s32 s18, $0x3D;
	[tilespmem:$0x280] =	vst v1  }
.Ltmp5:
0xd0: {  	[tilespmem:$0x290] =	vst v2;
	(pc) =	sbr.rel @p1 .LBB2_12-.Ltmp5, $4  }
0xd1: {  	[tilespmem:$0x2A0] =	vst v3  }
0xd2: {  	[tilespmem:$0x2B0] =	vst v4  }
0xd3: {  	[tilespmem:$0x2C0] =	vst v5  }
0xd4: {  	[spmem:s2] =	stream.indirect.scatter.add.f32 [tilespmem:s4], [sflag:$0x6], $0x80, s13, s26, $0xb8;
	[tilespmem:$0x1DB80] =	vst v63  }
0xd5: {  	s9 =	sadd.s32 s14, s17  }
0xd6: {  	s14 =	sshrl.u32 s9, $0x3  }
0xd7: {  	s15 =	sadd.s32 s5, s14  }
0xd8: {  	[tilespmem:s28], [sflag:$0x2] =	stream.linear.gather [hbm4b:s15+s3], $0x50, $0x38;
	[tilespmem:$0x1DB80] =	vst v63  }
.Ltmp6:
0xd9: {  	_ = 	snop;
	(pc) =	sbr.rel .LBB2_6-.Ltmp6, $4  }
0xda: {  	s9 =	sshll.u32 s9, $0x4;
	s14 =	sadd.s32 s6, s14  }
0xdb: {  	[tilespmem:s29], [sflag:$0x2] =	stream.linear.gather [hbm4b:s14+s3], $0x50, $0x38;
	[tilespmem:$0x1DB80] =	vst v63  }
0xdc: {  	s18 =	sadd.s32 $0x1, s18;
	s9 =	sadd.s32 s7, s9  }
0xdd: {  	[tilespmem:s30], [sflag:$0x2] =	stream.linear.gather [hbm4b:s9+s3], $0x2800, $0x38;
	[tilespmem:$0x1DB80] =	vst v63  }
.LBB2_12:
0xde: {  	_ =	swait.ge [sflag:s31], $0x2800  }
0xdf: {  	[sflag:s31] =	ssyncset.done $0x0  }
0xe0: {  	s9 =	simm.s32 $0x6;
	[sflag:s31] =	ssyncadd.s32 $0xFFFFD800  }
0xe1: {  	_ =	swait.ge [sflag:s9], $0x2800  }
0xe2: {  	[sflag:s9] =	ssyncset.done $0x0  }
0xe3: {  	s14 =	simm.s32 $0x0;
	[sflag:s9] =	ssyncadd.s32 $0xFFFFD800  }
0xe4: {  	v7 =	vld [tilespmem:s14+$0x300]  }
0xe5: {  	v12 =	vld [tilespmem:s14+$0x310]  }
0xe6: {  	v6 =	vld [tilespmem:s14+$0x320]  }
0xe7: {  	v5 =	vld [tilespmem:s14+$0x330]  }
0xe8: {  	v4 =	vld [tilespmem:s14+$0x340]  }
0xe9: {  	v3 =	vld [tilespmem:s14+$0x350]  }
0xea: {  	v2 =	vld [tilespmem:s14+$0x360]  }
0xeb: {  	v1 =	vld [tilespmem:s14+$0x370]  }
0xec: {  	v13 =	vld [tilespmem:s14+$0x5300]  }
0xed: {  	v14 =	vld [tilespmem:s14+$0x5310]  }
0xee: {  	v11 =	vld [tilespmem:s14+$0x5320]  }
0xef: {  	v10 =	vld [tilespmem:s14+$0x5330]  }
0xf0: {  	v9 =	vld [tilespmem:s14+$0x5340]  }
0xf1: {  	v8 =	vld [tilespmem:s14+$0x5350];
	v13 =	vadd.f32 v7, v13  }
0xf2: {  	s9 =	simm.s32 $0x200;
	v12 =	vadd.f32 v12, v14;
	v7 =	vld [tilespmem:s14+$0x5360]  }
.LBB2_13:
0xf3: {  	s15 =	sshra.s32 s9, $0x2;
	p1 =	sne.s32 s9, $0x9E00;
	v13 =	vmax.f32 v13, $0.0e+00;
	v6 =	vadd.f32 v6, v11;
	v11 =	vld [tilespmem:s14+$0x5370]  }
0xf4: {  	v14 =	vld [tilespmem:s15+$0x300];
	[tilespmem:s14+$0x5300] =	vst v13;
	v12 =	vmax.f32 v12, $0.0e+00;
	v5 =	vadd.f32 v5, v10  }
0xf5: {  	v15 =	vld [tilespmem:s15+$0x310];
	[tilespmem:s14+$0x5310] =	vst v12;
	v10 =	vmax.f32 v6, $0.0e+00;
	v4 =	vadd.f32 v4, v9  }
0xf6: {  	v6 =	vld [tilespmem:s15+$0x320];
	[tilespmem:s14+$0x5320] =	vst v10;
	v9 =	vmax.f32 v5, $0.0e+00;
	v3 =	vadd.f32 v3, v8  }
0xf7: {  	v5 =	vld [tilespmem:s15+$0x330];
	[tilespmem:s14+$0x5330] =	vst v9;
	v8 =	vmax.f32 v4, $0.0e+00;
	v2 =	vadd.f32 v2, v7  }
0xf8: {  	v4 =	vld [tilespmem:s15+$0x340];
	[tilespmem:s14+$0x5340] =	vst v8;
	v7 =	vmax.f32 v3, $0.0e+00;
	v1 =	vadd.f32 v1, v11  }
0xf9: {  	v3 =	vld [tilespmem:s15+$0x350];
	[tilespmem:s14+$0x5350] =	vst v7;
	v7 =	vmax.f32 v2, $0.0e+00  }
0xfa: {  	v2 =	vld [tilespmem:s15+$0x360];
	[tilespmem:s14+$0x5360] =	vst v7;
	v7 =	vmax.f32 v1, $0.0e+00  }
0xfb: {  	v1 =	vld [tilespmem:s15+$0x370];
	[tilespmem:s14+$0x5370] =	vst v7;
	s14 =	smov.u32 s15  }
0xfc: {  	v7 =	vld [tilespmem:s14+$0x5300]  }
0xfd: {  	v12 =	vld [tilespmem:s14+$0x5310]  }
.Ltmp7:
0xfe: {  	v11 =	vld [tilespmem:s14+$0x5320];
	(pc) =	sbr.rel @p1 .LBB2_13-.Ltmp7, $4  }
0xff: {  	v10 =	vld [tilespmem:s14+$0x5330]  }
0x100: {  	v9 =	vld [tilespmem:s14+$0x5340]  }
0x101: {  	v13 =	vadd.f32 v14, v7;
	v8 =	vld [tilespmem:s14+$0x5350]  }
0x102: {  	s9 =	sadd.s32 $0x200, s9;
	v12 =	vadd.f32 v15, v12;
	v7 =	vld [tilespmem:s14+$0x5360]  }
0x103: {  	v13 =	vmax.f32 v13, $0.0e+00;
	v6 =	vadd.f32 v6, v11;
	v63 =	vld [tilespmem:s14+$0x5370]  }
0x104: {  	[tilespmem:s14+$0x5300] =	vst v13;
	v12 =	vmax.f32 v12, $0.0e+00;
	v5 =	vadd.f32 v5, v10  }
0x105: {  	[tilespmem:s14+$0x5310] =	vst v12;
	v6 =	vmax.f32 v6, $0.0e+00;
	v4 =	vadd.f32 v4, v9  }
0x106: {  	[tilespmem:s14+$0x5320] =	vst v6;
	v5 =	vmax.f32 v5, $0.0e+00;
	v3 =	vadd.f32 v3, v8  }
0x107: {  	[tilespmem:s14+$0x5330] =	vst v5;
	v4 =	vmax.f32 v4, $0.0e+00;
	v2 =	vadd.f32 v2, v7  }
0x108: {  	[tilespmem:s14+$0x5340] =	vst v4;
	v3 =	vmax.f32 v3, $0.0e+00;
	v1 =	vadd.f32 v1, v63  }
0x109: {  	[tilespmem:s14+$0x5350] =	vst v3;
	v2 =	vmax.f32 v2, $0.0e+00  }
0x10a: {  	[tilespmem:s14+$0x5360] =	vst v2;
	v1 =	vmax.f32 v1, $0.0e+00  }
0x10b: {  	[tilespmem:s14+$0x5370] =	vst v1  }
0x10c: {  	v1 =	vld [tilespmem:$0x100]  }
0x10d: {  	v2 =	vld [tilespmem:$0x110]  }
0x10e: {  	v3 =	vld [tilespmem:$0x120]  }
0x10f: {  	v4 =	vld [tilespmem:$0x130]  }
0x110: {  	v5 =	vld [tilespmem:$0x140]  }
0x111: {  	[tilespmem:$0x200] =	vst v1  }
0x112: {  	[tilespmem:$0x210] =	vst v2  }
0x113: {  	[tilespmem:$0x220] =	vst v3  }
0x114: {  	[tilespmem:$0x230] =	vst v4  }
0x115: {  	[tilespmem:$0x240] =	vst v5  }
0x116: {  	[spmem:s2] =	stream.indirect.scatter.add.f32 [tilespmem:s21], [sflag:$0x5], $0x80, s10, s26, $0xb8;
	[tilespmem:$0x1DB80] =	vst v63  }
0x117: {  	_ =	swait.ge [sflag:s12], $0x2800  }
0x118: {  	[sflag:s12] =	ssyncset.done $0x0  }
0x119: {  	[sflag:s12] =	ssyncadd.s32 $0xFFFFD800  }
0x11a: {  	[bflag:$0x0] =	sbarrier.arrive $0xFFFF  }
0x11b: {  	s14 =	rddreg [dreg:$0xc]  }
0x11c: {  	[tilespmem:s21], [sflag:$0x7] =	stream.linear.gather [spmem:s14], $0x2800, $0x38;
	[tilespmem:$0x1DB80] =	vst v63  }
0x11d: {  	_ =	swait.ge [sflag:s22], $0x2800  }
0x11e: {  	s18 =	rddreg [dreg:$0xd]  }
0x11f: {  	[sflag:s22] =	ssyncset.done $0x0;
	s9 =	sshrl.u32 s18, $0x3  }
.Ltmp8:
0x120: {  	[sflag:s22] =	ssyncadd.s32 $0xFFFFD800;
	s9 =	sadd.s32 s8, s9;
	(pc) =	sbr.rel @!p0 .LBB2_16-.Ltmp8, $4  }
0x121: {  	[hbm4b:s9+s3] =	stream.linear.scatter [tilespmem:s21], [sflag:$0x7], $0x2800, $0x38;
	[tilespmem:$0x1DB80] =	vst v63  }
0x122: {  	_ =	swait.ge [sflag:s22], $0x2800  }
0x123: {  	s20 =	rddreg [dreg:$0x4]  }
0x124: {  	[sflag:s22] =	ssyncset.done $0x0;
	s9 =	sadd.s32 $0xFFFFFFFF, s20  }
.LBB2_15:
0x125: {  	[sflag:s22] =	ssyncadd.s32 $0xFFFFD800;
	s14 =	sadd.s32 $0x28000, s14;
	s18 =	sadd.s32 $0x28000, s18  }
0x126: {  	[tilespmem:s21], [sflag:$0x7] =	stream.linear.gather [spmem:s14], $0x2800, $0x38;
	[tilespmem:$0x1DB80] =	vst v63  }
0x127: {  	p0 =	sne.s32 s9, $0x1;
	s9 =	sadd.s32 $0xFFFFFFFF, s9;
	_ =	swait.ge [sflag:s22], $0x2800  }
.Ltmp9:
0x128: {  	s15 =	sshrl.u32 s18, $0x3;
	[sflag:s22] =	ssyncset.done $0x0;
	(pc) =	sbr.rel @p0 .LBB2_15-.Ltmp9, $4  }
0x129: {  	s15 =	sadd.s32 s8, s15;
	[sflag:s22] =	ssyncadd.s32 $0xFFFFD800  }
0x12a: {  	[hbm4b:s15+s3] =	stream.linear.scatter [tilespmem:s21], [sflag:$0x7], $0x2800, $0x38;
	[tilespmem:$0x1DB80] =	vst v63  }
0x12b: {  	_ =	swait.ge [sflag:s22], $0x2800  }
0x12c: {  	[sflag:s22] =	ssyncset.done $0x0  }
.LBB2_16:
0x12d: {  	s14 =	rddreg [dreg:$0xe]  }
0x12e: {  	s9 =	rddreg [dreg:$0xb];
	s14 =	sadd.s32 $0x1, s14  }
0x12f: {  	p0 =	sne.s32 s14, s9  }
.Ltmp10:
0x130: {  	_ = 	snop;
	(pc) =	sbr.rel @p0 .LBB2_1-.Ltmp10, $2  }
0x131: {  	_ =	sdelay $0x2  }
0x132: {  	[sflag:s22] =	ssyncadd.s32 $0xFFFFD800  }
0x133: {  	_ =	sfence.sel $0x180000  }
0x134: {  	[bflag:$0x0] =	sbarrier.arrive $0xFFFF  }
0x135: {  	_ =	strace $0x90000047  }
0x136: {  	s0 =	stileid.u32;
	[bflag:$0x2] =	sbarrier.arrive $0xFFFF  }
0x137: {  	p0 =	sne.s32 s0, $0x0;
	s0 =	rddreg [dreg:$0x3]  }
0x138: {  	s0 =	sadd.s32 @!p0 $0x100000, s0  }
0x139: {  	[sflag:s0] =	ssyncadd.tile.s32 @!p0 $0x1;
	_ =	shalt  }
.Lfunc_end2:
_tile_overlayer_lowered:
.L_overlay_start_2:
0x13a: {  	(tag) =	ssettag $0x2  }
0x13b: {  	s0 =	rddreg [dreg:$0x0];
	s2 =	stileid.u32  }
0x13c: {  	s1 =	rddreg [dreg:$0x1];
	p0 =	sne.s32 s2, $0x0  }
0x13d: {  	s3 =	rddreg [dreg:$0x2];
	[bflag:$0x3] =	sbarrier.arrive $0xFFFF;
	s2 =	simm.s32 @!p0 $0x1C07  }
0x13e: {  	[timem:s3], [sflag:s2] =	dma.local @!p0 [hbm:s0], s1  }
0x13f: {  	s0 =	simm.s32 @!p0 $0x7  }
0x140: {  	_ =	swait.ge @!p0 [sflag:s0], s1  }
0x141: {  	s1 =	ssub.s32 @!p0 $0x0, s1;
	[sflag:s0] =	ssyncset.done @!p0 $0x0  }
0x142: {  	[sflag:s0] =	ssyncadd.s32 @!p0 s1  }
0x143: {  	[bflag:$0x3] =	sbarrier.arrive $0xFFFF  }
0x144: {  	_ =	shalt  }

</sc_bundles>
